<compile_context>
chip_gen: v7x
topology: tpu7x:2x2x1
jax: 0.10.2.dev20260603
libtpu: 0.0.44.dev20260713+nightly
codegen_flags: <defaults>
</compile_context>

<pallas_src>
import functools

import jax
import jax.numpy as jnp
from jax import lax
from jax.experimental import pallas as pl
from jax.experimental.pallas import tpu as pltpu
from jax.experimental.pallas import tpu_sc as plsc

N = 50000
E = 1600000
IN_DIM = 128
OUT_DIM = 32
NUM_LAYERS = 3

NC = 2
NS = 16
NW = NC * NS
EPW = E // NW
SUB = 125
RPC = 2
CHUNK = SUB * RPC
NCHUNKS = EPW // CHUNK
NPAIR = NCHUNKS // 2
EROWS = E // SUB
RPW = EPW // SUB
NPS = 3200
N_PAD = NS * NPS
DEGW = 32

_MESH = plsc.VectorSubcoreMesh(core_axis_name="c", subcore_axis_name="s")
_SC_PARAMS = pltpu.CompilerParams(use_tc_tiling_on_sc=False)

_ROW_BYTES = SUB * OUT_DIM * 4
_DEG_BYTES = SUB * DEGW * 4


@functools.partial(
    pl.kernel,
    out_type=jax.ShapeDtypeStruct((NC, N_PAD, OUT_DIM), jnp.float32),
    mesh=_MESH,
    compiler_params=_SC_PARAMS,
    scratch_types=[
        pltpu.VMEM((2, 1, CHUNK), jnp.int32),
        pltpu.VMEM((2, RPC, SUB), jnp.int32),
        pltpu.VMEM((2, CHUNK, OUT_DIM), jnp.float32),
        pltpu.VMEM_SHARED((N_PAD, OUT_DIM), jnp.float32),
        pltpu.SemaphoreType.DMA,
        pltpu.SemaphoreType.DMA,
        pltpu.SemaphoreType.DMA,
        pltpu.SemaphoreType.DMA,
    ],
)
def _sc_aggregate(h_hbm, srcf_hbm, dst_hbm, zeros_hbm, out_hbm,
                  src_v, dst_v, rows_v, acc_sh, gsem0, gsem1, ssem0, ssem1):
    c = lax.axis_index("c")
    s = lax.axis_index("s")
    wid = c * NS + s
    gsems = (gsem0, gsem1)
    ssems = (ssem0, ssem1)

    pltpu.sync_copy(zeros_hbm, acc_sh.at[pl.ds(s * NPS, NPS)])
    plsc.subcore_barrier()

    def pair_body(i, carry):
        gathers = []
        for b in range(2):
            base_row = wid * RPW + (2 * i + b) * RPC
            @pl.when(i > 0)
            def _(b=b):
                for j in range(RPC):
                    pltpu.make_async_copy(
                        zeros_hbm.at[pl.ds(0, SUB)],
                        rows_v.at[b, pl.ds(j * SUB, SUB)], ssems[b]).wait()
            pltpu.sync_copy(
                srcf_hbm.at[pl.ds(wid * NCHUNKS + 2 * i + b, 1)], src_v.at[b])
            pltpu.sync_copy(dst_hbm.at[pl.ds(base_row, RPC)], dst_v.at[b])
            gathers.append(pltpu.async_copy(
                h_hbm.at[src_v.at[b, 0]], rows_v.at[b], gsems[b]))
        for b in range(2):
            gathers[b].wait()
            for j in range(RPC):
                pltpu.async_copy(rows_v.at[b, pl.ds(j * SUB, SUB)],
                                 acc_sh.at[dst_v.at[b, j]], ssems[b],
                                 add=True)
        return carry

    lax.fori_loop(0, NPAIR, pair_body, 0)
    for b in range(2):
        for j in range(RPC):
            pltpu.make_async_copy(zeros_hbm.at[pl.ds(0, SUB)],
                                  rows_v.at[b, pl.ds(j * SUB, SUB)],
                                  ssems[b]).wait()
    plsc.subcore_barrier()

    pltpu.sync_copy(acc_sh.at[pl.ds(s * NPS, NPS)],
                    out_hbm.at[c, pl.ds(s * NPS, NPS)])


@functools.partial(
    pl.kernel,
    out_type=jax.ShapeDtypeStruct((NC, N_PAD, DEGW), jnp.float32),
    mesh=_MESH,
    compiler_params=_SC_PARAMS,
    scratch_types=[
        pltpu.VMEM((2, RPC, SUB), jnp.int32),
        pltpu.VMEM((SUB, DEGW), jnp.float32),
        pltpu.VMEM_SHARED((N_PAD, DEGW), jnp.float32),
        pltpu.SemaphoreType.DMA,
        pltpu.SemaphoreType.DMA,
    ],
)
def _sc_degree(dst_hbm, ones_hbm, zeros_hbm, out_hbm,
               dst_v, ones_v, acc_sh, ssem0, ssem1):
    c = lax.axis_index("c")
    s = lax.axis_index("s")
    wid = c * NS + s
    ssems = (ssem0, ssem1)

    pltpu.sync_copy(ones_hbm, ones_v)
    pltpu.sync_copy(zeros_hbm, acc_sh.at[pl.ds(s * NPS, NPS)])
    plsc.subcore_barrier()

    def pair_body(i, carry):
        for b in range(2):
            base_row = wid * RPW + (2 * i + b) * RPC
            @pl.when(i > 0)
            def _(b=b):
                for j in range(RPC):
                    pltpu.make_async_copy(ones_hbm, ones_v, ssems[b]).wait()
            pltpu.sync_copy(dst_hbm.at[pl.ds(base_row, RPC)], dst_v.at[b])
            for j in range(RPC):
                pltpu.async_copy(ones_v, acc_sh.at[dst_v.at[b, j]],
                                 ssems[b], add=True)
        return carry

    lax.fori_loop(0, NPAIR, pair_body, 0)
    for b in range(2):
        for j in range(RPC):
            pltpu.make_async_copy(ones_hbm, ones_v, ssems[b]).wait()
    plsc.subcore_barrier()

    pltpu.sync_copy(acc_sh.at[pl.ds(s * NPS, NPS)],
                    out_hbm.at[c, pl.ds(s * NPS, NPS)])


_BLK = 400
_PBLK = _BLK // 4
_PN = N * OUT_DIM // 128
_PCORE = N_PAD * OUT_DIM // 128


def _lin_in_body(x_ref, w_ref, b_ref, out_ref):
    out_ref[...] = jnp.dot(x_ref[...], w_ref[...],
                           preferred_element_type=jnp.float32) + b_ref[...]


def _lin_in(x, w_t, b):
    return pl.pallas_call(
        _lin_in_body,
        grid=(N // _BLK,),
        in_specs=[
            pl.BlockSpec((_BLK, IN_DIM), lambda i: (i, 0)),
            pl.BlockSpec((IN_DIM, OUT_DIM), lambda i: (0, 0)),
            pl.BlockSpec((1, OUT_DIM), lambda i: (0, 0)),
        ],
        out_specs=pl.BlockSpec((_BLK, OUT_DIM), lambda i: (i, 0)),
        out_shape=jax.ShapeDtypeStruct((N, OUT_DIM), jnp.float32),
    )(x, w_t, b)


def _combine_body(a0_ref, a1_ref, d0_ref, d1_ref, h_ref,
                  wl_ref, wr_ref, m_ref, bl_ref, g_ref, b_ref, out_ref):
    deg = jnp.maximum(d0_ref[0:_PN] + d1_ref[0:_PN], 1.0)
    aggr = (a0_ref[0:_PN] + a1_ref[0:_PN]) / deg
    h2 = (jnp.dot(aggr, wl_ref[...], preferred_element_type=jnp.float32)
          + jnp.dot(h_ref[...], wr_ref[...], preferred_element_type=jnp.float32)
          + bl_ref[...])
    h2 = jnp.maximum(h2, 0.0)
    mu = jnp.dot(h2, m_ref[...], preferred_element_type=jnp.float32)
    cen = h2 - mu
    var = jnp.dot(cen * cen, m_ref[...], preferred_element_type=jnp.float32)
    out_ref[...] = cen * lax.rsqrt(var + 1e-5) * g_ref[...] + b_ref[...]


def _combine(parts_p, degs_p, h_p, wl4, wr4, m4, bl4, g4, b4):
    p0_spec = pl.BlockSpec((_PCORE, 128), lambda i: (0, 0))
    p1_spec = pl.BlockSpec((_PCORE, 128), lambda i: (1, 0))
    h_spec = pl.BlockSpec((_PN, 128), lambda i: (0, 0))
    w_spec = pl.BlockSpec((128, 128), lambda i: (0, 0))
    par_spec = pl.BlockSpec((1, 128), lambda i: (0, 0))
    return pl.pallas_call(
        _combine_body,
        grid=(1,),
        in_specs=[
            p0_spec, p1_spec, p0_spec, p1_spec, h_spec,
            w_spec, w_spec, w_spec,
            par_spec, par_spec, par_spec,
        ],
        out_specs=h_spec,
        out_shape=jax.ShapeDtypeStruct((_PN, 128), jnp.float32),
    )(parts_p, parts_p, degs_p, degs_p, h_p, wl4, wr4, m4, bl4, g4, b4)


def kernel(x, edge_index, W_in, b_in, Wl, bl, Wr, gamma, beta):
    src_flat = edge_index[0].reshape(NW * NCHUNKS, CHUNK)
    dst_rows = edge_index[1].reshape(EROWS, SUB)

    zeros_slab = jnp.zeros((NPS, OUT_DIM), dtype=jnp.float32)
    ones_col = jnp.ones((SUB, DEGW), dtype=jnp.float32)
    eye4 = jnp.eye(4, dtype=jnp.float32)
    m4 = jnp.kron(eye4, jnp.full((OUT_DIM, OUT_DIM), 1.0 / OUT_DIM,
                                 dtype=jnp.float32))
    g4 = jnp.tile(gamma, 4).reshape(1, 128)
    b4 = jnp.tile(beta, 4).reshape(1, 128)

    h = _lin_in(x, W_in.T, b_in.reshape(1, OUT_DIM))

    degs = _sc_degree(dst_rows, ones_col, zeros_slab)
    degs_p = degs.reshape(2 * _PCORE, 128)

    for i in range(NUM_LAYERS):
        parts = _sc_aggregate(h, src_flat, dst_rows, zeros_slab)
        h_p = _combine(parts.reshape(2 * _PCORE, 128), degs_p,
                       h.reshape(_PN, 128),
                       jnp.kron(eye4, Wl[i].T), jnp.kron(eye4, Wr[i].T), m4,
                       jnp.tile(bl[i], 4).reshape(1, 128), g4, b4)
        h = h_p.reshape(N, OUT_DIM)
    return h

# --- scband reference (transcript-rebuilt; emitter-appended) ---
"""Pipeline reference for scband-dynamic-gnnv2-74036646248566 (READ-ONLY COPY).

The authoritative reference and input builder live on the scoring server;
editing this copy changes nothing except your own understanding.
"""

import jax, jax.numpy as jnp
import numpy as np

N = 50000
E = 1600000
IN_DIM = 128
OUT_DIM = 32
NUM_LAYERS = 3


def layer_norm(h, gamma, beta, eps=1e-5):
    mu = jnp.mean(h, axis=-1, keepdims=True)
    var = jnp.mean((h - mu) ** 2, axis=-1, keepdims=True)
    return (h - mu) / jnp.sqrt(var + eps) * gamma + beta


def setup_inputs(seed: int = 0) -> dict:
    key = jax.random.key(seed)
    ks = jax.random.split(key, 10)
    x = jax.random.normal(ks[0], (N, IN_DIM), dtype=jnp.float32)
    edge_index = jax.random.randint(ks[1], (2, E), 0, N, dtype=jnp.int32)
    # lin_in: Linear(IN_DIM, OUT_DIM)
    W_in = jax.random.normal(ks[2], (OUT_DIM, IN_DIM), dtype=jnp.float32) * (1.0 / np.sqrt(IN_DIM))
    b_in = jnp.zeros((OUT_DIM,), dtype=jnp.float32)
    # SAGEConv layers: lin_l (on aggregated neighbors, with bias), lin_r (root, no bias)
    Wl = jax.random.normal(ks[3], (NUM_LAYERS, OUT_DIM, OUT_DIM), dtype=jnp.float32) * (1.0 / np.sqrt(OUT_DIM))
    bl = jnp.zeros((NUM_LAYERS, OUT_DIM), dtype=jnp.float32)
    Wr = jax.random.normal(ks[4], (NUM_LAYERS, OUT_DIM, OUT_DIM), dtype=jnp.float32) * (1.0 / np.sqrt(OUT_DIM))
    # shared LayerNorm params
    gamma = jnp.ones((OUT_DIM,), dtype=jnp.float32)
    beta = jnp.zeros((OUT_DIM,), dtype=jnp.float32)
    return {"x": x, "edge_index": edge_index, "W_in": W_in, "b_in": b_in,
            "Wl": Wl, "bl": bl, "Wr": Wr, "gamma": gamma, "beta": beta}


def reference(x, edge_index, W_in, b_in, Wl, bl, Wr, gamma, beta):
    # lin_in
    h = x @ W_in.T + b_in
    src = edge_index[0]
    dst = edge_index[1]
    # in-degree for mean aggregation (clamped to >=1 like PyG mean aggr)
    deg = jnp.zeros((N,), dtype=jnp.float32).at[dst].add(1.0)
    deg = jnp.clip(deg, 1.0, None)
    for i in range(NUM_LAYERS):
        # SAGEConv with mean aggregation: out = lin_l(mean_{j in N(i)} h_j) + lin_r(h_i)
        msg = jnp.take(h, src, axis=0)
        aggr = jax.ops.segment_sum(msg, dst, num_segments=N) / deg[:, None]
        h2 = aggr @ Wl[i].T + bl[i] + h @ Wr[i].T
        h2 = jax.nn.relu(h2)
        h = layer_norm(h2, gamma, beta)
    return h

if __name__ == "__main__":
    import jax
    _d = setup_inputs()
    print(jax.jit(kernel)(*tuple(_d.values())))

</pallas_src>

<mosaic_0001>
#map = affine_map<(d0, d1) -> (0, 0)>
#map1 = affine_map<(d0, d1) -> (0, 0, 0)>
module attributes {stable_mosaic.version = 14 : i64} {
  func.func @_sc_aggregate(%arg0: i32, %arg1: i32, %arg2: memref<50000x32xf32, #tpu.memory_space<hbm>>, %arg3: memref<6400x250xi32, #tpu.memory_space<hbm>>, %arg4: memref<12800x125xi32, #tpu.memory_space<hbm>>, %arg5: memref<3200x32xf32, #tpu.memory_space<hbm>>, %arg6: memref<2x51200x32xf32, #tpu.memory_space<hbm>>, %arg7: memref<2x1x250xi32, #tpu.memory_space<vmem>>, %arg8: memref<2x2x125xi32, #tpu.memory_space<vmem>>, %arg9: memref<2x250x32xf32, #tpu.memory_space<vmem>>, %arg10: memref<51200x32xf32, #tpu.memory_space<vmem_shared>>, %arg11: memref<!tpu.dma_semaphore, #tpu.memory_space<semaphore_mem>>, %arg12: memref<!tpu.dma_semaphore, #tpu.memory_space<semaphore_mem>>, %arg13: memref<!tpu.dma_semaphore, #tpu.memory_space<semaphore_mem>>, %arg14: memref<!tpu.dma_semaphore, #tpu.memory_space<semaphore_mem>>) attributes {dimension_semantics = [#tpu.dimension_semantics<core_parallel>, #tpu.dimension_semantics<subcore_parallel>], iteration_bounds = array<i64: 2, 16>, scalar_prefetch = 0 : i64, scratch_operands = 8 : i64, tpu.core_type = #tpu.core_type<sc_vector_subcore>, window_params = [{transform_indices = #map}, {transform_indices = #map}, {transform_indices = #map}, {transform_indices = #map}, {transform_indices = #map1}]} {
    %mul3A = arith.constant 16 : i32
    %mul3A_0 = arith.muli %arg0, %mul3A : i32
    %add3A = arith.addi %mul3A_0, %arg1 : i32
    %mul3A_1 = arith.constant 3200 : i32
    %mul3A_2 = arith.muli %arg1, %mul3A_1 : i32
    "tpu.region"() ({
      %run_scoped3A = tpu.sem_alloc : memref<!tpu.dma_semaphore, #tpu.memory_space<semaphore_mem>>
      %dma_start3A = arith.constant 0 : i32
      %dma_start3A_72 = tpu.memref_slice %arg10[%mul3A_2, %dma_start3A] : memref<51200x32xf32, #tpu.memory_space<vmem_shared>> -> memref<3200x32xf32, #tpu.memory_space<vmem_shared>>
      tpu.enqueue_dma source(%arg5 : memref<3200x32xf32, #tpu.memory_space<hbm>>) target(%dma_start3A_72 : memref<3200x32xf32, #tpu.memory_space<vmem_shared>>) target_semaphore(%run_scoped3A : memref<!tpu.dma_semaphore, #tpu.memory_space<semaphore_mem>>)
      %dma_wait3A_73 = arith.constant 0 : i32
      %dma_wait3A_74 = tpu.memref_slice %arg10[%mul3A_2, %dma_wait3A_73] : memref<51200x32xf32, #tpu.memory_space<vmem_shared>> -> memref<3200x32xf32, #tpu.memory_space<vmem_shared>>
      tpu.wait_dma2 semaphore(%run_scoped3A : memref<!tpu.dma_semaphore, #tpu.memory_space<semaphore_mem>>) src(%arg5 : memref<3200x32xf32, #tpu.memory_space<hbm>>) dst(%dma_wait3A_74 : memref<3200x32xf32, #tpu.memory_space<vmem_shared>>)
      tpu.yield
    }) : () -> ()
    %barrier3A = arith.constant 0 : index
    tpu.barrier barrier_id(%barrier3A)
    %scan3A = arith.constant 0 : i32
    %scan3A_3 = arith.constant 0 : i32
    %scan3A_4 = arith.constant 100 : i32
    %scan3A_5 = arith.addi %scan3A_3, %scan3A_4 : i32
    %scan3A_6 = arith.constant 1 : i32
    scf.for %scan3A_72 = %scan3A_3 to %scan3A_5 step %scan3A_6  : i32 {
      %mul3A_73 = arith.constant 400 : i32
      %mul3A_74 = arith.muli %add3A, %mul3A_73 : i32
      %mul3A_75 = arith.constant 2 : i32
      %mul3A_76 = arith.muli %mul3A_75, %scan3A_72 : i32
      %add3A_77 = arith.constant 0 : i32
      %add3A_78 = arith.addi %mul3A_76, %add3A_77 : i32
      %mul3A_79 = arith.constant 2 : i32
      %mul3A_80 = arith.muli %add3A_78, %mul3A_79 : i32
      %add3A_81 = arith.addi %mul3A_74, %mul3A_80 : i32
      %gt3A = arith.constant 0 : i32
      %gt3A_82 = arith.cmpi sgt, %scan3A_72, %gt3A : i32
      %convert_element_type3A = arith.extui %gt3A_82 : i1 to i32
      %cond3A = arith.constant 0 : i32
      %cond3A_83 = arith.cmpi ne, %convert_element_type3A, %cond3A : i32
      scf.if %cond3A_83 {
        %dma_wait3A_218 = arith.constant 0 : i32
        %dma_wait3A_219 = arith.constant 0 : i32
        %dma_wait3A_220 = arith.constant 0 : i32
        %dma_wait3A_221 = tpu.memref_slice %arg9[%dma_wait3A_218, %dma_wait3A_219, %dma_wait3A_220] : memref<2x250x32xf32, #tpu.memory_space<vmem>> -> memref<1x125x32xf32, #tpu.memory_space<vmem>>
        %dma_wait3A_222 = tpu.memref_squeeze %dma_wait3A_221 : memref<1x125x32xf32, #tpu.memory_space<vmem>> -> memref<125x32xf32, #tpu.memory_space<vmem>>
        %dma_wait3A_223 = arith.constant 0 : i32
        %dma_wait3A_224 = arith.constant 0 : i32
        %dma_wait3A_225 = tpu.memref_slice %arg5[%dma_wait3A_223, %dma_wait3A_224] : memref<3200x32xf32, #tpu.memory_space<hbm>> -> memref<125x32xf32, #tpu.memory_space<hbm>>
        %dma_wait3A_226 = arith.constant 0 : i32
        %dma_wait3A_227 = arith.constant 0 : i32
        %dma_wait3A_228 = tpu.memref_slice %arg9[%dma_wait3A_218, %dma_wait3A_226, %dma_wait3A_227] : memref<2x250x32xf32, #tpu.memory_space<vmem>> -> memref<1x125x32xf32, #tpu.memory_space<vmem>>
        %dma_wait3A_229 = tpu.memref_squeeze %dma_wait3A_228 : memref<1x125x32xf32, #tpu.memory_space<vmem>> -> memref<125x32xf32, #tpu.memory_space<vmem>>
        %dma_wait3A_230 = arith.constant 0 : i32
        %dma_wait3A_231 = arith.constant 0 : i32
        %dma_wait3A_232 = tpu.memref_slice %arg5[%dma_wait3A_230, %dma_wait3A_231] : memref<3200x32xf32, #tpu.memory_space<hbm>> -> memref<125x32xf32, #tpu.memory_space<hbm>>
        tpu.wait_dma2 semaphore(%arg13 : memref<!tpu.dma_semaphore, #tpu.memory_space<semaphore_mem>>) src(%dma_wait3A_232 : memref<125x32xf32, #tpu.memory_space<hbm>>) dst(%dma_wait3A_229 : memref<125x32xf32, #tpu.memory_space<vmem>>)
        %dma_wait3A_233 = arith.constant 0 : i32
        %dma_wait3A_234 = arith.constant 125 : i32
        %dma_wait3A_235 = arith.constant 0 : i32
        %dma_wait3A_236 = tpu.memref_slice %arg9[%dma_wait3A_233, %dma_wait3A_234, %dma_wait3A_235] : memref<2x250x32xf32, #tpu.memory_space<vmem>> -> memref<1x125x32xf32, #tpu.memory_space<vmem>>
        %dma_wait3A_237 = tpu.memref_squeeze %dma_wait3A_236 : memref<1x125x32xf32, #tpu.memory_space<vmem>> -> memref<125x32xf32, #tpu.memory_space<vmem>>
        %dma_wait3A_238 = arith.constant 0 : i32
        %dma_wait3A_239 = arith.constant 0 : i32
        %dma_wait3A_240 = tpu.memref_slice %arg5[%dma_wait3A_238, %dma_wait3A_239] : memref<3200x32xf32, #tpu.memory_space<hbm>> -> memref<125x32xf32, #tpu.memory_space<hbm>>
        %dma_wait3A_241 = arith.constant 125 : i32
        %dma_wait3A_242 = arith.constant 0 : i32
        %dma_wait3A_243 = tpu.memref_slice %arg9[%dma_wait3A_233, %dma_wait3A_241, %dma_wait3A_242] : memref<2x250x32xf32, #tpu.memory_space<vmem>> -> memref<1x125x32xf32, #tpu.memory_space<vmem>>
        %dma_wait3A_244 = tpu.memref_squeeze %dma_wait3A_243 : memref<1x125x32xf32, #tpu.memory_space<vmem>> -> memref<125x32xf32, #tpu.memory_space<vmem>>
        %dma_wait3A_245 = arith.constant 0 : i32
        %dma_wait3A_246 = arith.constant 0 : i32
        %dma_wait3A_247 = tpu.memref_slice %arg5[%dma_wait3A_245, %dma_wait3A_246] : memref<3200x32xf32, #tpu.memory_space<hbm>> -> memref<125x32xf32, #tpu.memory_space<hbm>>
        tpu.wait_dma2 semaphore(%arg13 : memref<!tpu.dma_semaphore, #tpu.memory_space<semaphore_mem>>) src(%dma_wait3A_247 : memref<125x32xf32, #tpu.memory_space<hbm>>) dst(%dma_wait3A_244 : memref<125x32xf32, #tpu.memory_space<vmem>>)
      } else {
      }
      %mul3A_84 = arith.constant 200 : i32
      %mul3A_85 = arith.muli %add3A, %mul3A_84 : i32
      %mul3A_86 = arith.constant 2 : i32
      %mul3A_87 = arith.muli %mul3A_86, %scan3A_72 : i32
      %add3A_88 = arith.addi %mul3A_85, %mul3A_87 : i32
      %add3A_89 = arith.constant 0 : i32
      %add3A_90 = arith.addi %add3A_88, %add3A_89 : i32
      %run_scoped3A = arith.constant 0 : i32
      "tpu.region"() ({
        %run_scoped3A_218 = tpu.sem_alloc : memref<!tpu.dma_semaphore, #tpu.memory_space<semaphore_mem>>
        %dma_start3A_219 = arith.constant 0 : i32
        %dma_start3A_220 = arith.constant 0 : i32
        %dma_start3A_221 = tpu.memref_slice %arg7[%run_scoped3A, %dma_start3A_219, %dma_start3A_220] : memref<2x1x250xi32, #tpu.memory_space<vmem>> -> memref<1x1x250xi32, #tpu.memory_space<vmem>>
        %dma_start3A_222 = tpu.memref_squeeze %dma_start3A_221 : memref<1x1x250xi32, #tpu.memory_space<vmem>> -> memref<1x250xi32, #tpu.memory_space<vmem>>
        %dma_start3A_223 = arith.constant 0 : i32
        %dma_start3A_224 = tpu.memref_slice %arg3[%add3A_90, %dma_start3A_223] : memref<6400x250xi32, #tpu.memory_space<hbm>> -> memref<1x250xi32, #tpu.memory_space<hbm>>
        %dma_start3A_225 = arith.constant 0 : i32
        %dma_start3A_226 = arith.constant 0 : i32
        %dma_start3A_227 = tpu.memref_slice %arg7[%run_scoped3A, %dma_start3A_225, %dma_start3A_226] : memref<2x1x250xi32, #tpu.memory_space<vmem>> -> memref<1x1x250xi32, #tpu.memory_space<vmem>>
        %dma_start3A_228 = tpu.memref_squeeze %dma_start3A_227 : memref<1x1x250xi32, #tpu.memory_space<vmem>> -> memref<1x250xi32, #tpu.memory_space<vmem>>
        %dma_start3A_229 = arith.constant 0 : i32
        %dma_start3A_230 = tpu.memref_slice %arg3[%add3A_90, %dma_start3A_229] : memref<6400x250xi32, #tpu.memory_space<hbm>> -> memref<1x250xi32, #tpu.memory_space<hbm>>
        tpu.enqueue_dma source(%dma_start3A_230 : memref<1x250xi32, #tpu.memory_space<hbm>>) target(%dma_start3A_228 : memref<1x250xi32, #tpu.memory_space<vmem>>) target_semaphore(%run_scoped3A_218 : memref<!tpu.dma_semaphore, #tpu.memory_space<semaphore_mem>>)
        %dma_wait3A_231 = arith.constant 0 : i32
        %dma_wait3A_232 = arith.constant 0 : i32
        %dma_wait3A_233 = tpu.memref_slice %arg7[%run_scoped3A, %dma_wait3A_231, %dma_wait3A_232] : memref<2x1x250xi32, #tpu.memory_space<vmem>> -> memref<1x1x250xi32, #tpu.memory_space<vmem>>
        %dma_wait3A_234 = tpu.memref_squeeze %dma_wait3A_233 : memref<1x1x250xi32, #tpu.memory_space<vmem>> -> memref<1x250xi32, #tpu.memory_space<vmem>>
        %dma_wait3A_235 = arith.constant 0 : i32
        %dma_wait3A_236 = tpu.memref_slice %arg3[%add3A_90, %dma_wait3A_235] : memref<6400x250xi32, #tpu.memory_space<hbm>> -> memref<1x250xi32, #tpu.memory_space<hbm>>
        %dma_wait3A_237 = arith.constant 0 : i32
        %dma_wait3A_238 = arith.constant 0 : i32
        %dma_wait3A_239 = tpu.memref_slice %arg7[%run_scoped3A, %dma_wait3A_237, %dma_wait3A_238] : memref<2x1x250xi32, #tpu.memory_space<vmem>> -> memref<1x1x250xi32, #tpu.memory_space<vmem>>
        %dma_wait3A_240 = tpu.memref_squeeze %dma_wait3A_239 : memref<1x1x250xi32, #tpu.memory_space<vmem>> -> memref<1x250xi32, #tpu.memory_space<vmem>>
        %dma_wait3A_241 = arith.constant 0 : i32
        %dma_wait3A_242 = tpu.memref_slice %arg3[%add3A_90, %dma_wait3A_241] : memref<6400x250xi32, #tpu.memory_space<hbm>> -> memref<1x250xi32, #tpu.memory_space<hbm>>
        tpu.wait_dma2 semaphore(%run_scoped3A_218 : memref<!tpu.dma_semaphore, #tpu.memory_space<semaphore_mem>>) src(%dma_wait3A_242 : memref<1x250xi32, #tpu.memory_space<hbm>>) dst(%dma_wait3A_240 : memref<1x250xi32, #tpu.memory_space<vmem>>)
        tpu.yield
      }) : () -> ()
      %run_scoped3A_91 = arith.constant 0 : i32
      "tpu.region"() ({
        %run_scoped3A_218 = tpu.sem_alloc : memref<!tpu.dma_semaphore, #tpu.memory_space<semaphore_mem>>
        %dma_start3A_219 = arith.constant 0 : i32
        %dma_start3A_220 = arith.constant 0 : i32
        %dma_start3A_221 = tpu.memref_slice %arg8[%run_scoped3A_91, %dma_start3A_219, %dma_start3A_220] : memref<2x2x125xi32, #tpu.memory_space<vmem>> -> memref<1x2x125xi32, #tpu.memory_space<vmem>>
        %dma_start3A_222 = tpu.memref_squeeze %dma_start3A_221 : memref<1x2x125xi32, #tpu.memory_space<vmem>> -> memref<2x125xi32, #tpu.memory_space<vmem>>
        %dma_start3A_223 = arith.constant 0 : i32
        %dma_start3A_224 = tpu.memref_slice %arg4[%add3A_81, %dma_start3A_223] : memref<12800x125xi32, #tpu.memory_space<hbm>> -> memref<2x125xi32, #tpu.memory_space<hbm>>
        %dma_start3A_225 = arith.constant 0 : i32
        %dma_start3A_226 = arith.constant 0 : i32
        %dma_start3A_227 = tpu.memref_slice %arg8[%run_scoped3A_91, %dma_start3A_225, %dma_start3A_226] : memref<2x2x125xi32, #tpu.memory_space<vmem>> -> memref<1x2x125xi32, #tpu.memory_space<vmem>>
        %dma_start3A_228 = tpu.memref_squeeze %dma_start3A_227 : memref<1x2x125xi32, #tpu.memory_space<vmem>> -> memref<2x125xi32, #tpu.memory_space<vmem>>
        %dma_start3A_229 = arith.constant 0 : i32
        %dma_start3A_230 = tpu.memref_slice %arg4[%add3A_81, %dma_start3A_229] : memref<12800x125xi32, #tpu.memory_space<hbm>> -> memref<2x125xi32, #tpu.memory_space<hbm>>
        tpu.enqueue_dma source(%dma_start3A_230 : memref<2x125xi32, #tpu.memory_space<hbm>>) target(%dma_start3A_228 : memref<2x125xi32, #tpu.memory_space<vmem>>) target_semaphore(%run_scoped3A_218 : memref<!tpu.dma_semaphore, #tpu.memory_space<semaphore_mem>>)
        %dma_wait3A_231 = arith.constant 0 : i32
        %dma_wait3A_232 = arith.constant 0 : i32
        %dma_wait3A_233 = tpu.memref_slice %arg8[%run_scoped3A_91, %dma_wait3A_231, %dma_wait3A_232] : memref<2x2x125xi32, #tpu.memory_space<vmem>> -> memref<1x2x125xi32, #tpu.memory_space<vmem>>
        %dma_wait3A_234 = tpu.memref_squeeze %dma_wait3A_233 : memref<1x2x125xi32, #tpu.memory_space<vmem>> -> memref<2x125xi32, #tpu.memory_space<vmem>>
        %dma_wait3A_235 = arith.constant 0 : i32
        %dma_wait3A_236 = tpu.memref_slice %arg4[%add3A_81, %dma_wait3A_235] : memref<12800x125xi32, #tpu.memory_space<hbm>> -> memref<2x125xi32, #tpu.memory_space<hbm>>
        %dma_wait3A_237 = arith.constant 0 : i32
        %dma_wait3A_238 = arith.constant 0 : i32
        %dma_wait3A_239 = tpu.memref_slice %arg8[%run_scoped3A_91, %dma_wait3A_237, %dma_wait3A_238] : memref<2x2x125xi32, #tpu.memory_space<vmem>> -> memref<1x2x125xi32, #tpu.memory_space<vmem>>
        %dma_wait3A_240 = tpu.memref_squeeze %dma_wait3A_239 : memref<1x2x125xi32, #tpu.memory_space<vmem>> -> memref<2x125xi32, #tpu.memory_space<vmem>>
        %dma_wait3A_241 = arith.constant 0 : i32
        %dma_wait3A_242 = tpu.memref_slice %arg4[%add3A_81, %dma_wait3A_241] : memref<12800x125xi32, #tpu.memory_space<hbm>> -> memref<2x125xi32, #tpu.memory_space<hbm>>
        tpu.wait_dma2 semaphore(%run_scoped3A_218 : memref<!tpu.dma_semaphore, #tpu.memory_space<semaphore_mem>>) src(%dma_wait3A_242 : memref<2x125xi32, #tpu.memory_space<hbm>>) dst(%dma_wait3A_240 : memref<2x125xi32, #tpu.memory_space<vmem>>)
        tpu.yield
      }) : () -> ()
      %dma_start3A = arith.constant 0 : i32
      %dma_start3A_92 = arith.constant 0 : i32
      %dma_start3A_93 = arith.constant 0 : i32
      %dma_start3A_94 = arith.constant 0 : i32
      %dma_start3A_95 = arith.constant 0 : i32
      %dma_start3A_96 = tpu.memref_slice %arg9[%dma_start3A_93, %dma_start3A_94, %dma_start3A_95] : memref<2x250x32xf32, #tpu.memory_space<vmem>> -> memref<1x250x32xf32, #tpu.memory_space<vmem>>
      %dma_start3A_97 = tpu.memref_squeeze %dma_start3A_96 : memref<1x250x32xf32, #tpu.memory_space<vmem>> -> memref<250x32xf32, #tpu.memory_space<vmem>>
      %dma_start3A_98 = arith.constant 0 : i32
      %dma_start3A_99 = tpu.memref_slice %arg7[%dma_start3A, %dma_start3A_92, %dma_start3A_98] : memref<2x1x250xi32, #tpu.memory_space<vmem>> -> memref<1x1x250xi32, #tpu.memory_space<vmem>>
      %dma_start3A_100 = tpu.memref_squeeze %dma_start3A_99 : memref<1x1x250xi32, #tpu.memory_space<vmem>> -> memref<250xi32, #tpu.memory_space<vmem>>
      %dma_start3A_101 = arith.constant 0 : i32
      %dma_start3A_102 = arith.constant 0 : i32
      %dma_start3A_103 = tpu.memref_slice %arg2[%dma_start3A_101, %dma_start3A_102] : memref<50000x32xf32, #tpu.memory_space<hbm>> -> memref<50000x32xf32, #tpu.memory_space<hbm>>
      tpu.enqueue_indirect_dma source(%dma_start3A_103 : memref<50000x32xf32, #tpu.memory_space<hbm>>) target(%dma_start3A_97 : memref<250x32xf32, #tpu.memory_space<vmem>>) offsets(%dma_start3A_100 : memref<250xi32, #tpu.memory_space<vmem>>) semaphore(%arg11 : memref<!tpu.dma_semaphore, #tpu.memory_space<semaphore_mem>>)
      %mul3A_104 = arith.constant 400 : i32
      %mul3A_105 = arith.muli %add3A, %mul3A_104 : i32
      %mul3A_106 = arith.constant 2 : i32
      %mul3A_107 = arith.muli %mul3A_106, %scan3A_72 : i32
      %add3A_108 = arith.constant 1 : i32
      %add3A_109 = arith.addi %mul3A_107, %add3A_108 : i32
      %mul3A_110 = arith.constant 2 : i32
      %mul3A_111 = arith.muli %add3A_109, %mul3A_110 : i32
      %add3A_112 = arith.addi %mul3A_105, %mul3A_111 : i32
      %gt3A_113 = arith.constant 0 : i32
      %gt3A_114 = arith.cmpi sgt, %scan3A_72, %gt3A_113 : i32
      %convert_element_type3A_115 = arith.extui %gt3A_114 : i1 to i32
      %cond3A_116 = arith.constant 0 : i32
      %cond3A_117 = arith.cmpi ne, %convert_element_type3A_115, %cond3A_116 : i32
      scf.if %cond3A_117 {
        %dma_wait3A_218 = arith.constant 1 : i32
        %dma_wait3A_219 = arith.constant 0 : i32
        %dma_wait3A_220 = arith.constant 0 : i32
        %dma_wait3A_221 = tpu.memref_slice %arg9[%dma_wait3A_218, %dma_wait3A_219, %dma_wait3A_220] : memref<2x250x32xf32, #tpu.memory_space<vmem>> -> memref<1x125x32xf32, #tpu.memory_space<vmem>>
        %dma_wait3A_222 = tpu.memref_squeeze %dma_wait3A_221 : memref<1x125x32xf32, #tpu.memory_space<vmem>> -> memref<125x32xf32, #tpu.memory_space<vmem>>
        %dma_wait3A_223 = arith.constant 0 : i32
        %dma_wait3A_224 = arith.constant 0 : i32
        %dma_wait3A_225 = tpu.memref_slice %arg5[%dma_wait3A_223, %dma_wait3A_224] : memref<3200x32xf32, #tpu.memory_space<hbm>> -> memref<125x32xf32, #tpu.memory_space<hbm>>
        %dma_wait3A_226 = arith.constant 0 : i32
        %dma_wait3A_227 = arith.constant 0 : i32
        %dma_wait3A_228 = tpu.memref_slice %arg9[%dma_wait3A_218, %dma_wait3A_226, %dma_wait3A_227] : memref<2x250x32xf32, #tpu.memory_space<vmem>> -> memref<1x125x32xf32, #tpu.memory_space<vmem>>
        %dma_wait3A_229 = tpu.memref_squeeze %dma_wait3A_228 : memref<1x125x32xf32, #tpu.memory_space<vmem>> -> memref<125x32xf32, #tpu.memory_space<vmem>>
        %dma_wait3A_230 = arith.constant 0 : i32
        %dma_wait3A_231 = arith.constant 0 : i32
        %dma_wait3A_232 = tpu.memref_slice %arg5[%dma_wait3A_230, %dma_wait3A_231] : memref<3200x32xf32, #tpu.memory_space<hbm>> -> memref<125x32xf32, #tpu.memory_space<hbm>>
        tpu.wait_dma2 semaphore(%arg14 : memref<!tpu.dma_semaphore, #tpu.memory_space<semaphore_mem>>) src(%dma_wait3A_232 : memref<125x32xf32, #tpu.memory_space<hbm>>) dst(%dma_wait3A_229 : memref<125x32xf32, #tpu.memory_space<vmem>>)
        %dma_wait3A_233 = arith.constant 1 : i32
        %dma_wait3A_234 = arith.constant 125 : i32
        %dma_wait3A_235 = arith.constant 0 : i32
        %dma_wait3A_236 = tpu.memref_slice %arg9[%dma_wait3A_233, %dma_wait3A_234, %dma_wait3A_235] : memref<2x250x32xf32, #tpu.memory_space<vmem>> -> memref<1x125x32xf32, #tpu.memory_space<vmem>>
        %dma_wait3A_237 = tpu.memref_squeeze %dma_wait3A_236 : memref<1x125x32xf32, #tpu.memory_space<vmem>> -> memref<125x32xf32, #tpu.memory_space<vmem>>
        %dma_wait3A_238 = arith.constant 0 : i32
        %dma_wait3A_239 = arith.constant 0 : i32
        %dma_wait3A_240 = tpu.memref_slice %arg5[%dma_wait3A_238, %dma_wait3A_239] : memref<3200x32xf32, #tpu.memory_space<hbm>> -> memref<125x32xf32, #tpu.memory_space<hbm>>
        %dma_wait3A_241 = arith.constant 125 : i32
        %dma_wait3A_242 = arith.constant 0 : i32
        %dma_wait3A_243 = tpu.memref_slice %arg9[%dma_wait3A_233, %dma_wait3A_241, %dma_wait3A_242] : memref<2x250x32xf32, #tpu.memory_space<vmem>> -> memref<1x125x32xf32, #tpu.memory_space<vmem>>
        %dma_wait3A_244 = tpu.memref_squeeze %dma_wait3A_243 : memref<1x125x32xf32, #tpu.memory_space<vmem>> -> memref<125x32xf32, #tpu.memory_space<vmem>>
        %dma_wait3A_245 = arith.constant 0 : i32
        %dma_wait3A_246 = arith.constant 0 : i32
        %dma_wait3A_247 = tpu.memref_slice %arg5[%dma_wait3A_245, %dma_wait3A_246] : memref<3200x32xf32, #tpu.memory_space<hbm>> -> memref<125x32xf32, #tpu.memory_space<hbm>>
        tpu.wait_dma2 semaphore(%arg14 : memref<!tpu.dma_semaphore, #tpu.memory_space<semaphore_mem>>) src(%dma_wait3A_247 : memref<125x32xf32, #tpu.memory_space<hbm>>) dst(%dma_wait3A_244 : memref<125x32xf32, #tpu.memory_space<vmem>>)
      } else {
      }
      %mul3A_118 = arith.constant 200 : i32
      %mul3A_119 = arith.muli %add3A, %mul3A_118 : i32
      %mul3A_120 = arith.constant 2 : i32
      %mul3A_121 = arith.muli %mul3A_120, %scan3A_72 : i32
      %add3A_122 = arith.addi %mul3A_119, %mul3A_121 : i32
      %add3A_123 = arith.constant 1 : i32
      %add3A_124 = arith.addi %add3A_122, %add3A_123 : i32
      %run_scoped3A_125 = arith.constant 1 : i32
      "tpu.region"() ({
        %run_scoped3A_218 = tpu.sem_alloc : memref<!tpu.dma_semaphore, #tpu.memory_space<semaphore_mem>>
        %dma_start3A_219 = arith.constant 0 : i32
        %dma_start3A_220 = arith.constant 0 : i32
        %dma_start3A_221 = tpu.memref_slice %arg7[%run_scoped3A_125, %dma_start3A_219, %dma_start3A_220] : memref<2x1x250xi32, #tpu.memory_space<vmem>> -> memref<1x1x250xi32, #tpu.memory_space<vmem>>
        %dma_start3A_222 = tpu.memref_squeeze %dma_start3A_221 : memref<1x1x250xi32, #tpu.memory_space<vmem>> -> memref<1x250xi32, #tpu.memory_space<vmem>>
        %dma_start3A_223 = arith.constant 0 : i32
        %dma_start3A_224 = tpu.memref_slice %arg3[%add3A_124, %dma_start3A_223] : memref<6400x250xi32, #tpu.memory_space<hbm>> -> memref<1x250xi32, #tpu.memory_space<hbm>>
        %dma_start3A_225 = arith.constant 0 : i32
        %dma_start3A_226 = arith.constant 0 : i32
        %dma_start3A_227 = tpu.memref_slice %arg7[%run_scoped3A_125, %dma_start3A_225, %dma_start3A_226] : memref<2x1x250xi32, #tpu.memory_space<vmem>> -> memref<1x1x250xi32, #tpu.memory_space<vmem>>
        %dma_start3A_228 = tpu.memref_squeeze %dma_start3A_227 : memref<1x1x250xi32, #tpu.memory_space<vmem>> -> memref<1x250xi32, #tpu.memory_space<vmem>>
        %dma_start3A_229 = arith.constant 0 : i32
        %dma_start3A_230 = tpu.memref_slice %arg3[%add3A_124, %dma_start3A_229] : memref<6400x250xi32, #tpu.memory_space<hbm>> -> memref<1x250xi32, #tpu.memory_space<hbm>>
        tpu.enqueue_dma source(%dma_start3A_230 : memref<1x250xi32, #tpu.memory_space<hbm>>) target(%dma_start3A_228 : memref<1x250xi32, #tpu.memory_space<vmem>>) target_semaphore(%run_scoped3A_218 : memref<!tpu.dma_semaphore, #tpu.memory_space<semaphore_mem>>)
        %dma_wait3A_231 = arith.constant 0 : i32
        %dma_wait3A_232 = arith.constant 0 : i32
        %dma_wait3A_233 = tpu.memref_slice %arg7[%run_scoped3A_125, %dma_wait3A_231, %dma_wait3A_232] : memref<2x1x250xi32, #tpu.memory_space<vmem>> -> memref<1x1x250xi32, #tpu.memory_space<vmem>>
        %dma_wait3A_234 = tpu.memref_squeeze %dma_wait3A_233 : memref<1x1x250xi32, #tpu.memory_space<vmem>> -> memref<1x250xi32, #tpu.memory_space<vmem>>
        %dma_wait3A_235 = arith.constant 0 : i32
        %dma_wait3A_236 = tpu.memref_slice %arg3[%add3A_124, %dma_wait3A_235] : memref<6400x250xi32, #tpu.memory_space<hbm>> -> memref<1x250xi32, #tpu.memory_space<hbm>>
        %dma_wait3A_237 = arith.constant 0 : i32
        %dma_wait3A_238 = arith.constant 0 : i32
        %dma_wait3A_239 = tpu.memref_slice %arg7[%run_scoped3A_125, %dma_wait3A_237, %dma_wait3A_238] : memref<2x1x250xi32, #tpu.memory_space<vmem>> -> memref<1x1x250xi32, #tpu.memory_space<vmem>>
        %dma_wait3A_240 = tpu.memref_squeeze %dma_wait3A_239 : memref<1x1x250xi32, #tpu.memory_space<vmem>> -> memref<1x250xi32, #tpu.memory_space<vmem>>
        %dma_wait3A_241 = arith.constant 0 : i32
        %dma_wait3A_242 = tpu.memref_slice %arg3[%add3A_124, %dma_wait3A_241] : memref<6400x250xi32, #tpu.memory_space<hbm>> -> memref<1x250xi32, #tpu.memory_space<hbm>>
        tpu.wait_dma2 semaphore(%run_scoped3A_218 : memref<!tpu.dma_semaphore, #tpu.memory_space<semaphore_mem>>) src(%dma_wait3A_242 : memref<1x250xi32, #tpu.memory_space<hbm>>) dst(%dma_wait3A_240 : memref<1x250xi32, #tpu.memory_space<vmem>>)
        tpu.yield
      }) : () -> ()
      %run_scoped3A_126 = arith.constant 1 : i32
      "tpu.region"() ({
        %run_scoped3A_218 = tpu.sem_alloc : memref<!tpu.dma_semaphore, #tpu.memory_space<semaphore_mem>>
        %dma_start3A_219 = arith.constant 0 : i32
        %dma_start3A_220 = arith.constant 0 : i32
        %dma_start3A_221 = tpu.memref_slice %arg8[%run_scoped3A_126, %dma_start3A_219, %dma_start3A_220] : memref<2x2x125xi32, #tpu.memory_space<vmem>> -> memref<1x2x125xi32, #tpu.memory_space<vmem>>
        %dma_start3A_222 = tpu.memref_squeeze %dma_start3A_221 : memref<1x2x125xi32, #tpu.memory_space<vmem>> -> memref<2x125xi32, #tpu.memory_space<vmem>>
        %dma_start3A_223 = arith.constant 0 : i32
        %dma_start3A_224 = tpu.memref_slice %arg4[%add3A_112, %dma_start3A_223] : memref<12800x125xi32, #tpu.memory_space<hbm>> -> memref<2x125xi32, #tpu.memory_space<hbm>>
        %dma_start3A_225 = arith.constant 0 : i32
        %dma_start3A_226 = arith.constant 0 : i32
        %dma_start3A_227 = tpu.memref_slice %arg8[%run_scoped3A_126, %dma_start3A_225, %dma_start3A_226] : memref<2x2x125xi32, #tpu.memory_space<vmem>> -> memref<1x2x125xi32, #tpu.memory_space<vmem>>
        %dma_start3A_228 = tpu.memref_squeeze %dma_start3A_227 : memref<1x2x125xi32, #tpu.memory_space<vmem>> -> memref<2x125xi32, #tpu.memory_space<vmem>>
        %dma_start3A_229 = arith.constant 0 : i32
        %dma_start3A_230 = tpu.memref_slice %arg4[%add3A_112, %dma_start3A_229] : memref<12800x125xi32, #tpu.memory_space<hbm>> -> memref<2x125xi32, #tpu.memory_space<hbm>>
        tpu.enqueue_dma source(%dma_start3A_230 : memref<2x125xi32, #tpu.memory_space<hbm>>) target(%dma_start3A_228 : memref<2x125xi32, #tpu.memory_space<vmem>>) target_semaphore(%run_scoped3A_218 : memref<!tpu.dma_semaphore, #tpu.memory_space<semaphore_mem>>)
        %dma_wait3A_231 = arith.constant 0 : i32
        %dma_wait3A_232 = arith.constant 0 : i32
        %dma_wait3A_233 = tpu.memref_slice %arg8[%run_scoped3A_126, %dma_wait3A_231, %dma_wait3A_232] : memref<2x2x125xi32, #tpu.memory_space<vmem>> -> memref<1x2x125xi32, #tpu.memory_space<vmem>>
        %dma_wait3A_234 = tpu.memref_squeeze %dma_wait3A_233 : memref<1x2x125xi32, #tpu.memory_space<vmem>> -> memref<2x125xi32, #tpu.memory_space<vmem>>
        %dma_wait3A_235 = arith.constant 0 : i32
        %dma_wait3A_236 = tpu.memref_slice %arg4[%add3A_112, %dma_wait3A_235] : memref<12800x125xi32, #tpu.memory_space<hbm>> -> memref<2x125xi32, #tpu.memory_space<hbm>>
        %dma_wait3A_237 = arith.constant 0 : i32
        %dma_wait3A_238 = arith.constant 0 : i32
        %dma_wait3A_239 = tpu.memref_slice %arg8[%run_scoped3A_126, %dma_wait3A_237, %dma_wait3A_238] : memref<2x2x125xi32, #tpu.memory_space<vmem>> -> memref<1x2x125xi32, #tpu.memory_space<vmem>>
        %dma_wait3A_240 = tpu.memref_squeeze %dma_wait3A_239 : memref<1x2x125xi32, #tpu.memory_space<vmem>> -> memref<2x125xi32, #tpu.memory_space<vmem>>
        %dma_wait3A_241 = arith.constant 0 : i32
        %dma_wait3A_242 = tpu.memref_slice %arg4[%add3A_112, %dma_wait3A_241] : memref<12800x125xi32, #tpu.memory_space<hbm>> -> memref<2x125xi32, #tpu.memory_space<hbm>>
        tpu.wait_dma2 semaphore(%run_scoped3A_218 : memref<!tpu.dma_semaphore, #tpu.memory_space<semaphore_mem>>) src(%dma_wait3A_242 : memref<2x125xi32, #tpu.memory_space<hbm>>) dst(%dma_wait3A_240 : memref<2x125xi32, #tpu.memory_space<vmem>>)
        tpu.yield
      }) : () -> ()
      %dma_start3A_127 = arith.constant 1 : i32
      %dma_start3A_128 = arith.constant 0 : i32
      %dma_start3A_129 = arith.constant 1 : i32
      %dma_start3A_130 = arith.constant 0 : i32
      %dma_start3A_131 = arith.constant 0 : i32
      %dma_start3A_132 = tpu.memref_slice %arg9[%dma_start3A_129, %dma_start3A_130, %dma_start3A_131] : memref<2x250x32xf32, #tpu.memory_space<vmem>> -> memref<1x250x32xf32, #tpu.memory_space<vmem>>
      %dma_start3A_133 = tpu.memref_squeeze %dma_start3A_132 : memref<1x250x32xf32, #tpu.memory_space<vmem>> -> memref<250x32xf32, #tpu.memory_space<vmem>>
      %dma_start3A_134 = arith.constant 0 : i32
      %dma_start3A_135 = tpu.memref_slice %arg7[%dma_start3A_127, %dma_start3A_128, %dma_start3A_134] : memref<2x1x250xi32, #tpu.memory_space<vmem>> -> memref<1x1x250xi32, #tpu.memory_space<vmem>>
      %dma_start3A_136 = tpu.memref_squeeze %dma_start3A_135 : memref<1x1x250xi32, #tpu.memory_space<vmem>> -> memref<250xi32, #tpu.memory_space<vmem>>
      %dma_start3A_137 = arith.constant 0 : i32
      %dma_start3A_138 = arith.constant 0 : i32
      %dma_start3A_139 = tpu.memref_slice %arg2[%dma_start3A_137, %dma_start3A_138] : memref<50000x32xf32, #tpu.memory_space<hbm>> -> memref<50000x32xf32, #tpu.memory_space<hbm>>
      tpu.enqueue_indirect_dma source(%dma_start3A_139 : memref<50000x32xf32, #tpu.memory_space<hbm>>) target(%dma_start3A_133 : memref<250x32xf32, #tpu.memory_space<vmem>>) offsets(%dma_start3A_136 : memref<250xi32, #tpu.memory_space<vmem>>) semaphore(%arg12 : memref<!tpu.dma_semaphore, #tpu.memory_space<semaphore_mem>>)
      %dma_wait3A_140 = arith.constant 0 : i32
      %dma_wait3A_141 = arith.constant 0 : i32
      %dma_wait3A_142 = arith.constant 0 : i32
      %dma_wait3A_143 = arith.constant 0 : i32
      %dma_wait3A_144 = arith.constant 0 : i32
      %dma_wait3A_145 = tpu.memref_slice %arg9[%dma_wait3A_142, %dma_wait3A_143, %dma_wait3A_144] : memref<2x250x32xf32, #tpu.memory_space<vmem>> -> memref<1x250x32xf32, #tpu.memory_space<vmem>>
      %dma_wait3A_146 = tpu.memref_squeeze %dma_wait3A_145 : memref<1x250x32xf32, #tpu.memory_space<vmem>> -> memref<250x32xf32, #tpu.memory_space<vmem>>
      %dma_wait3A_147 = arith.constant 0 : i32
      %dma_wait3A_148 = tpu.memref_slice %arg7[%dma_wait3A_140, %dma_wait3A_141, %dma_wait3A_147] : memref<2x1x250xi32, #tpu.memory_space<vmem>> -> memref<1x1x250xi32, #tpu.memory_space<vmem>>
      %dma_wait3A_149 = tpu.memref_squeeze %dma_wait3A_148 : memref<1x1x250xi32, #tpu.memory_space<vmem>> -> memref<250xi32, #tpu.memory_space<vmem>>
      %dma_wait3A_150 = arith.constant 0 : i32
      %dma_wait3A_151 = arith.constant 0 : i32
      %dma_wait3A_152 = tpu.memref_slice %arg2[%dma_wait3A_150, %dma_wait3A_151] : memref<50000x32xf32, #tpu.memory_space<hbm>> -> memref<50000x32xf32, #tpu.memory_space<hbm>>
      tpu.wait_indirect_dma semaphore(%arg11 : memref<!tpu.dma_semaphore, #tpu.memory_space<semaphore_mem>>) src(%dma_wait3A_152 : memref<50000x32xf32, #tpu.memory_space<hbm>>) dst(%dma_wait3A_146 : memref<250x32xf32, #tpu.memory_space<vmem>>)
      %dma_start3A_153 = arith.constant 0 : i32
      %dma_start3A_154 = arith.constant 0 : i32
      %dma_start3A_155 = arith.constant 0 : i32
      %dma_start3A_156 = arith.constant 0 : i32
      %dma_start3A_157 = arith.constant 0 : i32
      %dma_start3A_158 = tpu.memref_slice %arg9[%dma_start3A_153, %dma_start3A_156, %dma_start3A_157] : memref<2x250x32xf32, #tpu.memory_space<vmem>> -> memref<1x125x32xf32, #tpu.memory_space<vmem>>
      %dma_start3A_159 = tpu.memref_squeeze %dma_start3A_158 : memref<1x125x32xf32, #tpu.memory_space<vmem>> -> memref<125x32xf32, #tpu.memory_space<vmem>>
      %dma_start3A_160 = arith.constant 0 : i32
      %dma_start3A_161 = tpu.memref_slice %arg8[%dma_start3A_154, %dma_start3A_155, %dma_start3A_160] : memref<2x2x125xi32, #tpu.memory_space<vmem>> -> memref<1x1x125xi32, #tpu.memory_space<vmem>>
      %dma_start3A_162 = tpu.memref_squeeze %dma_start3A_161 : memref<1x1x125xi32, #tpu.memory_space<vmem>> -> memref<125xi32, #tpu.memory_space<vmem>>
      %dma_start3A_163 = arith.constant 0 : i32
      %dma_start3A_164 = arith.constant 0 : i32
      %dma_start3A_165 = tpu.memref_slice %arg10[%dma_start3A_163, %dma_start3A_164] : memref<51200x32xf32, #tpu.memory_space<vmem_shared>> -> memref<51200x32xf32, #tpu.memory_space<vmem_shared>>
      tpu.enqueue_indirect_dma source(%dma_start3A_159 : memref<125x32xf32, #tpu.memory_space<vmem>>) target(%dma_start3A_165 : memref<51200x32xf32, #tpu.memory_space<vmem_shared>>) offsets(%dma_start3A_162 : memref<125xi32, #tpu.memory_space<vmem>>) semaphore(%arg13 : memref<!tpu.dma_semaphore, #tpu.memory_space<semaphore_mem>>) {add = true}
      %dma_start3A_166 = arith.constant 0 : i32
      %dma_start3A_167 = arith.constant 0 : i32
      %dma_start3A_168 = arith.constant 1 : i32
      %dma_start3A_169 = arith.constant 125 : i32
      %dma_start3A_170 = arith.constant 0 : i32
      %dma_start3A_171 = tpu.memref_slice %arg9[%dma_start3A_166, %dma_start3A_169, %dma_start3A_170] : memref<2x250x32xf32, #tpu.memory_space<vmem>> -> memref<1x125x32xf32, #tpu.memory_space<vmem>>
      %dma_start3A_172 = tpu.memref_squeeze %dma_start3A_171 : memref<1x125x32xf32, #tpu.memory_space<vmem>> -> memref<125x32xf32, #tpu.memory_space<vmem>>
      %dma_start3A_173 = arith.constant 0 : i32
      %dma_start3A_174 = tpu.memref_slice %arg8[%dma_start3A_167, %dma_start3A_168, %dma_start3A_173] : memref<2x2x125xi32, #tpu.memory_space<vmem>> -> memref<1x1x125xi32, #tpu.memory_space<vmem>>
      %dma_start3A_175 = tpu.memref_squeeze %dma_start3A_174 : memref<1x1x125xi32, #tpu.memory_space<vmem>> -> memref<125xi32, #tpu.memory_space<vmem>>
      %dma_start3A_176 = arith.constant 0 : i32
      %dma_start3A_177 = arith.constant 0 : i32
      %dma_start3A_178 = tpu.memref_slice %arg10[%dma_start3A_176, %dma_start3A_177] : memref<51200x32xf32, #tpu.memory_space<vmem_shared>> -> memref<51200x32xf32, #tpu.memory_space<vmem_shared>>
      tpu.enqueue_indirect_dma source(%dma_start3A_172 : memref<125x32xf32, #tpu.memory_space<vmem>>) target(%dma_start3A_178 : memref<51200x32xf32, #tpu.memory_space<vmem_shared>>) offsets(%dma_start3A_175 : memref<125xi32, #tpu.memory_space<vmem>>) semaphore(%arg13 : memref<!tpu.dma_semaphore, #tpu.memory_space<semaphore_mem>>) {add = true}
      %dma_wait3A_179 = arith.constant 1 : i32
      %dma_wait3A_180 = arith.constant 0 : i32
      %dma_wait3A_181 = arith.constant 1 : i32
      %dma_wait3A_182 = arith.constant 0 : i32
      %dma_wait3A_183 = arith.constant 0 : i32
      %dma_wait3A_184 = tpu.memref_slice %arg9[%dma_wait3A_181, %dma_wait3A_182, %dma_wait3A_183] : memref<2x250x32xf32, #tpu.memory_space<vmem>> -> memref<1x250x32xf32, #tpu.memory_space<vmem>>
      %dma_wait3A_185 = tpu.memref_squeeze %dma_wait3A_184 : memref<1x250x32xf32, #tpu.memory_space<vmem>> -> memref<250x32xf32, #tpu.memory_space<vmem>>
      %dma_wait3A_186 = arith.constant 0 : i32
      %dma_wait3A_187 = tpu.memref_slice %arg7[%dma_wait3A_179, %dma_wait3A_180, %dma_wait3A_186] : memref<2x1x250xi32, #tpu.memory_space<vmem>> -> memref<1x1x250xi32, #tpu.memory_space<vmem>>
      %dma_wait3A_188 = tpu.memref_squeeze %dma_wait3A_187 : memref<1x1x250xi32, #tpu.memory_space<vmem>> -> memref<250xi32, #tpu.memory_space<vmem>>
      %dma_wait3A_189 = arith.constant 0 : i32
      %dma_wait3A_190 = arith.constant 0 : i32
      %dma_wait3A_191 = tpu.memref_slice %arg2[%dma_wait3A_189, %dma_wait3A_190] : memref<50000x32xf32, #tpu.memory_space<hbm>> -> memref<50000x32xf32, #tpu.memory_space<hbm>>
      tpu.wait_indirect_dma semaphore(%arg12 : memref<!tpu.dma_semaphore, #tpu.memory_space<semaphore_mem>>) src(%dma_wait3A_191 : memref<50000x32xf32, #tpu.memory_space<hbm>>) dst(%dma_wait3A_185 : memref<250x32xf32, #tpu.memory_space<vmem>>)
      %dma_start3A_192 = arith.constant 1 : i32
      %dma_start3A_193 = arith.constant 1 : i32
      %dma_start3A_194 = arith.constant 0 : i32
      %dma_start3A_195 = arith.constant 0 : i32
      %dma_start3A_196 = arith.constant 0 : i32
      %dma_start3A_197 = tpu.memref_slice %arg9[%dma_start3A_192, %dma_start3A_195, %dma_start3A_196] : memref<2x250x32xf32, #tpu.memory_space<vmem>> -> memref<1x125x32xf32, #tpu.memory_space<vmem>>
      %dma_start3A_198 = tpu.memref_squeeze %dma_start3A_197 : memref<1x125x32xf32, #tpu.memory_space<vmem>> -> memref<125x32xf32, #tpu.memory_space<vmem>>
      %dma_start3A_199 = arith.constant 0 : i32
      %dma_start3A_200 = tpu.memref_slice %arg8[%dma_start3A_193, %dma_start3A_194, %dma_start3A_199] : memref<2x2x125xi32, #tpu.memory_space<vmem>> -> memref<1x1x125xi32, #tpu.memory_space<vmem>>
      %dma_start3A_201 = tpu.memref_squeeze %dma_start3A_200 : memref<1x1x125xi32, #tpu.memory_space<vmem>> -> memref<125xi32, #tpu.memory_space<vmem>>
      %dma_start3A_202 = arith.constant 0 : i32
      %dma_start3A_203 = arith.constant 0 : i32
      %dma_start3A_204 = tpu.memref_slice %arg10[%dma_start3A_202, %dma_start3A_203] : memref<51200x32xf32, #tpu.memory_space<vmem_shared>> -> memref<51200x32xf32, #tpu.memory_space<vmem_shared>>
      tpu.enqueue_indirect_dma source(%dma_start3A_198 : memref<125x32xf32, #tpu.memory_space<vmem>>) target(%dma_start3A_204 : memref<51200x32xf32, #tpu.memory_space<vmem_shared>>) offsets(%dma_start3A_201 : memref<125xi32, #tpu.memory_space<vmem>>) semaphore(%arg14 : memref<!tpu.dma_semaphore, #tpu.memory_space<semaphore_mem>>) {add = true}
      %dma_start3A_205 = arith.constant 1 : i32
      %dma_start3A_206 = arith.constant 1 : i32
      %dma_start3A_207 = arith.constant 1 : i32
      %dma_start3A_208 = arith.constant 125 : i32
      %dma_start3A_209 = arith.constant 0 : i32
      %dma_start3A_210 = tpu.memref_slice %arg9[%dma_start3A_205, %dma_start3A_208, %dma_start3A_209] : memref<2x250x32xf32, #tpu.memory_space<vmem>> -> memref<1x125x32xf32, #tpu.memory_space<vmem>>
      %dma_start3A_211 = tpu.memref_squeeze %dma_start3A_210 : memref<1x125x32xf32, #tpu.memory_space<vmem>> -> memref<125x32xf32, #tpu.memory_space<vmem>>
      %dma_start3A_212 = arith.constant 0 : i32
      %dma_start3A_213 = tpu.memref_slice %arg8[%dma_start3A_206, %dma_start3A_207, %dma_start3A_212] : memref<2x2x125xi32, #tpu.memory_space<vmem>> -> memref<1x1x125xi32, #tpu.memory_space<vmem>>
      %dma_start3A_214 = tpu.memref_squeeze %dma_start3A_213 : memref<1x1x125xi32, #tpu.memory_space<vmem>> -> memref<125xi32, #tpu.memory_space<vmem>>
      %dma_start3A_215 = arith.constant 0 : i32
      %dma_start3A_216 = arith.constant 0 : i32
      %dma_start3A_217 = tpu.memref_slice %arg10[%dma_start3A_215, %dma_start3A_216] : memref<51200x32xf32, #tpu.memory_space<vmem_shared>> -> memref<51200x32xf32, #tpu.memory_space<vmem_shared>>
      tpu.enqueue_indirect_dma source(%dma_start3A_211 : memref<125x32xf32, #tpu.memory_space<vmem>>) target(%dma_start3A_217 : memref<51200x32xf32, #tpu.memory_space<vmem_shared>>) offsets(%dma_start3A_214 : memref<125xi32, #tpu.memory_space<vmem>>) semaphore(%arg14 : memref<!tpu.dma_semaphore, #tpu.memory_space<semaphore_mem>>) {add = true}
    }
    %scan3A_7 = arith.constant 100 : i32
    %dma_wait3A = arith.constant 0 : i32
    %dma_wait3A_8 = arith.constant 0 : i32
    %dma_wait3A_9 = arith.constant 0 : i32
    %dma_wait3A_10 = tpu.memref_slice %arg9[%dma_wait3A, %dma_wait3A_8, %dma_wait3A_9] : memref<2x250x32xf32, #tpu.memory_space<vmem>> -> memref<1x125x32xf32, #tpu.memory_space<vmem>>
    %dma_wait3A_11 = tpu.memref_squeeze %dma_wait3A_10 : memref<1x125x32xf32, #tpu.memory_space<vmem>> -> memref<125x32xf32, #tpu.memory_space<vmem>>
    %dma_wait3A_12 = arith.constant 0 : i32
    %dma_wait3A_13 = arith.constant 0 : i32
    %dma_wait3A_14 = tpu.memref_slice %arg5[%dma_wait3A_12, %dma_wait3A_13] : memref<3200x32xf32, #tpu.memory_space<hbm>> -> memref<125x32xf32, #tpu.memory_space<hbm>>
    %dma_wait3A_15 = arith.constant 0 : i32
    %dma_wait3A_16 = arith.constant 0 : i32
    %dma_wait3A_17 = tpu.memref_slice %arg9[%dma_wait3A, %dma_wait3A_15, %dma_wait3A_16] : memref<2x250x32xf32, #tpu.memory_space<vmem>> -> memref<1x125x32xf32, #tpu.memory_space<vmem>>
    %dma_wait3A_18 = tpu.memref_squeeze %dma_wait3A_17 : memref<1x125x32xf32, #tpu.memory_space<vmem>> -> memref<125x32xf32, #tpu.memory_space<vmem>>
    %dma_wait3A_19 = arith.constant 0 : i32
    %dma_wait3A_20 = arith.constant 0 : i32
    %dma_wait3A_21 = tpu.memref_slice %arg5[%dma_wait3A_19, %dma_wait3A_20] : memref<3200x32xf32, #tpu.memory_space<hbm>> -> memref<125x32xf32, #tpu.memory_space<hbm>>
    tpu.wait_dma2 semaphore(%arg13 : memref<!tpu.dma_semaphore, #tpu.memory_space<semaphore_mem>>) src(%dma_wait3A_21 : memref<125x32xf32, #tpu.memory_space<hbm>>) dst(%dma_wait3A_18 : memref<125x32xf32, #tpu.memory_space<vmem>>)
    %dma_wait3A_22 = arith.constant 0 : i32
    %dma_wait3A_23 = arith.constant 125 : i32
    %dma_wait3A_24 = arith.constant 0 : i32
    %dma_wait3A_25 = tpu.memref_slice %arg9[%dma_wait3A_22, %dma_wait3A_23, %dma_wait3A_24] : memref<2x250x32xf32, #tpu.memory_space<vmem>> -> memref<1x125x32xf32, #tpu.memory_space<vmem>>
    %dma_wait3A_26 = tpu.memref_squeeze %dma_wait3A_25 : memref<1x125x32xf32, #tpu.memory_space<vmem>> -> memref<125x32xf32, #tpu.memory_space<vmem>>
    %dma_wait3A_27 = arith.constant 0 : i32
    %dma_wait3A_28 = arith.constant 0 : i32
    %dma_wait3A_29 = tpu.memref_slice %arg5[%dma_wait3A_27, %dma_wait3A_28] : memref<3200x32xf32, #tpu.memory_space<hbm>> -> memref<125x32xf32, #tpu.memory_space<hbm>>
    %dma_wait3A_30 = arith.constant 125 : i32
    %dma_wait3A_31 = arith.constant 0 : i32
    %dma_wait3A_32 = tpu.memref_slice %arg9[%dma_wait3A_22, %dma_wait3A_30, %dma_wait3A_31] : memref<2x250x32xf32, #tpu.memory_space<vmem>> -> memref<1x125x32xf32, #tpu.memory_space<vmem>>
    %dma_wait3A_33 = tpu.memref_squeeze %dma_wait3A_32 : memref<1x125x32xf32, #tpu.memory_space<vmem>> -> memref<125x32xf32, #tpu.memory_space<vmem>>
    %dma_wait3A_34 = arith.constant 0 : i32
    %dma_wait3A_35 = arith.constant 0 : i32
    %dma_wait3A_36 = tpu.memref_slice %arg5[%dma_wait3A_34, %dma_wait3A_35] : memref<3200x32xf32, #tpu.memory_space<hbm>> -> memref<125x32xf32, #tpu.memory_space<hbm>>
    tpu.wait_dma2 semaphore(%arg13 : memref<!tpu.dma_semaphore, #tpu.memory_space<semaphore_mem>>) src(%dma_wait3A_36 : memref<125x32xf32, #tpu.memory_space<hbm>>) dst(%dma_wait3A_33 : memref<125x32xf32, #tpu.memory_space<vmem>>)
    %dma_wait3A_37 = arith.constant 1 : i32
    %dma_wait3A_38 = arith.constant 0 : i32
    %dma_wait3A_39 = arith.constant 0 : i32
    %dma_wait3A_40 = tpu.memref_slice %arg9[%dma_wait3A_37, %dma_wait3A_38, %dma_wait3A_39] : memref<2x250x32xf32, #tpu.memory_space<vmem>> -> memref<1x125x32xf32, #tpu.memory_space<vmem>>
    %dma_wait3A_41 = tpu.memref_squeeze %dma_wait3A_40 : memref<1x125x32xf32, #tpu.memory_space<vmem>> -> memref<125x32xf32, #tpu.memory_space<vmem>>
    %dma_wait3A_42 = arith.constant 0 : i32
    %dma_wait3A_43 = arith.constant 0 : i32
    %dma_wait3A_44 = tpu.memref_slice %arg5[%dma_wait3A_42, %dma_wait3A_43] : memref<3200x32xf32, #tpu.memory_space<hbm>> -> memref<125x32xf32, #tpu.memory_space<hbm>>
    %dma_wait3A_45 = arith.constant 0 : i32
    %dma_wait3A_46 = arith.constant 0 : i32
    %dma_wait3A_47 = tpu.memref_slice %arg9[%dma_wait3A_37, %dma_wait3A_45, %dma_wait3A_46] : memref<2x250x32xf32, #tpu.memory_space<vmem>> -> memref<1x125x32xf32, #tpu.memory_space<vmem>>
    %dma_wait3A_48 = tpu.memref_squeeze %dma_wait3A_47 : memref<1x125x32xf32, #tpu.memory_space<vmem>> -> memref<125x32xf32, #tpu.memory_space<vmem>>
    %dma_wait3A_49 = arith.constant 0 : i32
    %dma_wait3A_50 = arith.constant 0 : i32
    %dma_wait3A_51 = tpu.memref_slice %arg5[%dma_wait3A_49, %dma_wait3A_50] : memref<3200x32xf32, #tpu.memory_space<hbm>> -> memref<125x32xf32, #tpu.memory_space<hbm>>
    tpu.wait_dma2 semaphore(%arg14 : memref<!tpu.dma_semaphore, #tpu.memory_space<semaphore_mem>>) src(%dma_wait3A_51 : memref<125x32xf32, #tpu.memory_space<hbm>>) dst(%dma_wait3A_48 : memref<125x32xf32, #tpu.memory_space<vmem>>)
    %dma_wait3A_52 = arith.constant 1 : i32
    %dma_wait3A_53 = arith.constant 125 : i32
    %dma_wait3A_54 = arith.constant 0 : i32
    %dma_wait3A_55 = tpu.memref_slice %arg9[%dma_wait3A_52, %dma_wait3A_53, %dma_wait3A_54] : memref<2x250x32xf32, #tpu.memory_space<vmem>> -> memref<1x125x32xf32, #tpu.memory_space<vmem>>
    %dma_wait3A_56 = tpu.memref_squeeze %dma_wait3A_55 : memref<1x125x32xf32, #tpu.memory_space<vmem>> -> memref<125x32xf32, #tpu.memory_space<vmem>>
    %dma_wait3A_57 = arith.constant 0 : i32
    %dma_wait3A_58 = arith.constant 0 : i32
    %dma_wait3A_59 = tpu.memref_slice %arg5[%dma_wait3A_57, %dma_wait3A_58] : memref<3200x32xf32, #tpu.memory_space<hbm>> -> memref<125x32xf32, #tpu.memory_space<hbm>>
    %dma_wait3A_60 = arith.constant 125 : i32
    %dma_wait3A_61 = arith.constant 0 : i32
    %dma_wait3A_62 = tpu.memref_slice %arg9[%dma_wait3A_52, %dma_wait3A_60, %dma_wait3A_61] : memref<2x250x32xf32, #tpu.memory_space<vmem>> -> memref<1x125x32xf32, #tpu.memory_space<vmem>>
    %dma_wait3A_63 = tpu.memref_squeeze %dma_wait3A_62 : memref<1x125x32xf32, #tpu.memory_space<vmem>> -> memref<125x32xf32, #tpu.memory_space<vmem>>
    %dma_wait3A_64 = arith.constant 0 : i32
    %dma_wait3A_65 = arith.constant 0 : i32
    %dma_wait3A_66 = tpu.memref_slice %arg5[%dma_wait3A_64, %dma_wait3A_65] : memref<3200x32xf32, #tpu.memory_space<hbm>> -> memref<125x32xf32, #tpu.memory_space<hbm>>
    tpu.wait_dma2 semaphore(%arg14 : memref<!tpu.dma_semaphore, #tpu.memory_space<semaphore_mem>>) src(%dma_wait3A_66 : memref<125x32xf32, #tpu.memory_space<hbm>>) dst(%dma_wait3A_63 : memref<125x32xf32, #tpu.memory_space<vmem>>)
    %barrier3A_67 = arith.constant 0 : index
    tpu.barrier barrier_id(%barrier3A_67)
    %mul3A_68 = arith.constant 3200 : i32
    %mul3A_69 = arith.muli %arg1, %mul3A_68 : i32
    %mul3A_70 = arith.constant 3200 : i32
    %mul3A_71 = arith.muli %arg1, %mul3A_70 : i32
    "tpu.region"() ({
      %run_scoped3A = tpu.sem_alloc : memref<!tpu.dma_semaphore, #tpu.memory_space<semaphore_mem>>
      %dma_start3A = arith.constant 0 : i32
      %dma_start3A_72 = tpu.memref_slice %arg6[%arg0, %mul3A_71, %dma_start3A] : memref<2x51200x32xf32, #tpu.memory_space<hbm>> -> memref<1x3200x32xf32, #tpu.memory_space<hbm>>
      %dma_start3A_73 = tpu.memref_squeeze %dma_start3A_72 : memref<1x3200x32xf32, #tpu.memory_space<hbm>> -> memref<3200x32xf32, #tpu.memory_space<hbm>>
      %dma_start3A_74 = arith.constant 0 : i32
      %dma_start3A_75 = tpu.memref_slice %arg10[%mul3A_69, %dma_start3A_74] : memref<51200x32xf32, #tpu.memory_space<vmem_shared>> -> memref<3200x32xf32, #tpu.memory_space<vmem_shared>>
      tpu.enqueue_dma source(%dma_start3A_75 : memref<3200x32xf32, #tpu.memory_space<vmem_shared>>) target(%dma_start3A_73 : memref<3200x32xf32, #tpu.memory_space<hbm>>) target_semaphore(%run_scoped3A : memref<!tpu.dma_semaphore, #tpu.memory_space<semaphore_mem>>)
      %dma_wait3A_76 = arith.constant 0 : i32
      %dma_wait3A_77 = tpu.memref_slice %arg6[%arg0, %mul3A_71, %dma_wait3A_76] : memref<2x51200x32xf32, #tpu.memory_space<hbm>> -> memref<1x3200x32xf32, #tpu.memory_space<hbm>>
      %dma_wait3A_78 = tpu.memref_squeeze %dma_wait3A_77 : memref<1x3200x32xf32, #tpu.memory_space<hbm>> -> memref<3200x32xf32, #tpu.memory_space<hbm>>
      %dma_wait3A_79 = arith.constant 0 : i32
      %dma_wait3A_80 = tpu.memref_slice %arg10[%mul3A_69, %dma_wait3A_79] : memref<51200x32xf32, #tpu.memory_space<vmem_shared>> -> memref<3200x32xf32, #tpu.memory_space<vmem_shared>>
      tpu.wait_dma2 semaphore(%run_scoped3A : memref<!tpu.dma_semaphore, #tpu.memory_space<semaphore_mem>>) src(%dma_wait3A_80 : memref<3200x32xf32, #tpu.memory_space<vmem_shared>>) dst(%dma_wait3A_78 : memref<3200x32xf32, #tpu.memory_space<hbm>>)
      tpu.yield
    }) : () -> ()
    return
  }
}

#map = affine_map<(d0, d1) -> (0, 0)>
#map1 = affine_map<(d0, d1) -> (0, 0, 0)>
module attributes {stable_mosaic.version = 14 : i64} {
  func.func @_sc_aggregate(%arg0: i32, %arg1: i32, %arg2: memref<50000x32xf32, #tpu.memory_space<hbm>>, %arg3: memref<6400x250xi32, #tpu.memory_space<hbm>>, %arg4: memref<12800x125xi32, #tpu.memory_space<hbm>>, %arg5: memref<3200x32xf32, #tpu.memory_space<hbm>>, %arg6: memref<2x51200x32xf32, #tpu.memory_space<hbm>>, %arg7: memref<2x1x250xi32, #tpu.memory_space<vmem>>, %arg8: memref<2x2x125xi32, #tpu.memory_space<vmem>>, %arg9: memref<2x250x32xf32, #tpu.memory_space<vmem>>, %arg10: memref<51200x32xf32, #tpu.memory_space<vmem_shared>>, %arg11: memref<!tpu.dma_semaphore, #tpu.memory_space<semaphore_mem>>, %arg12: memref<!tpu.dma_semaphore, #tpu.memory_space<semaphore_mem>>, %arg13: memref<!tpu.dma_semaphore, #tpu.memory_space<semaphore_mem>>, %arg14: memref<!tpu.dma_semaphore, #tpu.memory_space<semaphore_mem>>) attributes {dimension_semantics = [#tpu.dimension_semantics<core_parallel>, #tpu.dimension_semantics<subcore_parallel>], iteration_bounds = array<i64: 2, 16>, scalar_prefetch = 0 : i64, scratch_operands = 8 : i64, tpu.core_type = #tpu.core_type<sc_vector_subcore>, window_params = [{transform_indices = #map}, {transform_indices = #map}, {transform_indices = #map}, {transform_indices = #map}, {transform_indices = #map1}]} {
    %mul3A = arith.constant 16 : i32
    %mul3A_0 = arith.muli %arg0, %mul3A : i32
    %add3A = arith.addi %mul3A_0, %arg1 : i32
    %mul3A_1 = arith.constant 3200 : i32
    %mul3A_2 = arith.muli %arg1, %mul3A_1 : i32
    "tpu.region"() ({
      %run_scoped3A = tpu.sem_alloc : memref<!tpu.dma_semaphore, #tpu.memory_space<semaphore_mem>>
      %dma_start3A = arith.constant 0 : i32
      %dma_start3A_72 = tpu.memref_slice %arg10[%mul3A_2, %dma_start3A] : memref<51200x32xf32, #tpu.memory_space<vmem_shared>> -> memref<3200x32xf32, #tpu.memory_space<vmem_shared>>
      tpu.enqueue_dma source(%arg5 : memref<3200x32xf32, #tpu.memory_space<hbm>>) target(%dma_start3A_72 : memref<3200x32xf32, #tpu.memory_space<vmem_shared>>) target_semaphore(%run_scoped3A : memref<!tpu.dma_semaphore, #tpu.memory_space<semaphore_mem>>)
      %dma_wait3A_73 = arith.constant 0 : i32
      %dma_wait3A_74 = tpu.memref_slice %arg10[%mul3A_2, %dma_wait3A_73] : memref<51200x32xf32, #tpu.memory_space<vmem_shared>> -> memref<3200x32xf32, #tpu.memory_space<vmem_shared>>
      tpu.wait_dma2 semaphore(%run_scoped3A : memref<!tpu.dma_semaphore, #tpu.memory_space<semaphore_mem>>) src(%arg5 : memref<3200x32xf32, #tpu.memory_space<hbm>>) dst(%dma_wait3A_74 : memref<3200x32xf32, #tpu.memory_space<vmem_shared>>)
      tpu.yield
    }) : () -> ()
    %barrier3A = arith.constant 0 : index
    tpu.barrier barrier_id(%barrier3A)
    %scan3A = arith.constant 0 : i32
    %scan3A_3 = arith.constant 0 : i32
    %scan3A_4 = arith.constant 100 : i32
    %scan3A_5 = arith.addi %scan3A_3, %scan3A_4 : i32
    %scan3A_6 = arith.constant 1 : i32
    scf.for %scan3A_72 = %scan3A_3 to %scan3A_5 step %scan3A_6  : i32 {
      %mul3A_73 = arith.constant 400 : i32
      %mul3A_74 = arith.muli %add3A, %mul3A_73 : i32
      %mul3A_75 = arith.constant 2 : i32
      %mul3A_76 = arith.muli %mul3A_75, %scan3A_72 : i32
      %add3A_77 = arith.constant 0 : i32
      %add3A_78 = arith.addi %mul3A_76, %add3A_77 : i32
      %mul3A_79 = arith.constant 2 : i32
      %mul3A_80 = arith.muli %add3A_78, %mul3A_79 : i32
      %add3A_81 = arith.addi %mul3A_74, %mul3A_80 : i32
      %gt3A = arith.constant 0 : i32
      %gt3A_82 = arith.cmpi sgt, %scan3A_72, %gt3A : i32
      %convert_element_type3A = arith.extui %gt3A_82 : i1 to i32
      %cond3A = arith.constant 0 : i32
      %cond3A_83 = arith.cmpi ne, %convert_element_type3A, %cond3A : i32
      scf.if %cond3A_83 {
        %dma_wait3A_218 = arith.constant 0 : i32
        %dma_wait3A_219 = arith.constant 0 : i32
        %dma_wait3A_220 = arith.constant 0 : i32
        %dma_wait3A_221 = tpu.memref_slice %arg9[%dma_wait3A_218, %dma_wait3A_219, %dma_wait3A_220] : memref<2x250x32xf32, #tpu.memory_space<vmem>> -> memref<1x125x32xf32, #tpu.memory_space<vmem>>
        %dma_wait3A_222 = tpu.memref_squeeze %dma_wait3A_221 : memref<1x125x32xf32, #tpu.memory_space<vmem>> -> memref<125x32xf32, #tpu.memory_space<vmem>>
        %dma_wait3A_223 = arith.constant 0 : i32
        %dma_wait3A_224 = arith.constant 0 : i32
        %dma_wait3A_225 = tpu.memref_slice %arg5[%dma_wait3A_223, %dma_wait3A_224] : memref<3200x32xf32, #tpu.memory_space<hbm>> -> memref<125x32xf32, #tpu.memory_space<hbm>>
        %dma_wait3A_226 = arith.constant 0 : i32
        %dma_wait3A_227 = arith.constant 0 : i32
        %dma_wait3A_228 = tpu.memref_slice %arg9[%dma_wait3A_218, %dma_wait3A_226, %dma_wait3A_227] : memref<2x250x32xf32, #tpu.memory_space<vmem>> -> memref<1x125x32xf32, #tpu.memory_space<vmem>>
        %dma_wait3A_229 = tpu.memref_squeeze %dma_wait3A_228 : memref<1x125x32xf32, #tpu.memory_space<vmem>> -> memref<125x32xf32, #tpu.memory_space<vmem>>
        %dma_wait3A_230 = arith.constant 0 : i32
        %dma_wait3A_231 = arith.constant 0 : i32
        %dma_wait3A_232 = tpu.memref_slice %arg5[%dma_wait3A_230, %dma_wait3A_231] : memref<3200x32xf32, #tpu.memory_space<hbm>> -> memref<125x32xf32, #tpu.memory_space<hbm>>
        tpu.wait_dma2 semaphore(%arg13 : memref<!tpu.dma_semaphore, #tpu.memory_space<semaphore_mem>>) src(%dma_wait3A_232 : memref<125x32xf32, #tpu.memory_space<hbm>>) dst(%dma_wait3A_229 : memref<125x32xf32, #tpu.memory_space<vmem>>)
        %dma_wait3A_233 = arith.constant 0 : i32
        %dma_wait3A_234 = arith.constant 125 : i32
        %dma_wait3A_235 = arith.constant 0 : i32
        %dma_wait3A_236 = tpu.memref_slice %arg9[%dma_wait3A_233, %dma_wait3A_234, %dma_wait3A_235] : memref<2x250x32xf32, #tpu.memory_space<vmem>> -> memref<1x125x32xf32, #tpu.memory_space<vmem>>
        %dma_wait3A_237 = tpu.memref_squeeze %dma_wait3A_236 : memref<1x125x32xf32, #tpu.memory_space<vmem>> -> memref<125x32xf32, #tpu.memory_space<vmem>>
        %dma_wait3A_238 = arith.constant 0 : i32
        %dma_wait3A_239 = arith.constant 0 : i32
        %dma_wait3A_240 = tpu.memref_slice %arg5[%dma_wait3A_238, %dma_wait3A_239] : memref<3200x32xf32, #tpu.memory_space<hbm>> -> memref<125x32xf32, #tpu.memory_space<hbm>>
        %dma_wait3A_241 = arith.constant 125 : i32
        %dma_wait3A_242 = arith.constant 0 : i32
        %dma_wait3A_243 = tpu.memref_slice %arg9[%dma_wait3A_233, %dma_wait3A_241, %dma_wait3A_242] : memref<2x250x32xf32, #tpu.memory_space<vmem>> -> memref<1x125x32xf32, #tpu.memory_space<vmem>>
        %dma_wait3A_244 = tpu.memref_squeeze %dma_wait3A_243 : memref<1x125x32xf32, #tpu.memory_space<vmem>> -> memref<125x32xf32, #tpu.memory_space<vmem>>
        %dma_wait3A_245 = arith.constant 0 : i32
        %dma_wait3A_246 = arith.constant 0 : i32
        %dma_wait3A_247 = tpu.memref_slice %arg5[%dma_wait3A_245, %dma_wait3A_246] : memref<3200x32xf32, #tpu.memory_space<hbm>> -> memref<125x32xf32, #tpu.memory_space<hbm>>
        tpu.wait_dma2 semaphore(%arg13 : memref<!tpu.dma_semaphore, #tpu.memory_space<semaphore_mem>>) src(%dma_wait3A_247 : memref<125x32xf32, #tpu.memory_space<hbm>>) dst(%dma_wait3A_244 : memref<125x32xf32, #tpu.memory_space<vmem>>)
      } else {
      }
      %mul3A_84 = arith.constant 200 : i32
      %mul3A_85 = arith.muli %add3A, %mul3A_84 : i32
      %mul3A_86 = arith.constant 2 : i32
      %mul3A_87 = arith.muli %mul3A_86, %scan3A_72 : i32
      %add3A_88 = arith.addi %mul3A_85, %mul3A_87 : i32
      %add3A_89 = arith.constant 0 : i32
      %add3A_90 = arith.addi %add3A_88, %add3A_89 : i32
      %run_scoped3A = arith.constant 0 : i32
      "tpu.region"() ({
        %run_scoped3A_218 = tpu.sem_alloc : memref<!tpu.dma_semaphore, #tpu.memory_space<semaphore_mem>>
        %dma_start3A_219 = arith.constant 0 : i32
        %dma_start3A_220 = arith.constant 0 : i32
        %dma_start3A_221 = tpu.memref_slice %arg7[%run_scoped3A, %dma_start3A_219, %dma_start3A_220] : memref<2x1x250xi32, #tpu.memory_space<vmem>> -> memref<1x1x250xi32, #tpu.memory_space<vmem>>
        %dma_start3A_222 = tpu.memref_squeeze %dma_start3A_221 : memref<1x1x250xi32, #tpu.memory_space<vmem>> -> memref<1x250xi32, #tpu.memory_space<vmem>>
        %dma_start3A_223 = arith.constant 0 : i32
        %dma_start3A_224 = tpu.memref_slice %arg3[%add3A_90, %dma_start3A_223] : memref<6400x250xi32, #tpu.memory_space<hbm>> -> memref<1x250xi32, #tpu.memory_space<hbm>>
        %dma_start3A_225 = arith.constant 0 : i32
        %dma_start3A_226 = arith.constant 0 : i32
        %dma_start3A_227 = tpu.memref_slice %arg7[%run_scoped3A, %dma_start3A_225, %dma_start3A_226] : memref<2x1x250xi32, #tpu.memory_space<vmem>> -> memref<1x1x250xi32, #tpu.memory_space<vmem>>
        %dma_start3A_228 = tpu.memref_squeeze %dma_start3A_227 : memref<1x1x250xi32, #tpu.memory_space<vmem>> -> memref<1x250xi32, #tpu.memory_space<vmem>>
        %dma_start3A_229 = arith.constant 0 : i32
        %dma_start3A_230 = tpu.memref_slice %arg3[%add3A_90, %dma_start3A_229] : memref<6400x250xi32, #tpu.memory_space<hbm>> -> memref<1x250xi32, #tpu.memory_space<hbm>>
        tpu.enqueue_dma source(%dma_start3A_230 : memref<1x250xi32, #tpu.memory_space<hbm>>) target(%dma_start3A_228 : memref<1x250xi32, #tpu.memory_space<vmem>>) target_semaphore(%run_scoped3A_218 : memref<!tpu.dma_semaphore, #tpu.memory_space<semaphore_mem>>)
        %dma_wait3A_231 = arith.constant 0 : i32
        %dma_wait3A_232 = arith.constant 0 : i32
        %dma_wait3A_233 = tpu.memref_slice %arg7[%run_scoped3A, %dma_wait3A_231, %dma_wait3A_232] : memref<2x1x250xi32, #tpu.memory_space<vmem>> -> memref<1x1x250xi32, #tpu.memory_space<vmem>>
        %dma_wait3A_234 = tpu.memref_squeeze %dma_wait3A_233 : memref<1x1x250xi32, #tpu.memory_space<vmem>> -> memref<1x250xi32, #tpu.memory_space<vmem>>
        %dma_wait3A_235 = arith.constant 0 : i32
        %dma_wait3A_236 = tpu.memref_slice %arg3[%add3A_90, %dma_wait3A_235] : memref<6400x250xi32, #tpu.memory_space<hbm>> -> memref<1x250xi32, #tpu.memory_space<hbm>>
        %dma_wait3A_237 = arith.constant 0 : i32
        %dma_wait3A_238 = arith.constant 0 : i32
        %dma_wait3A_239 = tpu.memref_slice %arg7[%run_scoped3A, %dma_wait3A_237, %dma_wait3A_238] : memref<2x1x250xi32, #tpu.memory_space<vmem>> -> memref<1x1x250xi32, #tpu.memory_space<vmem>>
        %dma_wait3A_240 = tpu.memref_squeeze %dma_wait3A_239 : memref<1x1x250xi32, #tpu.memory_space<vmem>> -> memref<1x250xi32, #tpu.memory_space<vmem>>
        %dma_wait3A_241 = arith.constant 0 : i32
        %dma_wait3A_242 = tpu.memref_slice %arg3[%add3A_90, %dma_wait3A_241] : memref<6400x250xi32, #tpu.memory_space<hbm>> -> memref<1x250xi32, #tpu.memory_space<hbm>>
        tpu.wait_dma2 semaphore(%run_scoped3A_218 : memref<!tpu.dma_semaphore, #tpu.memory_space<semaphore_mem>>) src(%dma_wait3A_242 : memref<1x250xi32, #tpu.memory_space<hbm>>) dst(%dma_wait3A_240 : memref<1x250xi32, #tpu.memory_space<vmem>>)
        tpu.yield
      }) : () -> ()
      %run_scoped3A_91 = arith.constant 0 : i32
      "tpu.region"() ({
        %run_scoped3A_218 = tpu.sem_alloc : memref<!tpu.dma_semaphore, #tpu.memory_space<semaphore_mem>>
        %dma_start3A_219 = arith.constant 0 : i32
        %dma_start3A_220 = arith.constant 0 : i32
        %dma_start3A_221 = tpu.memref_slice %arg8[%run_scoped3A_91, %dma_start3A_219, %dma_start3A_220] : memref<2x2x125xi32, #tpu.memory_space<vmem>> -> memref<1x2x125xi32, #tpu.memory_space<vmem>>
        %dma_start3A_222 = tpu.memref_squeeze %dma_start3A_221 : memref<1x2x125xi32, #tpu.memory_space<vmem>> -> memref<2x125xi32, #tpu.memory_space<vmem>>
        %dma_start3A_223 = arith.constant 0 : i32
        %dma_start3A_224 = tpu.memref_slice %arg4[%add3A_81, %dma_start3A_223] : memref<12800x125xi32, #tpu.memory_space<hbm>> -> memref<2x125xi32, #tpu.memory_space<hbm>>
        %dma_start3A_225 = arith.constant 0 : i32
        %dma_start3A_226 = arith.constant 0 : i32
        %dma_start3A_227 = tpu.memref_slice %arg8[%run_scoped3A_91, %dma_start3A_225, %dma_start3A_226] : memref<2x2x125xi32, #tpu.memory_space<vmem>> -> memref<1x2x125xi32, #tpu.memory_space<vmem>>
        %dma_start3A_228 = tpu.memref_squeeze %dma_start3A_227 : memref<1x2x125xi32, #tpu.memory_space<vmem>> -> memref<2x125xi32, #tpu.memory_space<vmem>>
        %dma_start3A_229 = arith.constant 0 : i32
        %dma_start3A_230 = tpu.memref_slice %arg4[%add3A_81, %dma_start3A_229] : memref<12800x125xi32, #tpu.memory_space<hbm>> -> memref<2x125xi32, #tpu.memory_space<hbm>>
        tpu.enqueue_dma source(%dma_start3A_230 : memref<2x125xi32, #tpu.memory_space<hbm>>) target(%dma_start3A_228 : memref<2x125xi32, #tpu.memory_space<vmem>>) target_semaphore(%run_scoped3A_218 : memref<!tpu.dma_semaphore, #tpu.memory_space<semaphore_mem>>)
        %dma_wait3A_231 = arith.constant 0 : i32
        %dma_wait3A_232 = arith.constant 0 : i32
        %dma_wait3A_233 = tpu.memref_slice %arg8[%run_scoped3A_91, %dma_wait3A_231, %dma_wait3A_232] : memref<2x2x125xi32, #tpu.memory_space<vmem>> -> memref<1x2x125xi32, #tpu.memory_space<vmem>>
        %dma_wait3A_234 = tpu.memref_squeeze %dma_wait3A_233 : memref<1x2x125xi32, #tpu.memory_space<vmem>> -> memref<2x125xi32, #tpu.memory_space<vmem>>
        %dma_wait3A_235 = arith.constant 0 : i32
        %dma_wait3A_236 = tpu.memref_slice %arg4[%add3A_81, %dma_wait3A_235] : memref<12800x125xi32, #tpu.memory_space<hbm>> -> memref<2x125xi32, #tpu.memory_space<hbm>>
        %dma_wait3A_237 = arith.constant 0 : i32
        %dma_wait3A_238 = arith.constant 0 : i32
        %dma_wait3A_239 = tpu.memref_slice %arg8[%run_scoped3A_91, %dma_wait3A_237, %dma_wait3A_238] : memref<2x2x125xi32, #tpu.memory_space<vmem>> -> memref<1x2x125xi32, #tpu.memory_space<vmem>>
        %dma_wait3A_240 = tpu.memref_squeeze %dma_wait3A_239 : memref<1x2x125xi32, #tpu.memory_space<vmem>> -> memref<2x125xi32, #tpu.memory_space<vmem>>
        %dma_wait3A_241 = arith.constant 0 : i32
        %dma_wait3A_242 = tpu.memref_slice %arg4[%add3A_81, %dma_wait3A_241] : memref<12800x125xi32, #tpu.memory_space<hbm>> -> memref<2x125xi32, #tpu.memory_space<hbm>>
        tpu.wait_dma2 semaphore(%run_scoped3A_218 : memref<!tpu.dma_semaphore, #tpu.memory_space<semaphore_mem>>) src(%dma_wait3A_242 : memref<2x125xi32, #tpu.memory_space<hbm>>) dst(%dma_wait3A_240 : memref<2x125xi32, #tpu.memory_space<vmem>>)
        tpu.yield
      }) : () -> ()
      %dma_start3A = arith.constant 0 : i32
      %dma_start3A_92 = arith.constant 0 : i32
      %dma_start3A_93 = arith.constant 0 : i32
      %dma_start3A_94 = arith.constant 0 : i32
      %dma_start3A_95 = arith.constant 0 : i32
      %dma_start3A_96 = tpu.memref_slice %arg9[%dma_start3A_93, %dma_start3A_94, %dma_start3A_95] : memref<2x250x32xf32, #tpu.memory_space<vmem>> -> memref<1x250x32xf32, #tpu.memory_space<vmem>>
      %dma_start3A_97 = tpu.memref_squeeze %dma_start3A_96 : memref<1x250x32xf32, #tpu.memory_space<vmem>> -> memref<250x32xf32, #tpu.memory_space<vmem>>
      %dma_start3A_98 = arith.constant 0 : i32
      %dma_start3A_99 = tpu.memref_slice %arg7[%dma_start3A, %dma_start3A_92, %dma_start3A_98] : memref<2x1x250xi32, #tpu.memory_space<vmem>> -> memref<1x1x250xi32, #tpu.memory_space<vmem>>
      %dma_start3A_100 = tpu.memref_squeeze %dma_start3A_99 : memref<1x1x250xi32, #tpu.memory_space<vmem>> -> memref<250xi32, #tpu.memory_space<vmem>>
      %dma_start3A_101 = arith.constant 0 : i32
      %dma_start3A_102 = arith.constant 0 : i32
      %dma_start3A_103 = tpu.memref_slice %arg2[%dma_start3A_101, %dma_start3A_102] : memref<50000x32xf32, #tpu.memory_space<hbm>> -> memref<50000x32xf32, #tpu.memory_space<hbm>>
      tpu.enqueue_indirect_dma source(%dma_start3A_103 : memref<50000x32xf32, #tpu.memory_space<hbm>>) target(%dma_start3A_97 : memref<250x32xf32, #tpu.memory_space<vmem>>) offsets(%dma_start3A_100 : memref<250xi32, #tpu.memory_space<vmem>>) semaphore(%arg11 : memref<!tpu.dma_semaphore, #tpu.memory_space<semaphore_mem>>)
      %mul3A_104 = arith.constant 400 : i32
      %mul3A_105 = arith.muli %add3A, %mul3A_104 : i32
      %mul3A_106 = arith.constant 2 : i32
      %mul3A_107 = arith.muli %mul3A_106, %scan3A_72 : i32
      %add3A_108 = arith.constant 1 : i32
      %add3A_109 = arith.addi %mul3A_107, %add3A_108 : i32
      %mul3A_110 = arith.constant 2 : i32
      %mul3A_111 = arith.muli %add3A_109, %mul3A_110 : i32
      %add3A_112 = arith.addi %mul3A_105, %mul3A_111 : i32
      %gt3A_113 = arith.constant 0 : i32
      %gt3A_114 = arith.cmpi sgt, %scan3A_72, %gt3A_113 : i32
      %convert_element_type3A_115 = arith.extui %gt3A_114 : i1 to i32
      %cond3A_116 = arith.constant 0 : i32
      %cond3A_117 = arith.cmpi ne, %convert_element_type3A_115, %cond3A_116 : i32
      scf.if %cond3A_117 {
        %dma_wait3A_218 = arith.constant 1 : i32
        %dma_wait3A_219 = arith.constant 0 : i32
        %dma_wait3A_220 = arith.constant 0 : i32
        %dma_wait3A_221 = tpu.memref_slice %arg9[%dma_wait3A_218, %dma_wait3A_219, %dma_wait3A_220] : memref<2x250x32xf32, #tpu.memory_space<vmem>> -> memref<1x125x32xf32, #tpu.memory_space<vmem>>
        %dma_wait3A_222 = tpu.memref_squeeze %dma_wait3A_221 : memref<1x125x32xf32, #tpu.memory_space<vmem>> -> memref<125x32xf32, #tpu.memory_space<vmem>>
        %dma_wait3A_223 = arith.constant 0 : i32
        %dma_wait3A_224 = arith.constant 0 : i32
        %dma_wait3A_225 = tpu.memref_slice %arg5[%dma_wait3A_223, %dma_wait3A_224] : memref<3200x32xf32, #tpu.memory_space<hbm>> -> memref<125x32xf32, #tpu.memory_space<hbm>>
        %dma_wait3A_226 = arith.constant 0 : i32
        %dma_wait3A_227 = arith.constant 0 : i32
        %dma_wait3A_228 = tpu.memref_slice %arg9[%dma_wait3A_218, %dma_wait3A_226, %dma_wait3A_227] : memref<2x250x32xf32, #tpu.memory_space<vmem>> -> memref<1x125x32xf32, #tpu.memory_space<vmem>>
        %dma_wait3A_229 = tpu.memref_squeeze %dma_wait3A_228 : memref<1x125x32xf32, #tpu.memory_space<vmem>> -> memref<125x32xf32, #tpu.memory_space<vmem>>
        %dma_wait3A_230 = arith.constant 0 : i32
        %dma_wait3A_231 = arith.constant 0 : i32
        %dma_wait3A_232 = tpu.memref_slice %arg5[%dma_wait3A_230, %dma_wait3A_231] : memref<3200x32xf32, #tpu.memory_space<hbm>> -> memref<125x32xf32, #tpu.memory_space<hbm>>
        tpu.wait_dma2 semaphore(%arg14 : memref<!tpu.dma_semaphore, #tpu.memory_space<semaphore_mem>>) src(%dma_wait3A_232 : memref<125x32xf32, #tpu.memory_space<hbm>>) dst(%dma_wait3A_229 : memref<125x32xf32, #tpu.memory_space<vmem>>)
        %dma_wait3A_233 = arith.constant 1 : i32
        %dma_wait3A_234 = arith.constant 125 : i32
        %dma_wait3A_235 = arith.constant 0 : i32
        %dma_wait3A_236 = tpu.memref_slice %arg9[%dma_wait3A_233, %dma_wait3A_234, %dma_wait3A_235] : memref<2x250x32xf32, #tpu.memory_space<vmem>> -> memref<1x125x32xf32, #tpu.memory_space<vmem>>
        %dma_wait3A_237 = tpu.memref_squeeze %dma_wait3A_236 : memref<1x125x32xf32, #tpu.memory_space<vmem>> -> memref<125x32xf32, #tpu.memory_space<vmem>>
        %dma_wait3A_238 = arith.constant 0 : i32
        %dma_wait3A_239 = arith.constant 0 : i32
        %dma_wait3A_240 = tpu.memref_slice %arg5[%dma_wait3A_238, %dma_wait3A_239] : memref<3200x32xf32, #tpu.memory_space<hbm>> -> memref<125x32xf32, #tpu.memory_space<hbm>>
        %dma_wait3A_241 = arith.constant 125 : i32
        %dma_wait3A_242 = arith.constant 0 : i32
        %dma_wait3A_243 = tpu.memref_slice %arg9[%dma_wait3A_233, %dma_wait3A_241, %dma_wait3A_242] : memref<2x250x32xf32, #tpu.memory_space<vmem>> -> memref<1x125x32xf32, #tpu.memory_space<vmem>>
        %dma_wait3A_244 = tpu.memref_squeeze %dma_wait3A_243 : memref<1x125x32xf32, #tpu.memory_space<vmem>> -> memref<125x32xf32, #tpu.memory_space<vmem>>
        %dma_wait3A_245 = arith.constant 0 : i32
        %dma_wait3A_246 = arith.constant 0 : i32
        %dma_wait3A_247 = tpu.memref_slice %arg5[%dma_wait3A_245, %dma_wait3A_246] : memref<3200x32xf32, #tpu.memory_space<hbm>> -> memref<125x32xf32, #tpu.memory_space<hbm>>
        tpu.wait_dma2 semaphore(%arg14 : memref<!tpu.dma_semaphore, #tpu.memory_space<semaphore_mem>>) src(%dma_wait3A_247 : memref<125x32xf32, #tpu.memory_space<hbm>>) dst(%dma_wait3A_244 : memref<125x32xf32, #tpu.memory_space<vmem>>)
      } else {
      }
      %mul3A_118 = arith.constant 200 : i32
      %mul3A_119 = arith.muli %add3A, %mul3A_118 : i32
      %mul3A_120 = arith.constant 2 : i32
      %mul3A_121 = arith.muli %mul3A_120, %scan3A_72 : i32
      %add3A_122 = arith.addi %mul3A_119, %mul3A_121 : i32
      %add3A_123 = arith.constant 1 : i32
      %add3A_124 = arith.addi %add3A_122, %add3A_123 : i32
      %run_scoped3A_125 = arith.constant 1 : i32
      "tpu.region"() ({
        %run_scoped3A_218 = tpu.sem_alloc : memref<!tpu.dma_semaphore, #tpu.memory_space<semaphore_mem>>
        %dma_start3A_219 = arith.constant 0 : i32
        %dma_start3A_220 = arith.constant 0 : i32
        %dma_start3A_221 = tpu.memref_slice %arg7[%run_scoped3A_125, %dma_start3A_219, %dma_start3A_220] : memref<2x1x250xi32, #tpu.memory_space<vmem>> -> memref<1x1x250xi32, #tpu.memory_space<vmem>>
        %dma_start3A_222 = tpu.memref_squeeze %dma_start3A_221 : memref<1x1x250xi32, #tpu.memory_space<vmem>> -> memref<1x250xi32, #tpu.memory_space<vmem>>
        %dma_start3A_223 = arith.constant 0 : i32
        %dma_start3A_224 = tpu.memref_slice %arg3[%add3A_124, %dma_start3A_223] : memref<6400x250xi32, #tpu.memory_space<hbm>> -> memref<1x250xi32, #tpu.memory_space<hbm>>
        %dma_start3A_225 = arith.constant 0 : i32
        %dma_start3A_226 = arith.constant 0 : i32
        %dma_start3A_227 = tpu.memref_slice %arg7[%run_scoped3A_125, %dma_start3A_225, %dma_start3A_226] : memref<2x1x250xi32, #tpu.memory_space<vmem>> -> memref<1x1x250xi32, #tpu.memory_space<vmem>>
        %dma_start3A_228 = tpu.memref_squeeze %dma_start3A_227 : memref<1x1x250xi32, #tpu.memory_space<vmem>> -> memref<1x250xi32, #tpu.memory_space<vmem>>
        %dma_start3A_229 = arith.constant 0 : i32
        %dma_start3A_230 = tpu.memref_slice %arg3[%add3A_124, %dma_start3A_229] : memref<6400x250xi32, #tpu.memory_space<hbm>> -> memref<1x250xi32, #tpu.memory_space<hbm>>
        tpu.enqueue_dma source(%dma_start3A_230 : memref<1x250xi32, #tpu.memory_space<hbm>>) target(%dma_start3A_228 : memref<1x250xi32, #tpu.memory_space<vmem>>) target_semaphore(%run_scoped3A_218 : memref<!tpu.dma_semaphore, #tpu.memory_space<semaphore_mem>>)
        %dma_wait3A_231 = arith.constant 0 : i32
        %dma_wait3A_232 = arith.constant 0 : i32
        %dma_wait3A_233 = tpu.memref_slice %arg7[%run_scoped3A_125, %dma_wait3A_231, %dma_wait3A_232] : memref<2x1x250xi32, #tpu.memory_space<vmem>> -> memref<1x1x250xi32, #tpu.memory_space<vmem>>
        %dma_wait3A_234 = tpu.memref_squeeze %dma_wait3A_233 : memref<1x1x250xi32, #tpu.memory_space<vmem>> -> memref<1x250xi32, #tpu.memory_space<vmem>>
        %dma_wait3A_235 = arith.constant 0 : i32
        %dma_wait3A_236 = tpu.memref_slice %arg3[%add3A_124, %dma_wait3A_235] : memref<6400x250xi32, #tpu.memory_space<hbm>> -> memref<1x250xi32, #tpu.memory_space<hbm>>
        %dma_wait3A_237 = arith.constant 0 : i32
        %dma_wait3A_238 = arith.constant 0 : i32
        %dma_wait3A_239 = tpu.memref_slice %arg7[%run_scoped3A_125, %dma_wait3A_237, %dma_wait3A_238] : memref<2x1x250xi32, #tpu.memory_space<vmem>> -> memref<1x1x250xi32, #tpu.memory_space<vmem>>
        %dma_wait3A_240 = tpu.memref_squeeze %dma_wait3A_239 : memref<1x1x250xi32, #tpu.memory_space<vmem>> -> memref<1x250xi32, #tpu.memory_space<vmem>>
        %dma_wait3A_241 = arith.constant 0 : i32
        %dma_wait3A_242 = tpu.memref_slice %arg3[%add3A_124, %dma_wait3A_241] : memref<6400x250xi32, #tpu.memory_space<hbm>> -> memref<1x250xi32, #tpu.memory_space<hbm>>
        tpu.wait_dma2 semaphore(%run_scoped3A_218 : memref<!tpu.dma_semaphore, #tpu.memory_space<semaphore_mem>>) src(%dma_wait3A_242 : memref<1x250xi32, #tpu.memory_space<hbm>>) dst(%dma_wait3A_240 : memref<1x250xi32, #tpu.memory_space<vmem>>)
        tpu.yield
      }) : () -> ()
      %run_scoped3A_126 = arith.constant 1 : i32
      "tpu.region"() ({
        %run_scoped3A_218 = tpu.sem_alloc : memref<!tpu.dma_semaphore, #tpu.memory_space<semaphore_mem>>
        %dma_start3A_219 = arith.constant 0 : i32
        %dma_start3A_220 = arith.constant 0 : i32
        %dma_start3A_221 = tpu.memref_slice %arg8[%run_scoped3A_126, %dma_start3A_219, %dma_start3A_220] : memref<2x2x125xi32, #tpu.memory_space<vmem>> -> memref<1x2x125xi32, #tpu.memory_space<vmem>>
        %dma_start3A_222 = tpu.memref_squeeze %dma_start3A_221 : memref<1x2x125xi32, #tpu.memory_space<vmem>> -> memref<2x125xi32, #tpu.memory_space<vmem>>
        %dma_start3A_223 = arith.constant 0 : i32
        %dma_start3A_224 = tpu.memref_slice %arg4[%add3A_112, %dma_start3A_223] : memref<12800x125xi32, #tpu.memory_space<hbm>> -> memref<2x125xi32, #tpu.memory_space<hbm>>
        %dma_start3A_225 = arith.constant 0 : i32
        %dma_start3A_226 = arith.constant 0 : i32
        %dma_start3A_227 = tpu.memref_slice %arg8[%run_scoped3A_126, %dma_start3A_225, %dma_start3A_226] : memref<2x2x125xi32, #tpu.memory_space<vmem>> -> memref<1x2x125xi32, #tpu.memory_space<vmem>>
        %dma_start3A_228 = tpu.memref_squeeze %dma_start3A_227 : memref<1x2x125xi32, #tpu.memory_space<vmem>> -> memref<2x125xi32, #tpu.memory_space<vmem>>
        %dma_start3A_229 = arith.constant 0 : i32
        %dma_start3A_230 = tpu.memref_slice %arg4[%add3A_112, %dma_start3A_229] : memref<12800x125xi32, #tpu.memory_space<hbm>> -> memref<2x125xi32, #tpu.memory_space<hbm>>
        tpu.enqueue_dma source(%dma_start3A_230 : memref<2x125xi32, #tpu.memory_space<hbm>>) target(%dma_start3A_228 : memref<2x125xi32, #tpu.memory_space<vmem>>) target_semaphore(%run_scoped3A_218 : memref<!tpu.dma_semaphore, #tpu.memory_space<semaphore_mem>>)
        %dma_wait3A_231 = arith.constant 0 : i32
        %dma_wait3A_232 = arith.constant 0 : i32
        %dma_wait3A_233 = tpu.memref_slice %arg8[%run_scoped3A_126, %dma_wait3A_231, %dma_wait3A_232] : memref<2x2x125xi32, #tpu.memory_space<vmem>> -> memref<1x2x125xi32, #tpu.memory_space<vmem>>
        %dma_wait3A_234 = tpu.memref_squeeze %dma_wait3A_233 : memref<1x2x125xi32, #tpu.memory_space<vmem>> -> memref<2x125xi32, #tpu.memory_space<vmem>>
        %dma_wait3A_235 = arith.constant 0 : i32
        %dma_wait3A_236 = tpu.memref_slice %arg4[%add3A_112, %dma_wait3A_235] : memref<12800x125xi32, #tpu.memory_space<hbm>> -> memref<2x125xi32, #tpu.memory_space<hbm>>
        %dma_wait3A_237 = arith.constant 0 : i32
        %dma_wait3A_238 = arith.constant 0 : i32
        %dma_wait3A_239 = tpu.memref_slice %arg8[%run_scoped3A_126, %dma_wait3A_237, %dma_wait3A_238] : memref<2x2x125xi32, #tpu.memory_space<vmem>> -> memref<1x2x125xi32, #tpu.memory_space<vmem>>
        %dma_wait3A_240 = tpu.memref_squeeze %dma_wait3A_239 : memref<1x2x125xi32, #tpu.memory_space<vmem>> -> memref<2x125xi32, #tpu.memory_space<vmem>>
        %dma_wait3A_241 = arith.constant 0 : i32
        %dma_wait3A_242 = tpu.memref_slice %arg4[%add3A_112, %dma_wait3A_241] : memref<12800x125xi32, #tpu.memory_space<hbm>> -> memref<2x125xi32, #tpu.memory_space<hbm>>
        tpu.wait_dma2 semaphore(%run_scoped3A_218 : memref<!tpu.dma_semaphore, #tpu.memory_space<semaphore_mem>>) src(%dma_wait3A_242 : memref<2x125xi32, #tpu.memory_space<hbm>>) dst(%dma_wait3A_240 : memref<2x125xi32, #tpu.memory_space<vmem>>)
        tpu.yield
      }) : () -> ()
      %dma_start3A_127 = arith.constant 1 : i32
      %dma_start3A_128 = arith.constant 0 : i32
      %dma_start3A_129 = arith.constant 1 : i32
      %dma_start3A_130 = arith.constant 0 : i32
      %dma_start3A_131 = arith.constant 0 : i32
      %dma_start3A_132 = tpu.memref_slice %arg9[%dma_start3A_129, %dma_start3A_130, %dma_start3A_131] : memref<2x250x32xf32, #tpu.memory_space<vmem>> -> memref<1x250x32xf32, #tpu.memory_space<vmem>>
      %dma_start3A_133 = tpu.memref_squeeze %dma_start3A_132 : memref<1x250x32xf32, #tpu.memory_space<vmem>> -> memref<250x32xf32, #tpu.memory_space<vmem>>
      %dma_start3A_134 = arith.constant 0 : i32
      %dma_start3A_135 = tpu.memref_slice %arg7[%dma_start3A_127, %dma_start3A_128, %dma_start3A_134] : memref<2x1x250xi32, #tpu.memory_space<vmem>> -> memref<1x1x250xi32, #tpu.memory_space<vmem>>
      %dma_start3A_136 = tpu.memref_squeeze %dma_start3A_135 : memref<1x1x250xi32, #tpu.memory_space<vmem>> -> memref<250xi32, #tpu.memory_space<vmem>>
      %dma_start3A_137 = arith.constant 0 : i32
      %dma_start3A_138 = arith.constant 0 : i32
      %dma_start3A_139 = tpu.memref_slice %arg2[%dma_start3A_137, %dma_start3A_138] : memref<50000x32xf32, #tpu.memory_space<hbm>> -> memref<50000x32xf32, #tpu.memory_space<hbm>>
      tpu.enqueue_indirect_dma source(%dma_start3A_139 : memref<50000x32xf32, #tpu.memory_space<hbm>>) target(%dma_start3A_133 : memref<250x32xf32, #tpu.memory_space<vmem>>) offsets(%dma_start3A_136 : memref<250xi32, #tpu.memory_space<vmem>>) semaphore(%arg12 : memref<!tpu.dma_semaphore, #tpu.memory_space<semaphore_mem>>)
      %dma_wait3A_140 = arith.constant 0 : i32
      %dma_wait3A_141 = arith.constant 0 : i32
      %dma_wait3A_142 = arith.constant 0 : i32
      %dma_wait3A_143 = arith.constant 0 : i32
      %dma_wait3A_144 = arith.constant 0 : i32
      %dma_wait3A_145 = tpu.memref_slice %arg9[%dma_wait3A_142, %dma_wait3A_143, %dma_wait3A_144] : memref<2x250x32xf32, #tpu.memory_space<vmem>> -> memref<1x250x32xf32, #tpu.memory_space<vmem>>
      %dma_wait3A_146 = tpu.memref_squeeze %dma_wait3A_145 : memref<1x250x32xf32, #tpu.memory_space<vmem>> -> memref<250x32xf32, #tpu.memory_space<vmem>>
      %dma_wait3A_147 = arith.constant 0 : i32
      %dma_wait3A_148 = tpu.memref_slice %arg7[%dma_wait3A_140, %dma_wait3A_141, %dma_wait3A_147] : memref<2x1x250xi32, #tpu.memory_space<vmem>> -> memref<1x1x250xi32, #tpu.memory_space<vmem>>
      %dma_wait3A_149 = tpu.memref_squeeze %dma_wait3A_148 : memref<1x1x250xi32, #tpu.memory_space<vmem>> -> memref<250xi32, #tpu.memory_space<vmem>>
      %dma_wait3A_150 = arith.constant 0 : i32
      %dma_wait3A_151 = arith.constant 0 : i32
      %dma_wait3A_152 = tpu.memref_slice %arg2[%dma_wait3A_150, %dma_wait3A_151] : memref<50000x32xf32, #tpu.memory_space<hbm>> -> memref<50000x32xf32, #tpu.memory_space<hbm>>
      tpu.wait_indirect_dma semaphore(%arg11 : memref<!tpu.dma_semaphore, #tpu.memory_space<semaphore_mem>>) src(%dma_wait3A_152 : memref<50000x32xf32, #tpu.memory_space<hbm>>) dst(%dma_wait3A_146 : memref<250x32xf32, #tpu.memory_space<vmem>>)
      %dma_start3A_153 = arith.constant 0 : i32
      %dma_start3A_154 = arith.constant 0 : i32
      %dma_start3A_155 = arith.constant 0 : i32
      %dma_start3A_156 = arith.constant 0 : i32
      %dma_start3A_157 = arith.constant 0 : i32
      %dma_start3A_158 = tpu.memref_slice %arg9[%dma_start3A_153, %dma_start3A_156, %dma_start3A_157] : memref<2x250x32xf32, #tpu.memory_space<vmem>> -> memref<1x125x32xf32, #tpu.memory_space<vmem>>
      %dma_start3A_159 = tpu.memref_squeeze %dma_start3A_158 : memref<1x125x32xf32, #tpu.memory_space<vmem>> -> memref<125x32xf32, #tpu.memory_space<vmem>>
      %dma_start3A_160 = arith.constant 0 : i32
      %dma_start3A_161 = tpu.memref_slice %arg8[%dma_start3A_154, %dma_start3A_155, %dma_start3A_160] : memref<2x2x125xi32, #tpu.memory_space<vmem>> -> memref<1x1x125xi32, #tpu.memory_space<vmem>>
      %dma_start3A_162 = tpu.memref_squeeze %dma_start3A_161 : memref<1x1x125xi32, #tpu.memory_space<vmem>> -> memref<125xi32, #tpu.memory_space<vmem>>
      %dma_start3A_163 = arith.constant 0 : i32
      %dma_start3A_164 = arith.constant 0 : i32
      %dma_start3A_165 = tpu.memref_slice %arg10[%dma_start3A_163, %dma_start3A_164] : memref<51200x32xf32, #tpu.memory_space<vmem_shared>> -> memref<51200x32xf32, #tpu.memory_space<vmem_shared>>
      tpu.enqueue_indirect_dma source(%dma_start3A_159 : memref<125x32xf32, #tpu.memory_space<vmem>>) target(%dma_start3A_165 : memref<51200x32xf32, #tpu.memory_space<vmem_shared>>) offsets(%dma_start3A_162 : memref<125xi32, #tpu.memory_space<vmem>>) semaphore(%arg13 : memref<!tpu.dma_semaphore, #tpu.memory_space<semaphore_mem>>) {add = true}
      %dma_start3A_166 = arith.constant 0 : i32
      %dma_start3A_167 = arith.constant 0 : i32
      %dma_start3A_168 = arith.constant 1 : i32
      %dma_start3A_169 = arith.constant 125 : i32
      %dma_start3A_170 = arith.constant 0 : i32
      %dma_start3A_171 = tpu.memref_slice %arg9[%dma_start3A_166, %dma_start3A_169, %dma_start3A_170] : memref<2x250x32xf32, #tpu.memory_space<vmem>> -> memref<1x125x32xf32, #tpu.memory_space<vmem>>
      %dma_start3A_172 = tpu.memref_squeeze %dma_start3A_171 : memref<1x125x32xf32, #tpu.memory_space<vmem>> -> memref<125x32xf32, #tpu.memory_space<vmem>>
      %dma_start3A_173 = arith.constant 0 : i32
      %dma_start3A_174 = tpu.memref_slice %arg8[%dma_start3A_167, %dma_start3A_168, %dma_start3A_173] : memref<2x2x125xi32, #tpu.memory_space<vmem>> -> memref<1x1x125xi32, #tpu.memory_space<vmem>>
      %dma_start3A_175 = tpu.memref_squeeze %dma_start3A_174 : memref<1x1x125xi32, #tpu.memory_space<vmem>> -> memref<125xi32, #tpu.memory_space<vmem>>
      %dma_start3A_176 = arith.constant 0 : i32
      %dma_start3A_177 = arith.constant 0 : i32
      %dma_start3A_178 = tpu.memref_slice %arg10[%dma_start3A_176, %dma_start3A_177] : memref<51200x32xf32, #tpu.memory_space<vmem_shared>> -> memref<51200x32xf32, #tpu.memory_space<vmem_shared>>
      tpu.enqueue_indirect_dma source(%dma_start3A_172 : memref<125x32xf32, #tpu.memory_space<vmem>>) target(%dma_start3A_178 : memref<51200x32xf32, #tpu.memory_space<vmem_shared>>) offsets(%dma_start3A_175 : memref<125xi32, #tpu.memory_space<vmem>>) semaphore(%arg13 : memref<!tpu.dma_semaphore, #tpu.memory_space<semaphore_mem>>) {add = true}
      %dma_wait3A_179 = arith.constant 1 : i32
      %dma_wait3A_180 = arith.constant 0 : i32
      %dma_wait3A_181 = arith.constant 1 : i32
      %dma_wait3A_182 = arith.constant 0 : i32
      %dma_wait3A_183 = arith.constant 0 : i32
      %dma_wait3A_184 = tpu.memref_slice %arg9[%dma_wait3A_181, %dma_wait3A_182, %dma_wait3A_183] : memref<2x250x32xf32, #tpu.memory_space<vmem>> -> memref<1x250x32xf32, #tpu.memory_space<vmem>>
      %dma_wait3A_185 = tpu.memref_squeeze %dma_wait3A_184 : memref<1x250x32xf32, #tpu.memory_space<vmem>> -> memref<250x32xf32, #tpu.memory_space<vmem>>
      %dma_wait3A_186 = arith.constant 0 : i32
      %dma_wait3A_187 = tpu.memref_slice %arg7[%dma_wait3A_179, %dma_wait3A_180, %dma_wait3A_186] : memref<2x1x250xi32, #tpu.memory_space<vmem>> -> memref<1x1x250xi32, #tpu.memory_space<vmem>>
      %dma_wait3A_188 = tpu.memref_squeeze %dma_wait3A_187 : memref<1x1x250xi32, #tpu.memory_space<vmem>> -> memref<250xi32, #tpu.memory_space<vmem>>
      %dma_wait3A_189 = arith.constant 0 : i32
      %dma_wait3A_190 = arith.constant 0 : i32
      %dma_wait3A_191 = tpu.memref_slice %arg2[%dma_wait3A_189, %dma_wait3A_190] : memref<50000x32xf32, #tpu.memory_space<hbm>> -> memref<50000x32xf32, #tpu.memory_space<hbm>>
      tpu.wait_indirect_dma semaphore(%arg12 : memref<!tpu.dma_semaphore, #tpu.memory_space<semaphore_mem>>) src(%dma_wait3A_191 : memref<50000x32xf32, #tpu.memory_space<hbm>>) dst(%dma_wait3A_185 : memref<250x32xf32, #tpu.memory_space<vmem>>)
      %dma_start3A_192 = arith.constant 1 : i32
      %dma_start3A_193 = arith.constant 1 : i32
      %dma_start3A_194 = arith.constant 0 : i32
      %dma_start3A_195 = arith.constant 0 : i32
      %dma_start3A_196 = arith.constant 0 : i32
      %dma_start3A_197 = tpu.memref_slice %arg9[%dma_start3A_192, %dma_start3A_195, %dma_start3A_196] : memref<2x250x32xf32, #tpu.memory_space<vmem>> -> memref<1x125x32xf32, #tpu.memory_space<vmem>>
      %dma_start3A_198 = tpu.memref_squeeze %dma_start3A_197 : memref<1x125x32xf32, #tpu.memory_space<vmem>> -> memref<125x32xf32, #tpu.memory_space<vmem>>
      %dma_start3A_199 = arith.constant 0 : i32
      %dma_start3A_200 = tpu.memref_slice %arg8[%dma_start3A_193, %dma_start3A_194, %dma_start3A_199] : memref<2x2x125xi32, #tpu.memory_space<vmem>> -> memref<1x1x125xi32, #tpu.memory_space<vmem>>
      %dma_start3A_201 = tpu.memref_squeeze %dma_start3A_200 : memref<1x1x125xi32, #tpu.memory_space<vmem>> -> memref<125xi32, #tpu.memory_space<vmem>>
      %dma_start3A_202 = arith.constant 0 : i32
      %dma_start3A_203 = arith.constant 0 : i32
      %dma_start3A_204 = tpu.memref_slice %arg10[%dma_start3A_202, %dma_start3A_203] : memref<51200x32xf32, #tpu.memory_space<vmem_shared>> -> memref<51200x32xf32, #tpu.memory_space<vmem_shared>>
      tpu.enqueue_indirect_dma source(%dma_start3A_198 : memref<125x32xf32, #tpu.memory_space<vmem>>) target(%dma_start3A_204 : memref<51200x32xf32, #tpu.memory_space<vmem_shared>>) offsets(%dma_start3A_201 : memref<125xi32, #tpu.memory_space<vmem>>) semaphore(%arg14 : memref<!tpu.dma_semaphore, #tpu.memory_space<semaphore_mem>>) {add = true}
      %dma_start3A_205 = arith.constant 1 : i32
      %dma_start3A_206 = arith.constant 1 : i32
      %dma_start3A_207 = arith.constant 1 : i32
      %dma_start3A_208 = arith.constant 125 : i32
      %dma_start3A_209 = arith.constant 0 : i32
      %dma_start3A_210 = tpu.memref_slice %arg9[%dma_start3A_205, %dma_start3A_208, %dma_start3A_209] : memref<2x250x32xf32, #tpu.memory_space<vmem>> -> memref<1x125x32xf32, #tpu.memory_space<vmem>>
      %dma_start3A_211 = tpu.memref_squeeze %dma_start3A_210 : memref<1x125x32xf32, #tpu.memory_space<vmem>> -> memref<125x32xf32, #tpu.memory_space<vmem>>
      %dma_start3A_212 = arith.constant 0 : i32
      %dma_start3A_213 = tpu.memref_slice %arg8[%dma_start3A_206, %dma_start3A_207, %dma_start3A_212] : memref<2x2x125xi32, #tpu.memory_space<vmem>> -> memref<1x1x125xi32, #tpu.memory_space<vmem>>
      %dma_start3A_214 = tpu.memref_squeeze %dma_start3A_213 : memref<1x1x125xi32, #tpu.memory_space<vmem>> -> memref<125xi32, #tpu.memory_space<vmem>>
      %dma_start3A_215 = arith.constant 0 : i32
      %dma_start3A_216 = arith.constant 0 : i32
      %dma_start3A_217 = tpu.memref_slice %arg10[%dma_start3A_215, %dma_start3A_216] : memref<51200x32xf32, #tpu.memory_space<vmem_shared>> -> memref<51200x32xf32, #tpu.memory_space<vmem_shared>>
      tpu.enqueue_indirect_dma source(%dma_start3A_211 : memref<125x32xf32, #tpu.memory_space<vmem>>) target(%dma_start3A_217 : memref<51200x32xf32, #tpu.memory_space<vmem_shared>>) offsets(%dma_start3A_214 : memref<125xi32, #tpu.memory_space<vmem>>) semaphore(%arg14 : memref<!tpu.dma_semaphore, #tpu.memory_space<semaphore_mem>>) {add = true}
    }
    %scan3A_7 = arith.constant 100 : i32
    %dma_wait3A = arith.constant 0 : i32
    %dma_wait3A_8 = arith.constant 0 : i32
    %dma_wait3A_9 = arith.constant 0 : i32
    %dma_wait3A_10 = tpu.memref_slice %arg9[%dma_wait3A, %dma_wait3A_8, %dma_wait3A_9] : memref<2x250x32xf32, #tpu.memory_space<vmem>> -> memref<1x125x32xf32, #tpu.memory_space<vmem>>
    %dma_wait3A_11 = tpu.memref_squeeze %dma_wait3A_10 : memref<1x125x32xf32, #tpu.memory_space<vmem>> -> memref<125x32xf32, #tpu.memory_space<vmem>>
    %dma_wait3A_12 = arith.constant 0 : i32
    %dma_wait3A_13 = arith.constant 0 : i32
    %dma_wait3A_14 = tpu.memref_slice %arg5[%dma_wait3A_12, %dma_wait3A_13] : memref<3200x32xf32, #tpu.memory_space<hbm>> -> memref<125x32xf32, #tpu.memory_space<hbm>>
    %dma_wait3A_15 = arith.constant 0 : i32
    %dma_wait3A_16 = arith.constant 0 : i32
    %dma_wait3A_17 = tpu.memref_slice %arg9[%dma_wait3A, %dma_wait3A_15, %dma_wait3A_16] : memref<2x250x32xf32, #tpu.memory_space<vmem>> -> memref<1x125x32xf32, #tpu.memory_space<vmem>>
    %dma_wait3A_18 = tpu.memref_squeeze %dma_wait3A_17 : memref<1x125x32xf32, #tpu.memory_space<vmem>> -> memref<125x32xf32, #tpu.memory_space<vmem>>
    %dma_wait3A_19 = arith.constant 0 : i32
    %dma_wait3A_20 = arith.constant 0 : i32
    %dma_wait3A_21 = tpu.memref_slice %arg5[%dma_wait3A_19, %dma_wait3A_20] : memref<3200x32xf32, #tpu.memory_space<hbm>> -> memref<125x32xf32, #tpu.memory_space<hbm>>
    tpu.wait_dma2 semaphore(%arg13 : memref<!tpu.dma_semaphore, #tpu.memory_space<semaphore_mem>>) src(%dma_wait3A_21 : memref<125x32xf32, #tpu.memory_space<hbm>>) dst(%dma_wait3A_18 : memref<125x32xf32, #tpu.memory_space<vmem>>)
    %dma_wait3A_22 = arith.constant 0 : i32
    %dma_wait3A_23 = arith.constant 125 : i32
    %dma_wait3A_24 = arith.constant 0 : i32
    %dma_wait3A_25 = tpu.memref_slice %arg9[%dma_wait3A_22, %dma_wait3A_23, %dma_wait3A_24] : memref<2x250x32xf32, #tpu.memory_space<vmem>> -> memref<1x125x32xf32, #tpu.memory_space<vmem>>
    %dma_wait3A_26 = tpu.memref_squeeze %dma_wait3A_25 : memref<1x125x32xf32, #tpu.memory_space<vmem>> -> memref<125x32xf32, #tpu.memory_space<vmem>>
    %dma_wait3A_27 = arith.constant 0 : i32
    %dma_wait3A_28 = arith.constant 0 : i32
    %dma_wait3A_29 = tpu.memref_slice %arg5[%dma_wait3A_27, %dma_wait3A_28] : memref<3200x32xf32, #tpu.memory_space<hbm>> -> memref<125x32xf32, #tpu.memory_space<hbm>>
    %dma_wait3A_30 = arith.constant 125 : i32
    %dma_wait3A_31 = arith.constant 0 : i32
    %dma_wait3A_32 = tpu.memref_slice %arg9[%dma_wait3A_22, %dma_wait3A_30, %dma_wait3A_31] : memref<2x250x32xf32, #tpu.memory_space<vmem>> -> memref<1x125x32xf32, #tpu.memory_space<vmem>>
    %dma_wait3A_33 = tpu.memref_squeeze %dma_wait3A_32 : memref<1x125x32xf32, #tpu.memory_space<vmem>> -> memref<125x32xf32, #tpu.memory_space<vmem>>
    %dma_wait3A_34 = arith.constant 0 : i32
    %dma_wait3A_35 = arith.constant 0 : i32
    %dma_wait3A_36 = tpu.memref_slice %arg5[%dma_wait3A_34, %dma_wait3A_35] : memref<3200x32xf32, #tpu.memory_space<hbm>> -> memref<125x32xf32, #tpu.memory_space<hbm>>
    tpu.wait_dma2 semaphore(%arg13 : memref<!tpu.dma_semaphore, #tpu.memory_space<semaphore_mem>>) src(%dma_wait3A_36 : memref<125x32xf32, #tpu.memory_space<hbm>>) dst(%dma_wait3A_33 : memref<125x32xf32, #tpu.memory_space<vmem>>)
    %dma_wait3A_37 = arith.constant 1 : i32
    %dma_wait3A_38 = arith.constant 0 : i32
    %dma_wait3A_39 = arith.constant 0 : i32
    %dma_wait3A_40 = tpu.memref_slice %arg9[%dma_wait3A_37, %dma_wait3A_38, %dma_wait3A_39] : memref<2x250x32xf32, #tpu.memory_space<vmem>> -> memref<1x125x32xf32, #tpu.memory_space<vmem>>
    %dma_wait3A_41 = tpu.memref_squeeze %dma_wait3A_40 : memref<1x125x32xf32, #tpu.memory_space<vmem>> -> memref<125x32xf32, #tpu.memory_space<vmem>>
    %dma_wait3A_42 = arith.constant 0 : i32
    %dma_wait3A_43 = arith.constant 0 : i32
    %dma_wait3A_44 = tpu.memref_slice %arg5[%dma_wait3A_42, %dma_wait3A_43] : memref<3200x32xf32, #tpu.memory_space<hbm>> -> memref<125x32xf32, #tpu.memory_space<hbm>>
    %dma_wait3A_45 = arith.constant 0 : i32
    %dma_wait3A_46 = arith.constant 0 : i32
    %dma_wait3A_47 = tpu.memref_slice %arg9[%dma_wait3A_37, %dma_wait3A_45, %dma_wait3A_46] : memref<2x250x32xf32, #tpu.memory_space<vmem>> -> memref<1x125x32xf32, #tpu.memory_space<vmem>>
    %dma_wait3A_48 = tpu.memref_squeeze %dma_wait3A_47 : memref<1x125x32xf32, #tpu.memory_space<vmem>> -> memref<125x32xf32, #tpu.memory_space<vmem>>
    %dma_wait3A_49 = arith.constant 0 : i32
    %dma_wait3A_50 = arith.constant 0 : i32
    %dma_wait3A_51 = tpu.memref_slice %arg5[%dma_wait3A_49, %dma_wait3A_50] : memref<3200x32xf32, #tpu.memory_space<hbm>> -> memref<125x32xf32, #tpu.memory_space<hbm>>
    tpu.wait_dma2 semaphore(%arg14 : memref<!tpu.dma_semaphore, #tpu.memory_space<semaphore_mem>>) src(%dma_wait3A_51 : memref<125x32xf32, #tpu.memory_space<hbm>>) dst(%dma_wait3A_48 : memref<125x32xf32, #tpu.memory_space<vmem>>)
    %dma_wait3A_52 = arith.constant 1 : i32
    %dma_wait3A_53 = arith.constant 125 : i32
    %dma_wait3A_54 = arith.constant 0 : i32
    %dma_wait3A_55 = tpu.memref_slice %arg9[%dma_wait3A_52, %dma_wait3A_53, %dma_wait3A_54] : memref<2x250x32xf32, #tpu.memory_space<vmem>> -> memref<1x125x32xf32, #tpu.memory_space<vmem>>
    %dma_wait3A_56 = tpu.memref_squeeze %dma_wait3A_55 : memref<1x125x32xf32, #tpu.memory_space<vmem>> -> memref<125x32xf32, #tpu.memory_space<vmem>>
    %dma_wait3A_57 = arith.constant 0 : i32
    %dma_wait3A_58 = arith.constant 0 : i32
    %dma_wait3A_59 = tpu.memref_slice %arg5[%dma_wait3A_57, %dma_wait3A_58] : memref<3200x32xf32, #tpu.memory_space<hbm>> -> memref<125x32xf32, #tpu.memory_space<hbm>>
    %dma_wait3A_60 = arith.constant 125 : i32
    %dma_wait3A_61 = arith.constant 0 : i32
    %dma_wait3A_62 = tpu.memref_slice %arg9[%dma_wait3A_52, %dma_wait3A_60, %dma_wait3A_61] : memref<2x250x32xf32, #tpu.memory_space<vmem>> -> memref<1x125x32xf32, #tpu.memory_space<vmem>>
    %dma_wait3A_63 = tpu.memref_squeeze %dma_wait3A_62 : memref<1x125x32xf32, #tpu.memory_space<vmem>> -> memref<125x32xf32, #tpu.memory_space<vmem>>
    %dma_wait3A_64 = arith.constant 0 : i32
    %dma_wait3A_65 = arith.constant 0 : i32
    %dma_wait3A_66 = tpu.memref_slice %arg5[%dma_wait3A_64, %dma_wait3A_65] : memref<3200x32xf32, #tpu.memory_space<hbm>> -> memref<125x32xf32, #tpu.memory_space<hbm>>
    tpu.wait_dma2 semaphore(%arg14 : memref<!tpu.dma_semaphore, #tpu.memory_space<semaphore_mem>>) src(%dma_wait3A_66 : memref<125x32xf32, #tpu.memory_space<hbm>>) dst(%dma_wait3A_63 : memref<125x32xf32, #tpu.memory_space<vmem>>)
    %barrier3A_67 = arith.constant 0 : index
    tpu.barrier barrier_id(%barrier3A_67)
    %mul3A_68 = arith.constant 3200 : i32
    %mul3A_69 = arith.muli %arg1, %mul3A_68 : i32
    %mul3A_70 = arith.constant 3200 : i32
    %mul3A_71 = arith.muli %arg1, %mul3A_70 : i32
    "tpu.region"() ({
      %run_scoped3A = tpu.sem_alloc : memref<!tpu.dma_semaphore, #tpu.memory_space<semaphore_mem>>
      %dma_start3A = arith.constant 0 : i32
      %dma_start3A_72 = tpu.memref_slice %arg6[%arg0, %mul3A_71, %dma_start3A] : memref<2x51200x32xf32, #tpu.memory_space<hbm>> -> memref<1x3200x32xf32, #tpu.memory_space<hbm>>
      %dma_start3A_73 = tpu.memref_squeeze %dma_start3A_72 : memref<1x3200x32xf32, #tpu.memory_space<hbm>> -> memref<3200x32xf32, #tpu.memory_space<hbm>>
      %dma_start3A_74 = arith.constant 0 : i32
      %dma_start3A_75 = tpu.memref_slice %arg10[%mul3A_69, %dma_start3A_74] : memref<51200x32xf32, #tpu.memory_space<vmem_shared>> -> memref<3200x32xf32, #tpu.memory_space<vmem_shared>>
      tpu.enqueue_dma source(%dma_start3A_75 : memref<3200x32xf32, #tpu.memory_space<vmem_shared>>) target(%dma_start3A_73 : memref<3200x32xf32, #tpu.memory_space<hbm>>) target_semaphore(%run_scoped3A : memref<!tpu.dma_semaphore, #tpu.memory_space<semaphore_mem>>)
      %dma_wait3A_76 = arith.constant 0 : i32
      %dma_wait3A_77 = tpu.memref_slice %arg6[%arg0, %mul3A_71, %dma_wait3A_76] : memref<2x51200x32xf32, #tpu.memory_space<hbm>> -> memref<1x3200x32xf32, #tpu.memory_space<hbm>>
      %dma_wait3A_78 = tpu.memref_squeeze %dma_wait3A_77 : memref<1x3200x32xf32, #tpu.memory_space<hbm>> -> memref<3200x32xf32, #tpu.memory_space<hbm>>
      %dma_wait3A_79 = arith.constant 0 : i32
      %dma_wait3A_80 = tpu.memref_slice %arg10[%mul3A_69, %dma_wait3A_79] : memref<51200x32xf32, #tpu.memory_space<vmem_shared>> -> memref<3200x32xf32, #tpu.memory_space<vmem_shared>>
      tpu.wait_dma2 semaphore(%run_scoped3A : memref<!tpu.dma_semaphore, #tpu.memory_space<semaphore_mem>>) src(%dma_wait3A_80 : memref<3200x32xf32, #tpu.memory_space<vmem_shared>>) dst(%dma_wait3A_78 : memref<3200x32xf32, #tpu.memory_space<hbm>>)
      tpu.yield
    }) : () -> ()
    return
  }
}

#map = affine_map<(d0, d1) -> (0, 0)>
#map1 = affine_map<(d0, d1) -> (0, 0, 0)>
module attributes {stable_mosaic.version = 14 : i64} {
  func.func @_sc_aggregate(%arg0: i32, %arg1: i32, %arg2: memref<50000x32xf32, #tpu.memory_space<hbm>>, %arg3: memref<6400x250xi32, #tpu.memory_space<hbm>>, %arg4: memref<12800x125xi32, #tpu.memory_space<hbm>>, %arg5: memref<3200x32xf32, #tpu.memory_space<hbm>>, %arg6: memref<2x51200x32xf32, #tpu.memory_space<hbm>>, %arg7: memref<2x1x250xi32, #tpu.memory_space<vmem>>, %arg8: memref<2x2x125xi32, #tpu.memory_space<vmem>>, %arg9: memref<2x250x32xf32, #tpu.memory_space<vmem>>, %arg10: memref<51200x32xf32, #tpu.memory_space<vmem_shared>>, %arg11: memref<!tpu.dma_semaphore, #tpu.memory_space<semaphore_mem>>, %arg12: memref<!tpu.dma_semaphore, #tpu.memory_space<semaphore_mem>>, %arg13: memref<!tpu.dma_semaphore, #tpu.memory_space<semaphore_mem>>, %arg14: memref<!tpu.dma_semaphore, #tpu.memory_space<semaphore_mem>>) attributes {dimension_semantics = [#tpu.dimension_semantics<core_parallel>, #tpu.dimension_semantics<subcore_parallel>], iteration_bounds = array<i64: 2, 16>, scalar_prefetch = 0 : i64, scratch_operands = 8 : i64, tpu.core_type = #tpu.core_type<sc_vector_subcore>, window_params = [{transform_indices = #map}, {transform_indices = #map}, {transform_indices = #map}, {transform_indices = #map}, {transform_indices = #map1}]} {
    %mul3A = arith.constant 16 : i32
    %mul3A_0 = arith.muli %arg0, %mul3A : i32
    %add3A = arith.addi %mul3A_0, %arg1 : i32
    %mul3A_1 = arith.constant 3200 : i32
    %mul3A_2 = arith.muli %arg1, %mul3A_1 : i32
    "tpu.region"() ({
      %run_scoped3A = tpu.sem_alloc : memref<!tpu.dma_semaphore, #tpu.memory_space<semaphore_mem>>
      %dma_start3A = arith.constant 0 : i32
      %dma_start3A_72 = tpu.memref_slice %arg10[%mul3A_2, %dma_start3A] : memref<51200x32xf32, #tpu.memory_space<vmem_shared>> -> memref<3200x32xf32, #tpu.memory_space<vmem_shared>>
      tpu.enqueue_dma source(%arg5 : memref<3200x32xf32, #tpu.memory_space<hbm>>) target(%dma_start3A_72 : memref<3200x32xf32, #tpu.memory_space<vmem_shared>>) target_semaphore(%run_scoped3A : memref<!tpu.dma_semaphore, #tpu.memory_space<semaphore_mem>>)
      %dma_wait3A_73 = arith.constant 0 : i32
      %dma_wait3A_74 = tpu.memref_slice %arg10[%mul3A_2, %dma_wait3A_73] : memref<51200x32xf32, #tpu.memory_space<vmem_shared>> -> memref<3200x32xf32, #tpu.memory_space<vmem_shared>>
      tpu.wait_dma2 semaphore(%run_scoped3A : memref<!tpu.dma_semaphore, #tpu.memory_space<semaphore_mem>>) src(%arg5 : memref<3200x32xf32, #tpu.memory_space<hbm>>) dst(%dma_wait3A_74 : memref<3200x32xf32, #tpu.memory_space<vmem_shared>>)
      tpu.yield
    }) : () -> ()
    %barrier3A = arith.constant 0 : index
    tpu.barrier barrier_id(%barrier3A)
    %scan3A = arith.constant 0 : i32
    %scan3A_3 = arith.constant 0 : i32
    %scan3A_4 = arith.constant 100 : i32
    %scan3A_5 = arith.addi %scan3A_3, %scan3A_4 : i32
    %scan3A_6 = arith.constant 1 : i32
    scf.for %scan3A_72 = %scan3A_3 to %scan3A_5 step %scan3A_6  : i32 {
      %mul3A_73 = arith.constant 400 : i32
      %mul3A_74 = arith.muli %add3A, %mul3A_73 : i32
      %mul3A_75 = arith.constant 2 : i32
      %mul3A_76 = arith.muli %mul3A_75, %scan3A_72 : i32
      %add3A_77 = arith.constant 0 : i32
      %add3A_78 = arith.addi %mul3A_76, %add3A_77 : i32
      %mul3A_79 = arith.constant 2 : i32
      %mul3A_80 = arith.muli %add3A_78, %mul3A_79 : i32
      %add3A_81 = arith.addi %mul3A_74, %mul3A_80 : i32
      %gt3A = arith.constant 0 : i32
      %gt3A_82 = arith.cmpi sgt, %scan3A_72, %gt3A : i32
      %convert_element_type3A = arith.extui %gt3A_82 : i1 to i32
      %cond3A = arith.constant 0 : i32
      %cond3A_83 = arith.cmpi ne, %convert_element_type3A, %cond3A : i32
      scf.if %cond3A_83 {
        %dma_wait3A_218 = arith.constant 0 : i32
        %dma_wait3A_219 = arith.constant 0 : i32
        %dma_wait3A_220 = arith.constant 0 : i32
        %dma_wait3A_221 = tpu.memref_slice %arg9[%dma_wait3A_218, %dma_wait3A_219, %dma_wait3A_220] : memref<2x250x32xf32, #tpu.memory_space<vmem>> -> memref<1x125x32xf32, #tpu.memory_space<vmem>>
        %dma_wait3A_222 = tpu.memref_squeeze %dma_wait3A_221 : memref<1x125x32xf32, #tpu.memory_space<vmem>> -> memref<125x32xf32, #tpu.memory_space<vmem>>
        %dma_wait3A_223 = arith.constant 0 : i32
        %dma_wait3A_224 = arith.constant 0 : i32
        %dma_wait3A_225 = tpu.memref_slice %arg5[%dma_wait3A_223, %dma_wait3A_224] : memref<3200x32xf32, #tpu.memory_space<hbm>> -> memref<125x32xf32, #tpu.memory_space<hbm>>
        %dma_wait3A_226 = arith.constant 0 : i32
        %dma_wait3A_227 = arith.constant 0 : i32
        %dma_wait3A_228 = tpu.memref_slice %arg9[%dma_wait3A_218, %dma_wait3A_226, %dma_wait3A_227] : memref<2x250x32xf32, #tpu.memory_space<vmem>> -> memref<1x125x32xf32, #tpu.memory_space<vmem>>
        %dma_wait3A_229 = tpu.memref_squeeze %dma_wait3A_228 : memref<1x125x32xf32, #tpu.memory_space<vmem>> -> memref<125x32xf32, #tpu.memory_space<vmem>>
        %dma_wait3A_230 = arith.constant 0 : i32
        %dma_wait3A_231 = arith.constant 0 : i32
        %dma_wait3A_232 = tpu.memref_slice %arg5[%dma_wait3A_230, %dma_wait3A_231] : memref<3200x32xf32, #tpu.memory_space<hbm>> -> memref<125x32xf32, #tpu.memory_space<hbm>>
        tpu.wait_dma2 semaphore(%arg13 : memref<!tpu.dma_semaphore, #tpu.memory_space<semaphore_mem>>) src(%dma_wait3A_232 : memref<125x32xf32, #tpu.memory_space<hbm>>) dst(%dma_wait3A_229 : memref<125x32xf32, #tpu.memory_space<vmem>>)
        %dma_wait3A_233 = arith.constant 0 : i32
        %dma_wait3A_234 = arith.constant 125 : i32
        %dma_wait3A_235 = arith.constant 0 : i32
        %dma_wait3A_236 = tpu.memref_slice %arg9[%dma_wait3A_233, %dma_wait3A_234, %dma_wait3A_235] : memref<2x250x32xf32, #tpu.memory_space<vmem>> -> memref<1x125x32xf32, #tpu.memory_space<vmem>>
        %dma_wait3A_237 = tpu.memref_squeeze %dma_wait3A_236 : memref<1x125x32xf32, #tpu.memory_space<vmem>> -> memref<125x32xf32, #tpu.memory_space<vmem>>
        %dma_wait3A_238 = arith.constant 0 : i32
        %dma_wait3A_239 = arith.constant 0 : i32
        %dma_wait3A_240 = tpu.memref_slice %arg5[%dma_wait3A_238, %dma_wait3A_239] : memref<3200x32xf32, #tpu.memory_space<hbm>> -> memref<125x32xf32, #tpu.memory_space<hbm>>
        %dma_wait3A_241 = arith.constant 125 : i32
        %dma_wait3A_242 = arith.constant 0 : i32
        %dma_wait3A_243 = tpu.memref_slice %arg9[%dma_wait3A_233, %dma_wait3A_241, %dma_wait3A_242] : memref<2x250x32xf32, #tpu.memory_space<vmem>> -> memref<1x125x32xf32, #tpu.memory_space<vmem>>
        %dma_wait3A_244 = tpu.memref_squeeze %dma_wait3A_243 : memref<1x125x32xf32, #tpu.memory_space<vmem>> -> memref<125x32xf32, #tpu.memory_space<vmem>>
        %dma_wait3A_245 = arith.constant 0 : i32
        %dma_wait3A_246 = arith.constant 0 : i32
        %dma_wait3A_247 = tpu.memref_slice %arg5[%dma_wait3A_245, %dma_wait3A_246] : memref<3200x32xf32, #tpu.memory_space<hbm>> -> memref<125x32xf32, #tpu.memory_space<hbm>>
        tpu.wait_dma2 semaphore(%arg13 : memref<!tpu.dma_semaphore, #tpu.memory_space<semaphore_mem>>) src(%dma_wait3A_247 : memref<125x32xf32, #tpu.memory_space<hbm>>) dst(%dma_wait3A_244 : memref<125x32xf32, #tpu.memory_space<vmem>>)
      } else {
      }
      %mul3A_84 = arith.constant 200 : i32
      %mul3A_85 = arith.muli %add3A, %mul3A_84 : i32
      %mul3A_86 = arith.constant 2 : i32
      %mul3A_87 = arith.muli %mul3A_86, %scan3A_72 : i32
      %add3A_88 = arith.addi %mul3A_85, %mul3A_87 : i32
      %add3A_89 = arith.constant 0 : i32
      %add3A_90 = arith.addi %add3A_88, %add3A_89 : i32
      %run_scoped3A = arith.constant 0 : i32
      "tpu.region"() ({
        %run_scoped3A_218 = tpu.sem_alloc : memref<!tpu.dma_semaphore, #tpu.memory_space<semaphore_mem>>
        %dma_start3A_219 = arith.constant 0 : i32
        %dma_start3A_220 = arith.constant 0 : i32
        %dma_start3A_221 = tpu.memref_slice %arg7[%run_scoped3A, %dma_start3A_219, %dma_start3A_220] : memref<2x1x250xi32, #tpu.memory_space<vmem>> -> memref<1x1x250xi32, #tpu.memory_space<vmem>>
        %dma_start3A_222 = tpu.memref_squeeze %dma_start3A_221 : memref<1x1x250xi32, #tpu.memory_space<vmem>> -> memref<1x250xi32, #tpu.memory_space<vmem>>
        %dma_start3A_223 = arith.constant 0 : i32
        %dma_start3A_224 = tpu.memref_slice %arg3[%add3A_90, %dma_start3A_223] : memref<6400x250xi32, #tpu.memory_space<hbm>> -> memref<1x250xi32, #tpu.memory_space<hbm>>
        %dma_start3A_225 = arith.constant 0 : i32
        %dma_start3A_226 = arith.constant 0 : i32
        %dma_start3A_227 = tpu.memref_slice %arg7[%run_scoped3A, %dma_start3A_225, %dma_start3A_226] : memref<2x1x250xi32, #tpu.memory_space<vmem>> -> memref<1x1x250xi32, #tpu.memory_space<vmem>>
        %dma_start3A_228 = tpu.memref_squeeze %dma_start3A_227 : memref<1x1x250xi32, #tpu.memory_space<vmem>> -> memref<1x250xi32, #tpu.memory_space<vmem>>
        %dma_start3A_229 = arith.constant 0 : i32
        %dma_start3A_230 = tpu.memref_slice %arg3[%add3A_90, %dma_start3A_229] : memref<6400x250xi32, #tpu.memory_space<hbm>> -> memref<1x250xi32, #tpu.memory_space<hbm>>
        tpu.enqueue_dma source(%dma_start3A_230 : memref<1x250xi32, #tpu.memory_space<hbm>>) target(%dma_start3A_228 : memref<1x250xi32, #tpu.memory_space<vmem>>) target_semaphore(%run_scoped3A_218 : memref<!tpu.dma_semaphore, #tpu.memory_space<semaphore_mem>>)
        %dma_wait3A_231 = arith.constant 0 : i32
        %dma_wait3A_232 = arith.constant 0 : i32
        %dma_wait3A_233 = tpu.memref_slice %arg7[%run_scoped3A, %dma_wait3A_231, %dma_wait3A_232] : memref<2x1x250xi32, #tpu.memory_space<vmem>> -> memref<1x1x250xi32, #tpu.memory_space<vmem>>
        %dma_wait3A_234 = tpu.memref_squeeze %dma_wait3A_233 : memref<1x1x250xi32, #tpu.memory_space<vmem>> -> memref<1x250xi32, #tpu.memory_space<vmem>>
        %dma_wait3A_235 = arith.constant 0 : i32
        %dma_wait3A_236 = tpu.memref_slice %arg3[%add3A_90, %dma_wait3A_235] : memref<6400x250xi32, #tpu.memory_space<hbm>> -> memref<1x250xi32, #tpu.memory_space<hbm>>
        %dma_wait3A_237 = arith.constant 0 : i32
        %dma_wait3A_238 = arith.constant 0 : i32
        %dma_wait3A_239 = tpu.memref_slice %arg7[%run_scoped3A, %dma_wait3A_237, %dma_wait3A_238] : memref<2x1x250xi32, #tpu.memory_space<vmem>> -> memref<1x1x250xi32, #tpu.memory_space<vmem>>
        %dma_wait3A_240 = tpu.memref_squeeze %dma_wait3A_239 : memref<1x1x250xi32, #tpu.memory_space<vmem>> -> memref<1x250xi32, #tpu.memory_space<vmem>>
        %dma_wait3A_241 = arith.constant 0 : i32
        %dma_wait3A_242 = tpu.memref_slice %arg3[%add3A_90, %dma_wait3A_241] : memref<6400x250xi32, #tpu.memory_space<hbm>> -> memref<1x250xi32, #tpu.memory_space<hbm>>
        tpu.wait_dma2 semaphore(%run_scoped3A_218 : memref<!tpu.dma_semaphore, #tpu.memory_space<semaphore_mem>>) src(%dma_wait3A_242 : memref<1x250xi32, #tpu.memory_space<hbm>>) dst(%dma_wait3A_240 : memref<1x250xi32, #tpu.memory_space<vmem>>)
        tpu.yield
      }) : () -> ()
      %run_scoped3A_91 = arith.constant 0 : i32
      "tpu.region"() ({
        %run_scoped3A_218 = tpu.sem_alloc : memref<!tpu.dma_semaphore, #tpu.memory_space<semaphore_mem>>
        %dma_start3A_219 = arith.constant 0 : i32
        %dma_start3A_220 = arith.constant 0 : i32
        %dma_start3A_221 = tpu.memref_slice %arg8[%run_scoped3A_91, %dma_start3A_219, %dma_start3A_220] : memref<2x2x125xi32, #tpu.memory_space<vmem>> -> memref<1x2x125xi32, #tpu.memory_space<vmem>>
        %dma_start3A_222 = tpu.memref_squeeze %dma_start3A_221 : memref<1x2x125xi32, #tpu.memory_space<vmem>> -> memref<2x125xi32, #tpu.memory_space<vmem>>
        %dma_start3A_223 = arith.constant 0 : i32
        %dma_start3A_224 = tpu.memref_slice %arg4[%add3A_81, %dma_start3A_223] : memref<12800x125xi32, #tpu.memory_space<hbm>> -> memref<2x125xi32, #tpu.memory_space<hbm>>
        %dma_start3A_225 = arith.constant 0 : i32
        %dma_start3A_226 = arith.constant 0 : i32
        %dma_start3A_227 = tpu.memref_slice %arg8[%run_scoped3A_91, %dma_start3A_225, %dma_start3A_226] : memref<2x2x125xi32, #tpu.memory_space<vmem>> -> memref<1x2x125xi32, #tpu.memory_space<vmem>>
        %dma_start3A_228 = tpu.memref_squeeze %dma_start3A_227 : memref<1x2x125xi32, #tpu.memory_space<vmem>> -> memref<2x125xi32, #tpu.memory_space<vmem>>
        %dma_start3A_229 = arith.constant 0 : i32
        %dma_start3A_230 = tpu.memref_slice %arg4[%add3A_81, %dma_start3A_229] : memref<12800x125xi32, #tpu.memory_space<hbm>> -> memref<2x125xi32, #tpu.memory_space<hbm>>
        tpu.enqueue_dma source(%dma_start3A_230 : memref<2x125xi32, #tpu.memory_space<hbm>>) target(%dma_start3A_228 : memref<2x125xi32, #tpu.memory_space<vmem>>) target_semaphore(%run_scoped3A_218 : memref<!tpu.dma_semaphore, #tpu.memory_space<semaphore_mem>>)
        %dma_wait3A_231 = arith.constant 0 : i32
        %dma_wait3A_232 = arith.constant 0 : i32
        %dma_wait3A_233 = tpu.memref_slice %arg8[%run_scoped3A_91, %dma_wait3A_231, %dma_wait3A_232] : memref<2x2x125xi32, #tpu.memory_space<vmem>> -> memref<1x2x125xi32, #tpu.memory_space<vmem>>
        %dma_wait3A_234 = tpu.memref_squeeze %dma_wait3A_233 : memref<1x2x125xi32, #tpu.memory_space<vmem>> -> memref<2x125xi32, #tpu.memory_space<vmem>>
        %dma_wait3A_235 = arith.constant 0 : i32
        %dma_wait3A_236 = tpu.memref_slice %arg4[%add3A_81, %dma_wait3A_235] : memref<12800x125xi32, #tpu.memory_space<hbm>> -> memref<2x125xi32, #tpu.memory_space<hbm>>
        %dma_wait3A_237 = arith.constant 0 : i32
        %dma_wait3A_238 = arith.constant 0 : i32
        %dma_wait3A_239 = tpu.memref_slice %arg8[%run_scoped3A_91, %dma_wait3A_237, %dma_wait3A_238] : memref<2x2x125xi32, #tpu.memory_space<vmem>> -> memref<1x2x125xi32, #tpu.memory_space<vmem>>
        %dma_wait3A_240 = tpu.memref_squeeze %dma_wait3A_239 : memref<1x2x125xi32, #tpu.memory_space<vmem>> -> memref<2x125xi32, #tpu.memory_space<vmem>>
        %dma_wait3A_241 = arith.constant 0 : i32
        %dma_wait3A_242 = tpu.memref_slice %arg4[%add3A_81, %dma_wait3A_241] : memref<12800x125xi32, #tpu.memory_space<hbm>> -> memref<2x125xi32, #tpu.memory_space<hbm>>
        tpu.wait_dma2 semaphore(%run_scoped3A_218 : memref<!tpu.dma_semaphore, #tpu.memory_space<semaphore_mem>>) src(%dma_wait3A_242 : memref<2x125xi32, #tpu.memory_space<hbm>>) dst(%dma_wait3A_240 : memref<2x125xi32, #tpu.memory_space<vmem>>)
        tpu.yield
      }) : () -> ()
      %dma_start3A = arith.constant 0 : i32
      %dma_start3A_92 = arith.constant 0 : i32
      %dma_start3A_93 = arith.constant 0 : i32
      %dma_start3A_94 = arith.constant 0 : i32
      %dma_start3A_95 = arith.constant 0 : i32
      %dma_start3A_96 = tpu.memref_slice %arg9[%dma_start3A_93, %dma_start3A_94, %dma_start3A_95] : memref<2x250x32xf32, #tpu.memory_space<vmem>> -> memref<1x250x32xf32, #tpu.memory_space<vmem>>
      %dma_start3A_97 = tpu.memref_squeeze %dma_start3A_96 : memref<1x250x32xf32, #tpu.memory_space<vmem>> -> memref<250x32xf32, #tpu.memory_space<vmem>>
      %dma_start3A_98 = arith.constant 0 : i32
      %dma_start3A_99 = tpu.memref_slice %arg7[%dma_start3A, %dma_start3A_92, %dma_start3A_98] : memref<2x1x250xi32, #tpu.memory_space<vmem>> -> memref<1x1x250xi32, #tpu.memory_space<vmem>>
      %dma_start3A_100 = tpu.memref_squeeze %dma_start3A_99 : memref<1x1x250xi32, #tpu.memory_space<vmem>> -> memref<250xi32, #tpu.memory_space<vmem>>
      %dma_start3A_101 = arith.constant 0 : i32
      %dma_start3A_102 = arith.constant 0 : i32
      %dma_start3A_103 = tpu.memref_slice %arg2[%dma_start3A_101, %dma_start3A_102] : memref<50000x32xf32, #tpu.memory_space<hbm>> -> memref<50000x32xf32, #tpu.memory_space<hbm>>
      tpu.enqueue_indirect_dma source(%dma_start3A_103 : memref<50000x32xf32, #tpu.memory_space<hbm>>) target(%dma_start3A_97 : memref<250x32xf32, #tpu.memory_space<vmem>>) offsets(%dma_start3A_100 : memref<250xi32, #tpu.memory_space<vmem>>) semaphore(%arg11 : memref<!tpu.dma_semaphore, #tpu.memory_space<semaphore_mem>>)
      %mul3A_104 = arith.constant 400 : i32
      %mul3A_105 = arith.muli %add3A, %mul3A_104 : i32
      %mul3A_106 = arith.constant 2 : i32
      %mul3A_107 = arith.muli %mul3A_106, %scan3A_72 : i32
      %add3A_108 = arith.constant 1 : i32
      %add3A_109 = arith.addi %mul3A_107, %add3A_108 : i32
      %mul3A_110 = arith.constant 2 : i32
      %mul3A_111 = arith.muli %add3A_109, %mul3A_110 : i32
      %add3A_112 = arith.addi %mul3A_105, %mul3A_111 : i32
      %gt3A_113 = arith.constant 0 : i32
      %gt3A_114 = arith.cmpi sgt, %scan3A_72, %gt3A_113 : i32
      %convert_element_type3A_115 = arith.extui %gt3A_114 : i1 to i32
      %cond3A_116 = arith.constant 0 : i32
      %cond3A_117 = arith.cmpi ne, %convert_element_type3A_115, %cond3A_116 : i32
      scf.if %cond3A_117 {
        %dma_wait3A_218 = arith.constant 1 : i32
        %dma_wait3A_219 = arith.constant 0 : i32
        %dma_wait3A_220 = arith.constant 0 : i32
        %dma_wait3A_221 = tpu.memref_slice %arg9[%dma_wait3A_218, %dma_wait3A_219, %dma_wait3A_220] : memref<2x250x32xf32, #tpu.memory_space<vmem>> -> memref<1x125x32xf32, #tpu.memory_space<vmem>>
        %dma_wait3A_222 = tpu.memref_squeeze %dma_wait3A_221 : memref<1x125x32xf32, #tpu.memory_space<vmem>> -> memref<125x32xf32, #tpu.memory_space<vmem>>
        %dma_wait3A_223 = arith.constant 0 : i32
        %dma_wait3A_224 = arith.constant 0 : i32
        %dma_wait3A_225 = tpu.memref_slice %arg5[%dma_wait3A_223, %dma_wait3A_224] : memref<3200x32xf32, #tpu.memory_space<hbm>> -> memref<125x32xf32, #tpu.memory_space<hbm>>
        %dma_wait3A_226 = arith.constant 0 : i32
        %dma_wait3A_227 = arith.constant 0 : i32
        %dma_wait3A_228 = tpu.memref_slice %arg9[%dma_wait3A_218, %dma_wait3A_226, %dma_wait3A_227] : memref<2x250x32xf32, #tpu.memory_space<vmem>> -> memref<1x125x32xf32, #tpu.memory_space<vmem>>
        %dma_wait3A_229 = tpu.memref_squeeze %dma_wait3A_228 : memref<1x125x32xf32, #tpu.memory_space<vmem>> -> memref<125x32xf32, #tpu.memory_space<vmem>>
        %dma_wait3A_230 = arith.constant 0 : i32
        %dma_wait3A_231 = arith.constant 0 : i32
        %dma_wait3A_232 = tpu.memref_slice %arg5[%dma_wait3A_230, %dma_wait3A_231] : memref<3200x32xf32, #tpu.memory_space<hbm>> -> memref<125x32xf32, #tpu.memory_space<hbm>>
        tpu.wait_dma2 semaphore(%arg14 : memref<!tpu.dma_semaphore, #tpu.memory_space<semaphore_mem>>) src(%dma_wait3A_232 : memref<125x32xf32, #tpu.memory_space<hbm>>) dst(%dma_wait3A_229 : memref<125x32xf32, #tpu.memory_space<vmem>>)
        %dma_wait3A_233 = arith.constant 1 : i32
        %dma_wait3A_234 = arith.constant 125 : i32
        %dma_wait3A_235 = arith.constant 0 : i32
        %dma_wait3A_236 = tpu.memref_slice %arg9[%dma_wait3A_233, %dma_wait3A_234, %dma_wait3A_235] : memref<2x250x32xf32, #tpu.memory_space<vmem>> -> memref<1x125x32xf32, #tpu.memory_space<vmem>>
        %dma_wait3A_237 = tpu.memref_squeeze %dma_wait3A_236 : memref<1x125x32xf32, #tpu.memory_space<vmem>> -> memref<125x32xf32, #tpu.memory_space<vmem>>
        %dma_wait3A_238 = arith.constant 0 : i32
        %dma_wait3A_239 = arith.constant 0 : i32
        %dma_wait3A_240 = tpu.memref_slice %arg5[%dma_wait3A_238, %dma_wait3A_239] : memref<3200x32xf32, #tpu.memory_space<hbm>> -> memref<125x32xf32, #tpu.memory_space<hbm>>
        %dma_wait3A_241 = arith.constant 125 : i32
        %dma_wait3A_242 = arith.constant 0 : i32
        %dma_wait3A_243 = tpu.memref_slice %arg9[%dma_wait3A_233, %dma_wait3A_241, %dma_wait3A_242] : memref<2x250x32xf32, #tpu.memory_space<vmem>> -> memref<1x125x32xf32, #tpu.memory_space<vmem>>
        %dma_wait3A_244 = tpu.memref_squeeze %dma_wait3A_243 : memref<1x125x32xf32, #tpu.memory_space<vmem>> -> memref<125x32xf32, #tpu.memory_space<vmem>>
        %dma_wait3A_245 = arith.constant 0 : i32
        %dma_wait3A_246 = arith.constant 0 : i32
        %dma_wait3A_247 = tpu.memref_slice %arg5[%dma_wait3A_245, %dma_wait3A_246] : memref<3200x32xf32, #tpu.memory_space<hbm>> -> memref<125x32xf32, #tpu.memory_space<hbm>>
        tpu.wait_dma2 semaphore(%arg14 : memref<!tpu.dma_semaphore, #tpu.memory_space<semaphore_mem>>) src(%dma_wait3A_247 : memref<125x32xf32, #tpu.memory_space<hbm>>) dst(%dma_wait3A_244 : memref<125x32xf32, #tpu.memory_space<vmem>>)
      } else {
      }
      %mul3A_118 = arith.constant 200 : i32
      %mul3A_119 = arith.muli %add3A, %mul3A_118 : i32
      %mul3A_120 = arith.constant 2 : i32
      %mul3A_121 = arith.muli %mul3A_120, %scan3A_72 : i32
      %add3A_122 = arith.addi %mul3A_119, %mul3A_121 : i32
      %add3A_123 = arith.constant 1 : i32
      %add3A_124 = arith.addi %add3A_122, %add3A_123 : i32
      %run_scoped3A_125 = arith.constant 1 : i32
      "tpu.region"() ({
        %run_scoped3A_218 = tpu.sem_alloc : memref<!tpu.dma_semaphore, #tpu.memory_space<semaphore_mem>>
        %dma_start3A_219 = arith.constant 0 : i32
        %dma_start3A_220 = arith.constant 0 : i32
        %dma_start3A_221 = tpu.memref_slice %arg7[%run_scoped3A_125, %dma_start3A_219, %dma_start3A_220] : memref<2x1x250xi32, #tpu.memory_space<vmem>> -> memref<1x1x250xi32, #tpu.memory_space<vmem>>
        %dma_start3A_222 = tpu.memref_squeeze %dma_start3A_221 : memref<1x1x250xi32, #tpu.memory_space<vmem>> -> memref<1x250xi32, #tpu.memory_space<vmem>>
        %dma_start3A_223 = arith.constant 0 : i32
        %dma_start3A_224 = tpu.memref_slice %arg3[%add3A_124, %dma_start3A_223] : memref<6400x250xi32, #tpu.memory_space<hbm>> -> memref<1x250xi32, #tpu.memory_space<hbm>>
        %dma_start3A_225 = arith.constant 0 : i32
        %dma_start3A_226 = arith.constant 0 : i32
        %dma_start3A_227 = tpu.memref_slice %arg7[%run_scoped3A_125, %dma_start3A_225, %dma_start3A_226] : memref<2x1x250xi32, #tpu.memory_space<vmem>> -> memref<1x1x250xi32, #tpu.memory_space<vmem>>
        %dma_start3A_228 = tpu.memref_squeeze %dma_start3A_227 : memref<1x1x250xi32, #tpu.memory_space<vmem>> -> memref<1x250xi32, #tpu.memory_space<vmem>>
        %dma_start3A_229 = arith.constant 0 : i32
        %dma_start3A_230 = tpu.memref_slice %arg3[%add3A_124, %dma_start3A_229] : memref<6400x250xi32, #tpu.memory_space<hbm>> -> memref<1x250xi32, #tpu.memory_space<hbm>>
        tpu.enqueue_dma source(%dma_start3A_230 : memref<1x250xi32, #tpu.memory_space<hbm>>) target(%dma_start3A_228 : memref<1x250xi32, #tpu.memory_space<vmem>>) target_semaphore(%run_scoped3A_218 : memref<!tpu.dma_semaphore, #tpu.memory_space<semaphore_mem>>)
        %dma_wait3A_231 = arith.constant 0 : i32
        %dma_wait3A_232 = arith.constant 0 : i32
        %dma_wait3A_233 = tpu.memref_slice %arg7[%run_scoped3A_125, %dma_wait3A_231, %dma_wait3A_232] : memref<2x1x250xi32, #tpu.memory_space<vmem>> -> memref<1x1x250xi32, #tpu.memory_space<vmem>>
        %dma_wait3A_234 = tpu.memref_squeeze %dma_wait3A_233 : memref<1x1x250xi32, #tpu.memory_space<vmem>> -> memref<1x250xi32, #tpu.memory_space<vmem>>
        %dma_wait3A_235 = arith.constant 0 : i32
        %dma_wait3A_236 = tpu.memref_slice %arg3[%add3A_124, %dma_wait3A_235] : memref<6400x250xi32, #tpu.memory_space<hbm>> -> memref<1x250xi32, #tpu.memory_space<hbm>>
        %dma_wait3A_237 = arith.constant 0 : i32
        %dma_wait3A_238 = arith.constant 0 : i32
        %dma_wait3A_239 = tpu.memref_slice %arg7[%run_scoped3A_125, %dma_wait3A_237, %dma_wait3A_238] : memref<2x1x250xi32, #tpu.memory_space<vmem>> -> memref<1x1x250xi32, #tpu.memory_space<vmem>>
        %dma_wait3A_240 = tpu.memref_squeeze %dma_wait3A_239 : memref<1x1x250xi32, #tpu.memory_space<vmem>> -> memref<1x250xi32, #tpu.memory_space<vmem>>
        %dma_wait3A_241 = arith.constant 0 : i32
        %dma_wait3A_242 = tpu.memref_slice %arg3[%add3A_124, %dma_wait3A_241] : memref<6400x250xi32, #tpu.memory_space<hbm>> -> memref<1x250xi32, #tpu.memory_space<hbm>>
        tpu.wait_dma2 semaphore(%run_scoped3A_218 : memref<!tpu.dma_semaphore, #tpu.memory_space<semaphore_mem>>) src(%dma_wait3A_242 : memref<1x250xi32, #tpu.memory_space<hbm>>) dst(%dma_wait3A_240 : memref<1x250xi32, #tpu.memory_space<vmem>>)
        tpu.yield
      }) : () -> ()
      %run_scoped3A_126 = arith.constant 1 : i32
      "tpu.region"() ({
        %run_scoped3A_218 = tpu.sem_alloc : memref<!tpu.dma_semaphore, #tpu.memory_space<semaphore_mem>>
        %dma_start3A_219 = arith.constant 0 : i32
        %dma_start3A_220 = arith.constant 0 : i32
        %dma_start3A_221 = tpu.memref_slice %arg8[%run_scoped3A_126, %dma_start3A_219, %dma_start3A_220] : memref<2x2x125xi32, #tpu.memory_space<vmem>> -> memref<1x2x125xi32, #tpu.memory_space<vmem>>
        %dma_start3A_222 = tpu.memref_squeeze %dma_start3A_221 : memref<1x2x125xi32, #tpu.memory_space<vmem>> -> memref<2x125xi32, #tpu.memory_space<vmem>>
        %dma_start3A_223 = arith.constant 0 : i32
        %dma_start3A_224 = tpu.memref_slice %arg4[%add3A_112, %dma_start3A_223] : memref<12800x125xi32, #tpu.memory_space<hbm>> -> memref<2x125xi32, #tpu.memory_space<hbm>>
        %dma_start3A_225 = arith.constant 0 : i32
        %dma_start3A_226 = arith.constant 0 : i32
        %dma_start3A_227 = tpu.memref_slice %arg8[%run_scoped3A_126, %dma_start3A_225, %dma_start3A_226] : memref<2x2x125xi32, #tpu.memory_space<vmem>> -> memref<1x2x125xi32, #tpu.memory_space<vmem>>
        %dma_start3A_228 = tpu.memref_squeeze %dma_start3A_227 : memref<1x2x125xi32, #tpu.memory_space<vmem>> -> memref<2x125xi32, #tpu.memory_space<vmem>>
        %dma_start3A_229 = arith.constant 0 : i32
        %dma_start3A_230 = tpu.memref_slice %arg4[%add3A_112, %dma_start3A_229] : memref<12800x125xi32, #tpu.memory_space<hbm>> -> memref<2x125xi32, #tpu.memory_space<hbm>>
        tpu.enqueue_dma source(%dma_start3A_230 : memref<2x125xi32, #tpu.memory_space<hbm>>) target(%dma_start3A_228 : memref<2x125xi32, #tpu.memory_space<vmem>>) target_semaphore(%run_scoped3A_218 : memref<!tpu.dma_semaphore, #tpu.memory_space<semaphore_mem>>)
        %dma_wait3A_231 = arith.constant 0 : i32
        %dma_wait3A_232 = arith.constant 0 : i32
        %dma_wait3A_233 = tpu.memref_slice %arg8[%run_scoped3A_126, %dma_wait3A_231, %dma_wait3A_232] : memref<2x2x125xi32, #tpu.memory_space<vmem>> -> memref<1x2x125xi32, #tpu.memory_space<vmem>>
        %dma_wait3A_234 = tpu.memref_squeeze %dma_wait3A_233 : memref<1x2x125xi32, #tpu.memory_space<vmem>> -> memref<2x125xi32, #tpu.memory_space<vmem>>
        %dma_wait3A_235 = arith.constant 0 : i32
        %dma_wait3A_236 = tpu.memref_slice %arg4[%add3A_112, %dma_wait3A_235] : memref<12800x125xi32, #tpu.memory_space<hbm>> -> memref<2x125xi32, #tpu.memory_space<hbm>>
        %dma_wait3A_237 = arith.constant 0 : i32
        %dma_wait3A_238 = arith.constant 0 : i32
        %dma_wait3A_239 = tpu.memref_slice %arg8[%run_scoped3A_126, %dma_wait3A_237, %dma_wait3A_238] : memref<2x2x125xi32, #tpu.memory_space<vmem>> -> memref<1x2x125xi32, #tpu.memory_space<vmem>>
        %dma_wait3A_240 = tpu.memref_squeeze %dma_wait3A_239 : memref<1x2x125xi32, #tpu.memory_space<vmem>> -> memref<2x125xi32, #tpu.memory_space<vmem>>
        %dma_wait3A_241 = arith.constant 0 : i32
        %dma_wait3A_242 = tpu.memref_slice %arg4[%add3A_112, %dma_wait3A_241] : memref<12800x125xi32, #tpu.memory_space<hbm>> -> memref<2x125xi32, #tpu.memory_space<hbm>>
        tpu.wait_dma2 semaphore(%run_scoped3A_218 : memref<!tpu.dma_semaphore, #tpu.memory_space<semaphore_mem>>) src(%dma_wait3A_242 : memref<2x125xi32, #tpu.memory_space<hbm>>) dst(%dma_wait3A_240 : memref<2x125xi32, #tpu.memory_space<vmem>>)
        tpu.yield
      }) : () -> ()
      %dma_start3A_127 = arith.constant 1 : i32
      %dma_start3A_128 = arith.constant 0 : i32
      %dma_start3A_129 = arith.constant 1 : i32
      %dma_start3A_130 = arith.constant 0 : i32
      %dma_start3A_131 = arith.constant 0 : i32
      %dma_start3A_132 = tpu.memref_slice %arg9[%dma_start3A_129, %dma_start3A_130, %dma_start3A_131] : memref<2x250x32xf32, #tpu.memory_space<vmem>> -> memref<1x250x32xf32, #tpu.memory_space<vmem>>
      %dma_start3A_133 = tpu.memref_squeeze %dma_start3A_132 : memref<1x250x32xf32, #tpu.memory_space<vmem>> -> memref<250x32xf32, #tpu.memory_space<vmem>>
      %dma_start3A_134 = arith.constant 0 : i32
      %dma_start3A_135 = tpu.memref_slice %arg7[%dma_start3A_127, %dma_start3A_128, %dma_start3A_134] : memref<2x1x250xi32, #tpu.memory_space<vmem>> -> memref<1x1x250xi32, #tpu.memory_space<vmem>>
      %dma_start3A_136 = tpu.memref_squeeze %dma_start3A_135 : memref<1x1x250xi32, #tpu.memory_space<vmem>> -> memref<250xi32, #tpu.memory_space<vmem>>
      %dma_start3A_137 = arith.constant 0 : i32
      %dma_start3A_138 = arith.constant 0 : i32
      %dma_start3A_139 = tpu.memref_slice %arg2[%dma_start3A_137, %dma_start3A_138] : memref<50000x32xf32, #tpu.memory_space<hbm>> -> memref<50000x32xf32, #tpu.memory_space<hbm>>
      tpu.enqueue_indirect_dma source(%dma_start3A_139 : memref<50000x32xf32, #tpu.memory_space<hbm>>) target(%dma_start3A_133 : memref<250x32xf32, #tpu.memory_space<vmem>>) offsets(%dma_start3A_136 : memref<250xi32, #tpu.memory_space<vmem>>) semaphore(%arg12 : memref<!tpu.dma_semaphore, #tpu.memory_space<semaphore_mem>>)
      %dma_wait3A_140 = arith.constant 0 : i32
      %dma_wait3A_141 = arith.constant 0 : i32
      %dma_wait3A_142 = arith.constant 0 : i32
      %dma_wait3A_143 = arith.constant 0 : i32
      %dma_wait3A_144 = arith.constant 0 : i32
      %dma_wait3A_145 = tpu.memref_slice %arg9[%dma_wait3A_142, %dma_wait3A_143, %dma_wait3A_144] : memref<2x250x32xf32, #tpu.memory_space<vmem>> -> memref<1x250x32xf32, #tpu.memory_space<vmem>>
      %dma_wait3A_146 = tpu.memref_squeeze %dma_wait3A_145 : memref<1x250x32xf32, #tpu.memory_space<vmem>> -> memref<250x32xf32, #tpu.memory_space<vmem>>
      %dma_wait3A_147 = arith.constant 0 : i32
      %dma_wait3A_148 = tpu.memref_slice %arg7[%dma_wait3A_140, %dma_wait3A_141, %dma_wait3A_147] : memref<2x1x250xi32, #tpu.memory_space<vmem>> -> memref<1x1x250xi32, #tpu.memory_space<vmem>>
      %dma_wait3A_149 = tpu.memref_squeeze %dma_wait3A_148 : memref<1x1x250xi32, #tpu.memory_space<vmem>> -> memref<250xi32, #tpu.memory_space<vmem>>
      %dma_wait3A_150 = arith.constant 0 : i32
      %dma_wait3A_151 = arith.constant 0 : i32
      %dma_wait3A_152 = tpu.memref_slice %arg2[%dma_wait3A_150, %dma_wait3A_151] : memref<50000x32xf32, #tpu.memory_space<hbm>> -> memref<50000x32xf32, #tpu.memory_space<hbm>>
      tpu.wait_indirect_dma semaphore(%arg11 : memref<!tpu.dma_semaphore, #tpu.memory_space<semaphore_mem>>) src(%dma_wait3A_152 : memref<50000x32xf32, #tpu.memory_space<hbm>>) dst(%dma_wait3A_146 : memref<250x32xf32, #tpu.memory_space<vmem>>)
      %dma_start3A_153 = arith.constant 0 : i32
      %dma_start3A_154 = arith.constant 0 : i32
      %dma_start3A_155 = arith.constant 0 : i32
      %dma_start3A_156 = arith.constant 0 : i32
      %dma_start3A_157 = arith.constant 0 : i32
      %dma_start3A_158 = tpu.memref_slice %arg9[%dma_start3A_153, %dma_start3A_156, %dma_start3A_157] : memref<2x250x32xf32, #tpu.memory_space<vmem>> -> memref<1x125x32xf32, #tpu.memory_space<vmem>>
      %dma_start3A_159 = tpu.memref_squeeze %dma_start3A_158 : memref<1x125x32xf32, #tpu.memory_space<vmem>> -> memref<125x32xf32, #tpu.memory_space<vmem>>
      %dma_start3A_160 = arith.constant 0 : i32
      %dma_start3A_161 = tpu.memref_slice %arg8[%dma_start3A_154, %dma_start3A_155, %dma_start3A_160] : memref<2x2x125xi32, #tpu.memory_space<vmem>> -> memref<1x1x125xi32, #tpu.memory_space<vmem>>
      %dma_start3A_162 = tpu.memref_squeeze %dma_start3A_161 : memref<1x1x125xi32, #tpu.memory_space<vmem>> -> memref<125xi32, #tpu.memory_space<vmem>>
      %dma_start3A_163 = arith.constant 0 : i32
      %dma_start3A_164 = arith.constant 0 : i32
      %dma_start3A_165 = tpu.memref_slice %arg10[%dma_start3A_163, %dma_start3A_164] : memref<51200x32xf32, #tpu.memory_space<vmem_shared>> -> memref<51200x32xf32, #tpu.memory_space<vmem_shared>>
      tpu.enqueue_indirect_dma source(%dma_start3A_159 : memref<125x32xf32, #tpu.memory_space<vmem>>) target(%dma_start3A_165 : memref<51200x32xf32, #tpu.memory_space<vmem_shared>>) offsets(%dma_start3A_162 : memref<125xi32, #tpu.memory_space<vmem>>) semaphore(%arg13 : memref<!tpu.dma_semaphore, #tpu.memory_space<semaphore_mem>>) {add = true}
      %dma_start3A_166 = arith.constant 0 : i32
      %dma_start3A_167 = arith.constant 0 : i32
      %dma_start3A_168 = arith.constant 1 : i32
      %dma_start3A_169 = arith.constant 125 : i32
      %dma_start3A_170 = arith.constant 0 : i32
      %dma_start3A_171 = tpu.memref_slice %arg9[%dma_start3A_166, %dma_start3A_169, %dma_start3A_170] : memref<2x250x32xf32, #tpu.memory_space<vmem>> -> memref<1x125x32xf32, #tpu.memory_space<vmem>>
      %dma_start3A_172 = tpu.memref_squeeze %dma_start3A_171 : memref<1x125x32xf32, #tpu.memory_space<vmem>> -> memref<125x32xf32, #tpu.memory_space<vmem>>
      %dma_start3A_173 = arith.constant 0 : i32
      %dma_start3A_174 = tpu.memref_slice %arg8[%dma_start3A_167, %dma_start3A_168, %dma_start3A_173] : memref<2x2x125xi32, #tpu.memory_space<vmem>> -> memref<1x1x125xi32, #tpu.memory_space<vmem>>
      %dma_start3A_175 = tpu.memref_squeeze %dma_start3A_174 : memref<1x1x125xi32, #tpu.memory_space<vmem>> -> memref<125xi32, #tpu.memory_space<vmem>>
      %dma_start3A_176 = arith.constant 0 : i32
      %dma_start3A_177 = arith.constant 0 : i32
      %dma_start3A_178 = tpu.memref_slice %arg10[%dma_start3A_176, %dma_start3A_177] : memref<51200x32xf32, #tpu.memory_space<vmem_shared>> -> memref<51200x32xf32, #tpu.memory_space<vmem_shared>>
      tpu.enqueue_indirect_dma source(%dma_start3A_172 : memref<125x32xf32, #tpu.memory_space<vmem>>) target(%dma_start3A_178 : memref<51200x32xf32, #tpu.memory_space<vmem_shared>>) offsets(%dma_start3A_175 : memref<125xi32, #tpu.memory_space<vmem>>) semaphore(%arg13 : memref<!tpu.dma_semaphore, #tpu.memory_space<semaphore_mem>>) {add = true}
      %dma_wait3A_179 = arith.constant 1 : i32
      %dma_wait3A_180 = arith.constant 0 : i32
      %dma_wait3A_181 = arith.constant 1 : i32
      %dma_wait3A_182 = arith.constant 0 : i32
      %dma_wait3A_183 = arith.constant 0 : i32
      %dma_wait3A_184 = tpu.memref_slice %arg9[%dma_wait3A_181, %dma_wait3A_182, %dma_wait3A_183] : memref<2x250x32xf32, #tpu.memory_space<vmem>> -> memref<1x250x32xf32, #tpu.memory_space<vmem>>
      %dma_wait3A_185 = tpu.memref_squeeze %dma_wait3A_184 : memref<1x250x32xf32, #tpu.memory_space<vmem>> -> memref<250x32xf32, #tpu.memory_space<vmem>>
      %dma_wait3A_186 = arith.constant 0 : i32
      %dma_wait3A_187 = tpu.memref_slice %arg7[%dma_wait3A_179, %dma_wait3A_180, %dma_wait3A_186] : memref<2x1x250xi32, #tpu.memory_space<vmem>> -> memref<1x1x250xi32, #tpu.memory_space<vmem>>
      %dma_wait3A_188 = tpu.memref_squeeze %dma_wait3A_187 : memref<1x1x250xi32, #tpu.memory_space<vmem>> -> memref<250xi32, #tpu.memory_space<vmem>>
      %dma_wait3A_189 = arith.constant 0 : i32
      %dma_wait3A_190 = arith.constant 0 : i32
      %dma_wait3A_191 = tpu.memref_slice %arg2[%dma_wait3A_189, %dma_wait3A_190] : memref<50000x32xf32, #tpu.memory_space<hbm>> -> memref<50000x32xf32, #tpu.memory_space<hbm>>
      tpu.wait_indirect_dma semaphore(%arg12 : memref<!tpu.dma_semaphore, #tpu.memory_space<semaphore_mem>>) src(%dma_wait3A_191 : memref<50000x32xf32, #tpu.memory_space<hbm>>) dst(%dma_wait3A_185 : memref<250x32xf32, #tpu.memory_space<vmem>>)
      %dma_start3A_192 = arith.constant 1 : i32
      %dma_start3A_193 = arith.constant 1 : i32
      %dma_start3A_194 = arith.constant 0 : i32
      %dma_start3A_195 = arith.constant 0 : i32
      %dma_start3A_196 = arith.constant 0 : i32
      %dma_start3A_197 = tpu.memref_slice %arg9[%dma_start3A_192, %dma_start3A_195, %dma_start3A_196] : memref<2x250x32xf32, #tpu.memory_space<vmem>> -> memref<1x125x32xf32, #tpu.memory_space<vmem>>
      %dma_start3A_198 = tpu.memref_squeeze %dma_start3A_197 : memref<1x125x32xf32, #tpu.memory_space<vmem>> -> memref<125x32xf32, #tpu.memory_space<vmem>>
      %dma_start3A_199 = arith.constant 0 : i32
      %dma_start3A_200 = tpu.memref_slice %arg8[%dma_start3A_193, %dma_start3A_194, %dma_start3A_199] : memref<2x2x125xi32, #tpu.memory_space<vmem>> -> memref<1x1x125xi32, #tpu.memory_space<vmem>>
      %dma_start3A_201 = tpu.memref_squeeze %dma_start3A_200 : memref<1x1x125xi32, #tpu.memory_space<vmem>> -> memref<125xi32, #tpu.memory_space<vmem>>
      %dma_start3A_202 = arith.constant 0 : i32
      %dma_start3A_203 = arith.constant 0 : i32
      %dma_start3A_204 = tpu.memref_slice %arg10[%dma_start3A_202, %dma_start3A_203] : memref<51200x32xf32, #tpu.memory_space<vmem_shared>> -> memref<51200x32xf32, #tpu.memory_space<vmem_shared>>
      tpu.enqueue_indirect_dma source(%dma_start3A_198 : memref<125x32xf32, #tpu.memory_space<vmem>>) target(%dma_start3A_204 : memref<51200x32xf32, #tpu.memory_space<vmem_shared>>) offsets(%dma_start3A_201 : memref<125xi32, #tpu.memory_space<vmem>>) semaphore(%arg14 : memref<!tpu.dma_semaphore, #tpu.memory_space<semaphore_mem>>) {add = true}
      %dma_start3A_205 = arith.constant 1 : i32
      %dma_start3A_206 = arith.constant 1 : i32
      %dma_start3A_207 = arith.constant 1 : i32
      %dma_start3A_208 = arith.constant 125 : i32
      %dma_start3A_209 = arith.constant 0 : i32
      %dma_start3A_210 = tpu.memref_slice %arg9[%dma_start3A_205, %dma_start3A_208, %dma_start3A_209] : memref<2x250x32xf32, #tpu.memory_space<vmem>> -> memref<1x125x32xf32, #tpu.memory_space<vmem>>
      %dma_start3A_211 = tpu.memref_squeeze %dma_start3A_210 : memref<1x125x32xf32, #tpu.memory_space<vmem>> -> memref<125x32xf32, #tpu.memory_space<vmem>>
      %dma_start3A_212 = arith.constant 0 : i32
      %dma_start3A_213 = tpu.memref_slice %arg8[%dma_start3A_206, %dma_start3A_207, %dma_start3A_212] : memref<2x2x125xi32, #tpu.memory_space<vmem>> -> memref<1x1x125xi32, #tpu.memory_space<vmem>>
      %dma_start3A_214 = tpu.memref_squeeze %dma_start3A_213 : memref<1x1x125xi32, #tpu.memory_space<vmem>> -> memref<125xi32, #tpu.memory_space<vmem>>
      %dma_start3A_215 = arith.constant 0 : i32
      %dma_start3A_216 = arith.constant 0 : i32
      %dma_start3A_217 = tpu.memref_slice %arg10[%dma_start3A_215, %dma_start3A_216] : memref<51200x32xf32, #tpu.memory_space<vmem_shared>> -> memref<51200x32xf32, #tpu.memory_space<vmem_shared>>
      tpu.enqueue_indirect_dma source(%dma_start3A_211 : memref<125x32xf32, #tpu.memory_space<vmem>>) target(%dma_start3A_217 : memref<51200x32xf32, #tpu.memory_space<vmem_shared>>) offsets(%dma_start3A_214 : memref<125xi32, #tpu.memory_space<vmem>>) semaphore(%arg14 : memref<!tpu.dma_semaphore, #tpu.memory_space<semaphore_mem>>) {add = true}
    }
    %scan3A_7 = arith.constant 100 : i32
    %dma_wait3A = arith.constant 0 : i32
    %dma_wait3A_8 = arith.constant 0 : i32
    %dma_wait3A_9 = arith.constant 0 : i32
    %dma_wait3A_10 = tpu.memref_slice %arg9[%dma_wait3A, %dma_wait3A_8, %dma_wait3A_9] : memref<2x250x32xf32, #tpu.memory_space<vmem>> -> memref<1x125x32xf32, #tpu.memory_space<vmem>>
    %dma_wait3A_11 = tpu.memref_squeeze %dma_wait3A_10 : memref<1x125x32xf32, #tpu.memory_space<vmem>> -> memref<125x32xf32, #tpu.memory_space<vmem>>
    %dma_wait3A_12 = arith.constant 0 : i32
    %dma_wait3A_13 = arith.constant 0 : i32
    %dma_wait3A_14 = tpu.memref_slice %arg5[%dma_wait3A_12, %dma_wait3A_13] : memref<3200x32xf32, #tpu.memory_space<hbm>> -> memref<125x32xf32, #tpu.memory_space<hbm>>
    %dma_wait3A_15 = arith.constant 0 : i32
    %dma_wait3A_16 = arith.constant 0 : i32
    %dma_wait3A_17 = tpu.memref_slice %arg9[%dma_wait3A, %dma_wait3A_15, %dma_wait3A_16] : memref<2x250x32xf32, #tpu.memory_space<vmem>> -> memref<1x125x32xf32, #tpu.memory_space<vmem>>
    %dma_wait3A_18 = tpu.memref_squeeze %dma_wait3A_17 : memref<1x125x32xf32, #tpu.memory_space<vmem>> -> memref<125x32xf32, #tpu.memory_space<vmem>>
    %dma_wait3A_19 = arith.constant 0 : i32
    %dma_wait3A_20 = arith.constant 0 : i32
    %dma_wait3A_21 = tpu.memref_slice %arg5[%dma_wait3A_19, %dma_wait3A_20] : memref<3200x32xf32, #tpu.memory_space<hbm>> -> memref<125x32xf32, #tpu.memory_space<hbm>>
    tpu.wait_dma2 semaphore(%arg13 : memref<!tpu.dma_semaphore, #tpu.memory_space<semaphore_mem>>) src(%dma_wait3A_21 : memref<125x32xf32, #tpu.memory_space<hbm>>) dst(%dma_wait3A_18 : memref<125x32xf32, #tpu.memory_space<vmem>>)
    %dma_wait3A_22 = arith.constant 0 : i32
    %dma_wait3A_23 = arith.constant 125 : i32
    %dma_wait3A_24 = arith.constant 0 : i32
    %dma_wait3A_25 = tpu.memref_slice %arg9[%dma_wait3A_22, %dma_wait3A_23, %dma_wait3A_24] : memref<2x250x32xf32, #tpu.memory_space<vmem>> -> memref<1x125x32xf32, #tpu.memory_space<vmem>>
    %dma_wait3A_26 = tpu.memref_squeeze %dma_wait3A_25 : memref<1x125x32xf32, #tpu.memory_space<vmem>> -> memref<125x32xf32, #tpu.memory_space<vmem>>
    %dma_wait3A_27 = arith.constant 0 : i32
    %dma_wait3A_28 = arith.constant 0 : i32
    %dma_wait3A_29 = tpu.memref_slice %arg5[%dma_wait3A_27, %dma_wait3A_28] : memref<3200x32xf32, #tpu.memory_space<hbm>> -> memref<125x32xf32, #tpu.memory_space<hbm>>
    %dma_wait3A_30 = arith.constant 125 : i32
    %dma_wait3A_31 = arith.constant 0 : i32
    %dma_wait3A_32 = tpu.memref_slice %arg9[%dma_wait3A_22, %dma_wait3A_30, %dma_wait3A_31] : memref<2x250x32xf32, #tpu.memory_space<vmem>> -> memref<1x125x32xf32, #tpu.memory_space<vmem>>
    %dma_wait3A_33 = tpu.memref_squeeze %dma_wait3A_32 : memref<1x125x32xf32, #tpu.memory_space<vmem>> -> memref<125x32xf32, #tpu.memory_space<vmem>>
    %dma_wait3A_34 = arith.constant 0 : i32
    %dma_wait3A_35 = arith.constant 0 : i32
    %dma_wait3A_36 = tpu.memref_slice %arg5[%dma_wait3A_34, %dma_wait3A_35] : memref<3200x32xf32, #tpu.memory_space<hbm>> -> memref<125x32xf32, #tpu.memory_space<hbm>>
    tpu.wait_dma2 semaphore(%arg13 : memref<!tpu.dma_semaphore, #tpu.memory_space<semaphore_mem>>) src(%dma_wait3A_36 : memref<125x32xf32, #tpu.memory_space<hbm>>) dst(%dma_wait3A_33 : memref<125x32xf32, #tpu.memory_space<vmem>>)
    %dma_wait3A_37 = arith.constant 1 : i32
    %dma_wait3A_38 = arith.constant 0 : i32
    %dma_wait3A_39 = arith.constant 0 : i32
    %dma_wait3A_40 = tpu.memref_slice %arg9[%dma_wait3A_37, %dma_wait3A_38, %dma_wait3A_39] : memref<2x250x32xf32, #tpu.memory_space<vmem>> -> memref<1x125x32xf32, #tpu.memory_space<vmem>>
    %dma_wait3A_41 = tpu.memref_squeeze %dma_wait3A_40 : memref<1x125x32xf32, #tpu.memory_space<vmem>> -> memref<125x32xf32, #tpu.memory_space<vmem>>
    %dma_wait3A_42 = arith.constant 0 : i32
    %dma_wait3A_43 = arith.constant 0 : i32
    %dma_wait3A_44 = tpu.memref_slice %arg5[%dma_wait3A_42, %dma_wait3A_43] : memref<3200x32xf32, #tpu.memory_space<hbm>> -> memref<125x32xf32, #tpu.memory_space<hbm>>
    %dma_wait3A_45 = arith.constant 0 : i32
    %dma_wait3A_46 = arith.constant 0 : i32
    %dma_wait3A_47 = tpu.memref_slice %arg9[%dma_wait3A_37, %dma_wait3A_45, %dma_wait3A_46] : memref<2x250x32xf32, #tpu.memory_space<vmem>> -> memref<1x125x32xf32, #tpu.memory_space<vmem>>
    %dma_wait3A_48 = tpu.memref_squeeze %dma_wait3A_47 : memref<1x125x32xf32, #tpu.memory_space<vmem>> -> memref<125x32xf32, #tpu.memory_space<vmem>>
    %dma_wait3A_49 = arith.constant 0 : i32
    %dma_wait3A_50 = arith.constant 0 : i32
    %dma_wait3A_51 = tpu.memref_slice %arg5[%dma_wait3A_49, %dma_wait3A_50] : memref<3200x32xf32, #tpu.memory_space<hbm>> -> memref<125x32xf32, #tpu.memory_space<hbm>>
    tpu.wait_dma2 semaphore(%arg14 : memref<!tpu.dma_semaphore, #tpu.memory_space<semaphore_mem>>) src(%dma_wait3A_51 : memref<125x32xf32, #tpu.memory_space<hbm>>) dst(%dma_wait3A_48 : memref<125x32xf32, #tpu.memory_space<vmem>>)
    %dma_wait3A_52 = arith.constant 1 : i32
    %dma_wait3A_53 = arith.constant 125 : i32
    %dma_wait3A_54 = arith.constant 0 : i32
    %dma_wait3A_55 = tpu.memref_slice %arg9[%dma_wait3A_52, %dma_wait3A_53, %dma_wait3A_54] : memref<2x250x32xf32, #tpu.memory_space<vmem>> -> memref<1x125x32xf32, #tpu.memory_space<vmem>>
    %dma_wait3A_56 = tpu.memref_squeeze %dma_wait3A_55 : memref<1x125x32xf32, #tpu.memory_space<vmem>> -> memref<125x32xf32, #tpu.memory_space<vmem>>
    %dma_wait3A_57 = arith.constant 0 : i32
    %dma_wait3A_58 = arith.constant 0 : i32
    %dma_wait3A_59 = tpu.memref_slice %arg5[%dma_wait3A_57, %dma_wait3A_58] : memref<3200x32xf32, #tpu.memory_space<hbm>> -> memref<125x32xf32, #tpu.memory_space<hbm>>
    %dma_wait3A_60 = arith.constant 125 : i32
    %dma_wait3A_61 = arith.constant 0 : i32
    %dma_wait3A_62 = tpu.memref_slice %arg9[%dma_wait3A_52, %dma_wait3A_60, %dma_wait3A_61] : memref<2x250x32xf32, #tpu.memory_space<vmem>> -> memref<1x125x32xf32, #tpu.memory_space<vmem>>
    %dma_wait3A_63 = tpu.memref_squeeze %dma_wait3A_62 : memref<1x125x32xf32, #tpu.memory_space<vmem>> -> memref<125x32xf32, #tpu.memory_space<vmem>>
    %dma_wait3A_64 = arith.constant 0 : i32
    %dma_wait3A_65 = arith.constant 0 : i32
    %dma_wait3A_66 = tpu.memref_slice %arg5[%dma_wait3A_64, %dma_wait3A_65] : memref<3200x32xf32, #tpu.memory_space<hbm>> -> memref<125x32xf32, #tpu.memory_space<hbm>>
    tpu.wait_dma2 semaphore(%arg14 : memref<!tpu.dma_semaphore, #tpu.memory_space<semaphore_mem>>) src(%dma_wait3A_66 : memref<125x32xf32, #tpu.memory_space<hbm>>) dst(%dma_wait3A_63 : memref<125x32xf32, #tpu.memory_space<vmem>>)
    %barrier3A_67 = arith.constant 0 : index
    tpu.barrier barrier_id(%barrier3A_67)
    %mul3A_68 = arith.constant 3200 : i32
    %mul3A_69 = arith.muli %arg1, %mul3A_68 : i32
    %mul3A_70 = arith.constant 3200 : i32
    %mul3A_71 = arith.muli %arg1, %mul3A_70 : i32
    "tpu.region"() ({
      %run_scoped3A = tpu.sem_alloc : memref<!tpu.dma_semaphore, #tpu.memory_space<semaphore_mem>>
      %dma_start3A = arith.constant 0 : i32
      %dma_start3A_72 = tpu.memref_slice %arg6[%arg0, %mul3A_71, %dma_start3A] : memref<2x51200x32xf32, #tpu.memory_space<hbm>> -> memref<1x3200x32xf32, #tpu.memory_space<hbm>>
      %dma_start3A_73 = tpu.memref_squeeze %dma_start3A_72 : memref<1x3200x32xf32, #tpu.memory_space<hbm>> -> memref<3200x32xf32, #tpu.memory_space<hbm>>
      %dma_start3A_74 = arith.constant 0 : i32
      %dma_start3A_75 = tpu.memref_slice %arg10[%mul3A_69, %dma_start3A_74] : memref<51200x32xf32, #tpu.memory_space<vmem_shared>> -> memref<3200x32xf32, #tpu.memory_space<vmem_shared>>
      tpu.enqueue_dma source(%dma_start3A_75 : memref<3200x32xf32, #tpu.memory_space<vmem_shared>>) target(%dma_start3A_73 : memref<3200x32xf32, #tpu.memory_space<hbm>>) target_semaphore(%run_scoped3A : memref<!tpu.dma_semaphore, #tpu.memory_space<semaphore_mem>>)
      %dma_wait3A_76 = arith.constant 0 : i32
      %dma_wait3A_77 = tpu.memref_slice %arg6[%arg0, %mul3A_71, %dma_wait3A_76] : memref<2x51200x32xf32, #tpu.memory_space<hbm>> -> memref<1x3200x32xf32, #tpu.memory_space<hbm>>
      %dma_wait3A_78 = tpu.memref_squeeze %dma_wait3A_77 : memref<1x3200x32xf32, #tpu.memory_space<hbm>> -> memref<3200x32xf32, #tpu.memory_space<hbm>>
      %dma_wait3A_79 = arith.constant 0 : i32
      %dma_wait3A_80 = tpu.memref_slice %arg10[%mul3A_69, %dma_wait3A_79] : memref<51200x32xf32, #tpu.memory_space<vmem_shared>> -> memref<3200x32xf32, #tpu.memory_space<vmem_shared>>
      tpu.wait_dma2 semaphore(%run_scoped3A : memref<!tpu.dma_semaphore, #tpu.memory_space<semaphore_mem>>) src(%dma_wait3A_80 : memref<3200x32xf32, #tpu.memory_space<vmem_shared>>) dst(%dma_wait3A_78 : memref<3200x32xf32, #tpu.memory_space<hbm>>)
      tpu.yield
    }) : () -> ()
    return
  }
}

#map = affine_map<(d0, d1) -> (0, 0)>
#map1 = affine_map<(d0, d1) -> (0, 0, 0)>
module attributes {stable_mosaic.version = 14 : i64} {
  func.func @_sc_degree(%arg0: i32, %arg1: i32, %arg2: memref<12800x125xi32, #tpu.memory_space<hbm>>, %arg3: memref<125x32xf32, #tpu.memory_space<hbm>>, %arg4: memref<3200x32xf32, #tpu.memory_space<hbm>>, %arg5: memref<2x51200x32xf32, #tpu.memory_space<hbm>>, %arg6: memref<2x2x125xi32, #tpu.memory_space<vmem>>, %arg7: memref<125x32xf32, #tpu.memory_space<vmem>>, %arg8: memref<51200x32xf32, #tpu.memory_space<vmem_shared>>, %arg9: memref<!tpu.dma_semaphore, #tpu.memory_space<semaphore_mem>>, %arg10: memref<!tpu.dma_semaphore, #tpu.memory_space<semaphore_mem>>) attributes {dimension_semantics = [#tpu.dimension_semantics<core_parallel>, #tpu.dimension_semantics<subcore_parallel>], iteration_bounds = array<i64: 2, 16>, scalar_prefetch = 0 : i64, scratch_operands = 5 : i64, tpu.core_type = #tpu.core_type<sc_vector_subcore>, window_params = [{transform_indices = #map}, {transform_indices = #map}, {transform_indices = #map}, {transform_indices = #map1}]} {
    %mul3A = arith.constant 16 : i32
    %mul3A_0 = arith.muli %arg0, %mul3A : i32
    %add3A = arith.addi %mul3A_0, %arg1 : i32
    "tpu.region"() ({
      %run_scoped3A = tpu.sem_alloc : memref<!tpu.dma_semaphore, #tpu.memory_space<semaphore_mem>>
      tpu.enqueue_dma source(%arg3 : memref<125x32xf32, #tpu.memory_space<hbm>>) target(%arg7 : memref<125x32xf32, #tpu.memory_space<vmem>>) target_semaphore(%run_scoped3A : memref<!tpu.dma_semaphore, #tpu.memory_space<semaphore_mem>>)
      tpu.wait_dma2 semaphore(%run_scoped3A : memref<!tpu.dma_semaphore, #tpu.memory_space<semaphore_mem>>) src(%arg3 : memref<125x32xf32, #tpu.memory_space<hbm>>) dst(%arg7 : memref<125x32xf32, #tpu.memory_space<vmem>>)
      tpu.yield
    }) : () -> ()
    %mul3A_1 = arith.constant 3200 : i32
    %mul3A_2 = arith.muli %arg1, %mul3A_1 : i32
    "tpu.region"() ({
      %run_scoped3A = tpu.sem_alloc : memref<!tpu.dma_semaphore, #tpu.memory_space<semaphore_mem>>
      %dma_start3A = arith.constant 0 : i32
      %dma_start3A_13 = tpu.memref_slice %arg8[%mul3A_2, %dma_start3A] : memref<51200x32xf32, #tpu.memory_space<vmem_shared>> -> memref<3200x32xf32, #tpu.memory_space<vmem_shared>>
      tpu.enqueue_dma source(%arg4 : memref<3200x32xf32, #tpu.memory_space<hbm>>) target(%dma_start3A_13 : memref<3200x32xf32, #tpu.memory_space<vmem_shared>>) target_semaphore(%run_scoped3A : memref<!tpu.dma_semaphore, #tpu.memory_space<semaphore_mem>>)
      %dma_wait3A = arith.constant 0 : i32
      %dma_wait3A_14 = tpu.memref_slice %arg8[%mul3A_2, %dma_wait3A] : memref<51200x32xf32, #tpu.memory_space<vmem_shared>> -> memref<3200x32xf32, #tpu.memory_space<vmem_shared>>
      tpu.wait_dma2 semaphore(%run_scoped3A : memref<!tpu.dma_semaphore, #tpu.memory_space<semaphore_mem>>) src(%arg4 : memref<3200x32xf32, #tpu.memory_space<hbm>>) dst(%dma_wait3A_14 : memref<3200x32xf32, #tpu.memory_space<vmem_shared>>)
      tpu.yield
    }) : () -> ()
    %barrier3A = arith.constant 0 : index
    tpu.barrier barrier_id(%barrier3A)
    %scan3A = arith.constant 0 : i32
    %scan3A_3 = arith.constant 0 : i32
    %scan3A_4 = arith.constant 100 : i32
    %scan3A_5 = arith.addi %scan3A_3, %scan3A_4 : i32
    %scan3A_6 = arith.constant 1 : i32
    scf.for %scan3A_13 = %scan3A_3 to %scan3A_5 step %scan3A_6  : i32 {
      %mul3A_14 = arith.constant 400 : i32
      %mul3A_15 = arith.muli %add3A, %mul3A_14 : i32
      %mul3A_16 = arith.constant 2 : i32
      %mul3A_17 = arith.muli %mul3A_16, %scan3A_13 : i32
      %add3A_18 = arith.constant 0 : i32
      %add3A_19 = arith.addi %mul3A_17, %add3A_18 : i32
      %mul3A_20 = arith.constant 2 : i32
      %mul3A_21 = arith.muli %add3A_19, %mul3A_20 : i32
      %add3A_22 = arith.addi %mul3A_15, %mul3A_21 : i32
      %gt3A = arith.constant 0 : i32
      %gt3A_23 = arith.cmpi sgt, %scan3A_13, %gt3A : i32
      %convert_element_type3A = arith.extui %gt3A_23 : i1 to i32
      %cond3A = arith.constant 0 : i32
      %cond3A_24 = arith.cmpi ne, %convert_element_type3A, %cond3A : i32
      scf.if %cond3A_24 {
        tpu.wait_dma2 semaphore(%arg9 : memref<!tpu.dma_semaphore, #tpu.memory_space<semaphore_mem>>) src(%arg3 : memref<125x32xf32, #tpu.memory_space<hbm>>) dst(%arg7 : memref<125x32xf32, #tpu.memory_space<vmem>>)
        tpu.wait_dma2 semaphore(%arg9 : memref<!tpu.dma_semaphore, #tpu.memory_space<semaphore_mem>>) src(%arg3 : memref<125x32xf32, #tpu.memory_space<hbm>>) dst(%arg7 : memref<125x32xf32, #tpu.memory_space<vmem>>)
      } else {
      }
      %run_scoped3A = arith.constant 0 : i32
      "tpu.region"() ({
        %run_scoped3A_71 = tpu.sem_alloc : memref<!tpu.dma_semaphore, #tpu.memory_space<semaphore_mem>>
        %dma_start3A_72 = arith.constant 0 : i32
        %dma_start3A_73 = arith.constant 0 : i32
        %dma_start3A_74 = tpu.memref_slice %arg6[%run_scoped3A, %dma_start3A_72, %dma_start3A_73] : memref<2x2x125xi32, #tpu.memory_space<vmem>> -> memref<1x2x125xi32, #tpu.memory_space<vmem>>
        %dma_start3A_75 = tpu.memref_squeeze %dma_start3A_74 : memref<1x2x125xi32, #tpu.memory_space<vmem>> -> memref<2x125xi32, #tpu.memory_space<vmem>>
        %dma_start3A_76 = arith.constant 0 : i32
        %dma_start3A_77 = tpu.memref_slice %arg2[%add3A_22, %dma_start3A_76] : memref<12800x125xi32, #tpu.memory_space<hbm>> -> memref<2x125xi32, #tpu.memory_space<hbm>>
        %dma_start3A_78 = arith.constant 0 : i32
        %dma_start3A_79 = arith.constant 0 : i32
        %dma_start3A_80 = tpu.memref_slice %arg6[%run_scoped3A, %dma_start3A_78, %dma_start3A_79] : memref<2x2x125xi32, #tpu.memory_space<vmem>> -> memref<1x2x125xi32, #tpu.memory_space<vmem>>
        %dma_start3A_81 = tpu.memref_squeeze %dma_start3A_80 : memref<1x2x125xi32, #tpu.memory_space<vmem>> -> memref<2x125xi32, #tpu.memory_space<vmem>>
        %dma_start3A_82 = arith.constant 0 : i32
        %dma_start3A_83 = tpu.memref_slice %arg2[%add3A_22, %dma_start3A_82] : memref<12800x125xi32, #tpu.memory_space<hbm>> -> memref<2x125xi32, #tpu.memory_space<hbm>>
        tpu.enqueue_dma source(%dma_start3A_83 : memref<2x125xi32, #tpu.memory_space<hbm>>) target(%dma_start3A_81 : memref<2x125xi32, #tpu.memory_space<vmem>>) target_semaphore(%run_scoped3A_71 : memref<!tpu.dma_semaphore, #tpu.memory_space<semaphore_mem>>)
        %dma_wait3A = arith.constant 0 : i32
        %dma_wait3A_84 = arith.constant 0 : i32
        %dma_wait3A_85 = tpu.memref_slice %arg6[%run_scoped3A, %dma_wait3A, %dma_wait3A_84] : memref<2x2x125xi32, #tpu.memory_space<vmem>> -> memref<1x2x125xi32, #tpu.memory_space<vmem>>
        %dma_wait3A_86 = tpu.memref_squeeze %dma_wait3A_85 : memref<1x2x125xi32, #tpu.memory_space<vmem>> -> memref<2x125xi32, #tpu.memory_space<vmem>>
        %dma_wait3A_87 = arith.constant 0 : i32
        %dma_wait3A_88 = tpu.memref_slice %arg2[%add3A_22, %dma_wait3A_87] : memref<12800x125xi32, #tpu.memory_space<hbm>> -> memref<2x125xi32, #tpu.memory_space<hbm>>
        %dma_wait3A_89 = arith.constant 0 : i32
        %dma_wait3A_90 = arith.constant 0 : i32
        %dma_wait3A_91 = tpu.memref_slice %arg6[%run_scoped3A, %dma_wait3A_89, %dma_wait3A_90] : memref<2x2x125xi32, #tpu.memory_space<vmem>> -> memref<1x2x125xi32, #tpu.memory_space<vmem>>
        %dma_wait3A_92 = tpu.memref_squeeze %dma_wait3A_91 : memref<1x2x125xi32, #tpu.memory_space<vmem>> -> memref<2x125xi32, #tpu.memory_space<vmem>>
        %dma_wait3A_93 = arith.constant 0 : i32
        %dma_wait3A_94 = tpu.memref_slice %arg2[%add3A_22, %dma_wait3A_93] : memref<12800x125xi32, #tpu.memory_space<hbm>> -> memref<2x125xi32, #tpu.memory_space<hbm>>
        tpu.wait_dma2 semaphore(%run_scoped3A_71 : memref<!tpu.dma_semaphore, #tpu.memory_space<semaphore_mem>>) src(%dma_wait3A_94 : memref<2x125xi32, #tpu.memory_space<hbm>>) dst(%dma_wait3A_92 : memref<2x125xi32, #tpu.memory_space<vmem>>)
        tpu.yield
      }) : () -> ()
      %dma_start3A = arith.constant 0 : i32
      %dma_start3A_25 = arith.constant 0 : i32
      %dma_start3A_26 = arith.constant 0 : i32
      %dma_start3A_27 = tpu.memref_slice %arg6[%dma_start3A, %dma_start3A_25, %dma_start3A_26] : memref<2x2x125xi32, #tpu.memory_space<vmem>> -> memref<1x1x125xi32, #tpu.memory_space<vmem>>
      %dma_start3A_28 = tpu.memref_squeeze %dma_start3A_27 : memref<1x1x125xi32, #tpu.memory_space<vmem>> -> memref<125xi32, #tpu.memory_space<vmem>>
      %dma_start3A_29 = arith.constant 0 : i32
      %dma_start3A_30 = arith.constant 0 : i32
      %dma_start3A_31 = tpu.memref_slice %arg8[%dma_start3A_29, %dma_start3A_30] : memref<51200x32xf32, #tpu.memory_space<vmem_shared>> -> memref<51200x32xf32, #tpu.memory_space<vmem_shared>>
      tpu.enqueue_indirect_dma source(%arg7 : memref<125x32xf32, #tpu.memory_space<vmem>>) target(%dma_start3A_31 : memref<51200x32xf32, #tpu.memory_space<vmem_shared>>) offsets(%dma_start3A_28 : memref<125xi32, #tpu.memory_space<vmem>>) semaphore(%arg9 : memref<!tpu.dma_semaphore, #tpu.memory_space<semaphore_mem>>) {add = true}
      %dma_start3A_32 = arith.constant 0 : i32
      %dma_start3A_33 = arith.constant 1 : i32
      %dma_start3A_34 = arith.constant 0 : i32
      %dma_start3A_35 = tpu.memref_slice %arg6[%dma_start3A_32, %dma_start3A_33, %dma_start3A_34] : memref<2x2x125xi32, #tpu.memory_space<vmem>> -> memref<1x1x125xi32, #tpu.memory_space<vmem>>
      %dma_start3A_36 = tpu.memref_squeeze %dma_start3A_35 : memref<1x1x125xi32, #tpu.memory_space<vmem>> -> memref<125xi32, #tpu.memory_space<vmem>>
      %dma_start3A_37 = arith.constant 0 : i32
      %dma_start3A_38 = arith.constant 0 : i32
      %dma_start3A_39 = tpu.memref_slice %arg8[%dma_start3A_37, %dma_start3A_38] : memref<51200x32xf32, #tpu.memory_space<vmem_shared>> -> memref<51200x32xf32, #tpu.memory_space<vmem_shared>>
      tpu.enqueue_indirect_dma source(%arg7 : memref<125x32xf32, #tpu.memory_space<vmem>>) target(%dma_start3A_39 : memref<51200x32xf32, #tpu.memory_space<vmem_shared>>) offsets(%dma_start3A_36 : memref<125xi32, #tpu.memory_space<vmem>>) semaphore(%arg9 : memref<!tpu.dma_semaphore, #tpu.memory_space<semaphore_mem>>) {add = true}
      %mul3A_40 = arith.constant 400 : i32
      %mul3A_41 = arith.muli %add3A, %mul3A_40 : i32
      %mul3A_42 = arith.constant 2 : i32
      %mul3A_43 = arith.muli %mul3A_42, %scan3A_13 : i32
      %add3A_44 = arith.constant 1 : i32
      %add3A_45 = arith.addi %mul3A_43, %add3A_44 : i32
      %mul3A_46 = arith.constant 2 : i32
      %mul3A_47 = arith.muli %add3A_45, %mul3A_46 : i32
      %add3A_48 = arith.addi %mul3A_41, %mul3A_47 : i32
      %gt3A_49 = arith.constant 0 : i32
      %gt3A_50 = arith.cmpi sgt, %scan3A_13, %gt3A_49 : i32
      %convert_element_type3A_51 = arith.extui %gt3A_50 : i1 to i32
      %cond3A_52 = arith.constant 0 : i32
      %cond3A_53 = arith.cmpi ne, %convert_element_type3A_51, %cond3A_52 : i32
      scf.if %cond3A_53 {
        tpu.wait_dma2 semaphore(%arg10 : memref<!tpu.dma_semaphore, #tpu.memory_space<semaphore_mem>>) src(%arg3 : memref<125x32xf32, #tpu.memory_space<hbm>>) dst(%arg7 : memref<125x32xf32, #tpu.memory_space<vmem>>)
        tpu.wait_dma2 semaphore(%arg10 : memref<!tpu.dma_semaphore, #tpu.memory_space<semaphore_mem>>) src(%arg3 : memref<125x32xf32, #tpu.memory_space<hbm>>) dst(%arg7 : memref<125x32xf32, #tpu.memory_space<vmem>>)
      } else {
      }
      %run_scoped3A_54 = arith.constant 1 : i32
      "tpu.region"() ({
        %run_scoped3A_71 = tpu.sem_alloc : memref<!tpu.dma_semaphore, #tpu.memory_space<semaphore_mem>>
        %dma_start3A_72 = arith.constant 0 : i32
        %dma_start3A_73 = arith.constant 0 : i32
        %dma_start3A_74 = tpu.memref_slice %arg6[%run_scoped3A_54, %dma_start3A_72, %dma_start3A_73] : memref<2x2x125xi32, #tpu.memory_space<vmem>> -> memref<1x2x125xi32, #tpu.memory_space<vmem>>
        %dma_start3A_75 = tpu.memref_squeeze %dma_start3A_74 : memref<1x2x125xi32, #tpu.memory_space<vmem>> -> memref<2x125xi32, #tpu.memory_space<vmem>>
        %dma_start3A_76 = arith.constant 0 : i32
        %dma_start3A_77 = tpu.memref_slice %arg2[%add3A_48, %dma_start3A_76] : memref<12800x125xi32, #tpu.memory_space<hbm>> -> memref<2x125xi32, #tpu.memory_space<hbm>>
        %dma_start3A_78 = arith.constant 0 : i32
        %dma_start3A_79 = arith.constant 0 : i32
        %dma_start3A_80 = tpu.memref_slice %arg6[%run_scoped3A_54, %dma_start3A_78, %dma_start3A_79] : memref<2x2x125xi32, #tpu.memory_space<vmem>> -> memref<1x2x125xi32, #tpu.memory_space<vmem>>
        %dma_start3A_81 = tpu.memref_squeeze %dma_start3A_80 : memref<1x2x125xi32, #tpu.memory_space<vmem>> -> memref<2x125xi32, #tpu.memory_space<vmem>>
        %dma_start3A_82 = arith.constant 0 : i32
        %dma_start3A_83 = tpu.memref_slice %arg2[%add3A_48, %dma_start3A_82] : memref<12800x125xi32, #tpu.memory_space<hbm>> -> memref<2x125xi32, #tpu.memory_space<hbm>>
        tpu.enqueue_dma source(%dma_start3A_83 : memref<2x125xi32, #tpu.memory_space<hbm>>) target(%dma_start3A_81 : memref<2x125xi32, #tpu.memory_space<vmem>>) target_semaphore(%run_scoped3A_71 : memref<!tpu.dma_semaphore, #tpu.memory_space<semaphore_mem>>)
        %dma_wait3A = arith.constant 0 : i32
        %dma_wait3A_84 = arith.constant 0 : i32
        %dma_wait3A_85 = tpu.memref_slice %arg6[%run_scoped3A_54, %dma_wait3A, %dma_wait3A_84] : memref<2x2x125xi32, #tpu.memory_space<vmem>> -> memref<1x2x125xi32, #tpu.memory_space<vmem>>
        %dma_wait3A_86 = tpu.memref_squeeze %dma_wait3A_85 : memref<1x2x125xi32, #tpu.memory_space<vmem>> -> memref<2x125xi32, #tpu.memory_space<vmem>>
        %dma_wait3A_87 = arith.constant 0 : i32
        %dma_wait3A_88 = tpu.memref_slice %arg2[%add3A_48, %dma_wait3A_87] : memref<12800x125xi32, #tpu.memory_space<hbm>> -> memref<2x125xi32, #tpu.memory_space<hbm>>
        %dma_wait3A_89 = arith.constant 0 : i32
        %dma_wait3A_90 = arith.constant 0 : i32
        %dma_wait3A_91 = tpu.memref_slice %arg6[%run_scoped3A_54, %dma_wait3A_89, %dma_wait3A_90] : memref<2x2x125xi32, #tpu.memory_space<vmem>> -> memref<1x2x125xi32, #tpu.memory_space<vmem>>
        %dma_wait3A_92 = tpu.memref_squeeze %dma_wait3A_91 : memref<1x2x125xi32, #tpu.memory_space<vmem>> -> memref<2x125xi32, #tpu.memory_space<vmem>>
        %dma_wait3A_93 = arith.constant 0 : i32
        %dma_wait3A_94 = tpu.memref_slice %arg2[%add3A_48, %dma_wait3A_93] : memref<12800x125xi32, #tpu.memory_space<hbm>> -> memref<2x125xi32, #tpu.memory_space<hbm>>
        tpu.wait_dma2 semaphore(%run_scoped3A_71 : memref<!tpu.dma_semaphore, #tpu.memory_space<semaphore_mem>>) src(%dma_wait3A_94 : memref<2x125xi32, #tpu.memory_space<hbm>>) dst(%dma_wait3A_92 : memref<2x125xi32, #tpu.memory_space<vmem>>)
        tpu.yield
      }) : () -> ()
      %dma_start3A_55 = arith.constant 1 : i32
      %dma_start3A_56 = arith.constant 0 : i32
      %dma_start3A_57 = arith.constant 0 : i32
      %dma_start3A_58 = tpu.memref_slice %arg6[%dma_start3A_55, %dma_start3A_56, %dma_start3A_57] : memref<2x2x125xi32, #tpu.memory_space<vmem>> -> memref<1x1x125xi32, #tpu.memory_space<vmem>>
      %dma_start3A_59 = tpu.memref_squeeze %dma_start3A_58 : memref<1x1x125xi32, #tpu.memory_space<vmem>> -> memref<125xi32, #tpu.memory_space<vmem>>
      %dma_start3A_60 = arith.constant 0 : i32
      %dma_start3A_61 = arith.constant 0 : i32
      %dma_start3A_62 = tpu.memref_slice %arg8[%dma_start3A_60, %dma_start3A_61] : memref<51200x32xf32, #tpu.memory_space<vmem_shared>> -> memref<51200x32xf32, #tpu.memory_space<vmem_shared>>
      tpu.enqueue_indirect_dma source(%arg7 : memref<125x32xf32, #tpu.memory_space<vmem>>) target(%dma_start3A_62 : memref<51200x32xf32, #tpu.memory_space<vmem_shared>>) offsets(%dma_start3A_59 : memref<125xi32, #tpu.memory_space<vmem>>) semaphore(%arg10 : memref<!tpu.dma_semaphore, #tpu.memory_space<semaphore_mem>>) {add = true}
      %dma_start3A_63 = arith.constant 1 : i32
      %dma_start3A_64 = arith.constant 1 : i32
      %dma_start3A_65 = arith.constant 0 : i32
      %dma_start3A_66 = tpu.memref_slice %arg6[%dma_start3A_63, %dma_start3A_64, %dma_start3A_65] : memref<2x2x125xi32, #tpu.memory_space<vmem>> -> memref<1x1x125xi32, #tpu.memory_space<vmem>>
      %dma_start3A_67 = tpu.memref_squeeze %dma_start3A_66 : memref<1x1x125xi32, #tpu.memory_space<vmem>> -> memref<125xi32, #tpu.memory_space<vmem>>
      %dma_start3A_68 = arith.constant 0 : i32
      %dma_start3A_69 = arith.constant 0 : i32
      %dma_start3A_70 = tpu.memref_slice %arg8[%dma_start3A_68, %dma_start3A_69] : memref<51200x32xf32, #tpu.memory_space<vmem_shared>> -> memref<51200x32xf32, #tpu.memory_space<vmem_shared>>
      tpu.enqueue_indirect_dma source(%arg7 : memref<125x32xf32, #tpu.memory_space<vmem>>) target(%dma_start3A_70 : memref<51200x32xf32, #tpu.memory_space<vmem_shared>>) offsets(%dma_start3A_67 : memref<125xi32, #tpu.memory_space<vmem>>) semaphore(%arg10 : memref<!tpu.dma_semaphore, #tpu.memory_space<semaphore_mem>>) {add = true}
    }
    %scan3A_7 = arith.constant 100 : i32
    tpu.wait_dma2 semaphore(%arg9 : memref<!tpu.dma_semaphore, #tpu.memory_space<semaphore_mem>>) src(%arg3 : memref<125x32xf32, #tpu.memory_space<hbm>>) dst(%arg7 : memref<125x32xf32, #tpu.memory_space<vmem>>)
    tpu.wait_dma2 semaphore(%arg9 : memref<!tpu.dma_semaphore, #tpu.memory_space<semaphore_mem>>) src(%arg3 : memref<125x32xf32, #tpu.memory_space<hbm>>) dst(%arg7 : memref<125x32xf32, #tpu.memory_space<vmem>>)
    tpu.wait_dma2 semaphore(%arg10 : memref<!tpu.dma_semaphore, #tpu.memory_space<semaphore_mem>>) src(%arg3 : memref<125x32xf32, #tpu.memory_space<hbm>>) dst(%arg7 : memref<125x32xf32, #tpu.memory_space<vmem>>)
    tpu.wait_dma2 semaphore(%arg10 : memref<!tpu.dma_semaphore, #tpu.memory_space<semaphore_mem>>) src(%arg3 : memref<125x32xf32, #tpu.memory_space<hbm>>) dst(%arg7 : memref<125x32xf32, #tpu.memory_space<vmem>>)
    %barrier3A_8 = arith.constant 0 : index
    tpu.barrier barrier_id(%barrier3A_8)
    %mul3A_9 = arith.constant 3200 : i32
    %mul3A_10 = arith.muli %arg1, %mul3A_9 : i32
    %mul3A_11 = arith.constant 3200 : i32
    %mul3A_12 = arith.muli %arg1, %mul3A_11 : i32
    "tpu.region"() ({
      %run_scoped3A = tpu.sem_alloc : memref<!tpu.dma_semaphore, #tpu.memory_space<semaphore_mem>>
      %dma_start3A = arith.constant 0 : i32
      %dma_start3A_13 = tpu.memref_slice %arg5[%arg0, %mul3A_12, %dma_start3A] : memref<2x51200x32xf32, #tpu.memory_space<hbm>> -> memref<1x3200x32xf32, #tpu.memory_space<hbm>>
      %dma_start3A_14 = tpu.memref_squeeze %dma_start3A_13 : memref<1x3200x32xf32, #tpu.memory_space<hbm>> -> memref<3200x32xf32, #tpu.memory_space<hbm>>
      %dma_start3A_15 = arith.constant 0 : i32
      %dma_start3A_16 = tpu.memref_slice %arg8[%mul3A_10, %dma_start3A_15] : memref<51200x32xf32, #tpu.memory_space<vmem_shared>> -> memref<3200x32xf32, #tpu.memory_space<vmem_shared>>
      tpu.enqueue_dma source(%dma_start3A_16 : memref<3200x32xf32, #tpu.memory_space<vmem_shared>>) target(%dma_start3A_14 : memref<3200x32xf32, #tpu.memory_space<hbm>>) target_semaphore(%run_scoped3A : memref<!tpu.dma_semaphore, #tpu.memory_space<semaphore_mem>>)
      %dma_wait3A = arith.constant 0 : i32
      %dma_wait3A_17 = tpu.memref_slice %arg5[%arg0, %mul3A_12, %dma_wait3A] : memref<2x51200x32xf32, #tpu.memory_space<hbm>> -> memref<1x3200x32xf32, #tpu.memory_space<hbm>>
      %dma_wait3A_18 = tpu.memref_squeeze %dma_wait3A_17 : memref<1x3200x32xf32, #tpu.memory_space<hbm>> -> memref<3200x32xf32, #tpu.memory_space<hbm>>
      %dma_wait3A_19 = arith.constant 0 : i32
      %dma_wait3A_20 = tpu.memref_slice %arg8[%mul3A_10, %dma_wait3A_19] : memref<51200x32xf32, #tpu.memory_space<vmem_shared>> -> memref<3200x32xf32, #tpu.memory_space<vmem_shared>>
      tpu.wait_dma2 semaphore(%run_scoped3A : memref<!tpu.dma_semaphore, #tpu.memory_space<semaphore_mem>>) src(%dma_wait3A_20 : memref<3200x32xf32, #tpu.memory_space<vmem_shared>>) dst(%dma_wait3A_18 : memref<3200x32xf32, #tpu.memory_space<hbm>>)
      tpu.yield
    }) : () -> ()
    return
  }
}

module attributes {stable_mosaic.version = 14 : i64} {
  func.func @_lin_in_body(%arg0: i32, %arg1: memref<400x128xf32, #tpu.memory_space<vmem>>, %arg2: memref<128x32xf32, #tpu.memory_space<vmem>>, %arg3: memref<1x32xf32, #tpu.memory_space<vmem>>, %arg4: memref<400x32xf32, #tpu.memory_space<vmem>>) attributes {dimension_semantics = [#tpu.dimension_semantics<arbitrary>], iteration_bounds = array<i64: 125>, scalar_prefetch = 0 : i64, scratch_operands = 0 : i64, tpu.core_type = #tpu.core_type<tc>, window_params = [{transform_indices = @transform_0, window_bounds = array<i64: 400, 128>}, {pipeline_mode = #tpu.pipeline_mode<synchronous>, transform_indices = @transform_1, window_bounds = array<i64: 128, 32>}, {pipeline_mode = #tpu.pipeline_mode<synchronous>, transform_indices = @transform_2, window_bounds = array<i64: 1, 32>}, {transform_indices = @transform_3, window_bounds = array<i64: 400, 32>}]} {
    %get3A = arith.constant 0 : index
    %get3A_0 = arith.constant 0 : index
    %get3A_1 = vector.load %arg1[%get3A, %get3A_0] : memref<400x128xf32, #tpu.memory_space<vmem>>, vector<400x128xf32>
    %get3A_2 = arith.constant 0 : index
    %get3A_3 = arith.constant 0 : index
    %get3A_4 = vector.load %arg2[%get3A_2, %get3A_3] : memref<128x32xf32, #tpu.memory_space<vmem>>, vector<128x32xf32>
    %dot_general3A = arith.constant dense<0.000000e+00> : vector<400x32xf32>
    %dot_general3A_5 = tpu.matmul %get3A_1, %get3A_4, %dot_general3A {dimension_numbers = #tpu.dot_dimension_numbers<[1], [0], [0], [1], [0, 0, 1, 1], [], []>, transpose_lhs_hint = false} : vector<400x128xf32>, vector<128x32xf32>, vector<400x32xf32> -> vector<400x32xf32>
    %get3A_6 = arith.constant 0 : index
    %get3A_7 = arith.constant 0 : index
    %get3A_8 = vector.load %arg3[%get3A_6, %get3A_7] : memref<1x32xf32, #tpu.memory_space<vmem>>, vector<1x32xf32>
    %add3A = vector.broadcast %get3A_8 : vector<1x32xf32> to vector<400x32xf32>
    %add3A_9 = arith.addf %dot_general3A_5, %add3A : vector<400x32xf32>
    %swap3A = arith.constant 0 : index
    %swap3A_10 = arith.constant 0 : index
    %swap3A_11 = vector.load %arg4[%swap3A, %swap3A_10] : memref<400x32xf32, #tpu.memory_space<vmem>>, vector<400x32xf32>
    tpu.vector_store %arg4[%swap3A, %swap3A_10], %add3A_9 {strides = array<i32>} : memref<400x32xf32, #tpu.memory_space<vmem>>, vector<400x32xf32>,
    return
  }
  func.func @transform_0(%arg0: i32) -> (i32, i32) {
    %c0_i32 = arith.constant 0 : i32
    %c0_i32_0 = arith.constant 0 : i32
    return %arg0, %c0_i32 : i32, i32
  }
  func.func @transform_1(%arg0: i32) -> (i32, i32) {
    %c0_i32 = arith.constant 0 : i32
    %c0_i32_0 = arith.constant 0 : i32
    %c0_i32_1 = arith.constant 0 : i32
    return %c0_i32, %c0_i32_0 : i32, i32
  }
  func.func @transform_2(%arg0: i32) -> (i32, i32) {
    %c0_i32 = arith.constant 0 : i32
    %c0_i32_0 = arith.constant 0 : i32
    %c0_i32_1 = arith.constant 0 : i32
    return %c0_i32, %c0_i32_0 : i32, i32
  }
  func.func @transform_3(%arg0: i32) -> (i32, i32) {
    %c0_i32 = arith.constant 0 : i32
    %c0_i32_0 = arith.constant 0 : i32
    return %arg0, %c0_i32 : i32, i32
  }
}

module attributes {stable_mosaic.version = 14 : i64} {
  func.func @_combine_body(%arg0: i32, %arg1: memref<12800x128xf32, #tpu.memory_space<vmem>>, %arg2: memref<12800x128xf32, #tpu.memory_space<vmem>>, %arg3: memref<12800x128xf32, #tpu.memory_space<vmem>>, %arg4: memref<12800x128xf32, #tpu.memory_space<vmem>>, %arg5: memref<12500x128xf32, #tpu.memory_space<vmem>>, %arg6: memref<128x128xf32, #tpu.memory_space<vmem>>, %arg7: memref<128x128xf32, #tpu.memory_space<vmem>>, %arg8: memref<128x128xf32, #tpu.memory_space<vmem>>, %arg9: memref<1x128xf32, #tpu.memory_space<vmem>>, %arg10: memref<1x128xf32, #tpu.memory_space<vmem>>, %arg11: memref<1x128xf32, #tpu.memory_space<vmem>>, %arg12: memref<12500x128xf32, #tpu.memory_space<vmem>>) attributes {dimension_semantics = [#tpu.dimension_semantics<arbitrary>], iteration_bounds = array<i64: 1>, scalar_prefetch = 0 : i64, scratch_operands = 0 : i64, tpu.core_type = #tpu.core_type<tc>, window_params = [{transform_indices = @transform_0, window_bounds = array<i64: 12800, 128>}, {transform_indices = @transform_1, window_bounds = array<i64: 12800, 128>}, {transform_indices = @transform_2, window_bounds = array<i64: 12800, 128>}, {transform_indices = @transform_3, window_bounds = array<i64: 12800, 128>}, {pipeline_mode = #tpu.pipeline_mode<synchronous>, transform_indices = @transform_4, window_bounds = array<i64: 12500, 128>}, {pipeline_mode = #tpu.pipeline_mode<synchronous>, transform_indices = @transform_5, window_bounds = array<i64: 128, 128>}, {pipeline_mode = #tpu.pipeline_mode<synchronous>, transform_indices = @transform_6, window_bounds = array<i64: 128, 128>}, {pipeline_mode = #tpu.pipeline_mode<synchronous>, transform_indices = @transform_7, window_bounds = array<i64: 128, 128>}, {pipeline_mode = #tpu.pipeline_mode<synchronous>, transform_indices = @transform_8, window_bounds = array<i64: 1, 128>}, {pipeline_mode = #tpu.pipeline_mode<synchronous>, transform_indices = @transform_9, window_bounds = array<i64: 1, 128>}, {pipeline_mode = #tpu.pipeline_mode<synchronous>, transform_indices = @transform_10, window_bounds = array<i64: 1, 128>}, {pipeline_mode = #tpu.pipeline_mode<synchronous>, transform_indices = @transform_11, window_bounds = array<i64: 12500, 128>}]} {
    %get3A = arith.constant 0 : index
    %get3A_0 = arith.constant 0 : index
    %get3A_1 = vector.load %arg3[%get3A, %get3A_0] : memref<12800x128xf32, #tpu.memory_space<vmem>>, vector<12500x128xf32>
    %get3A_2 = arith.constant 0 : index
    %get3A_3 = arith.constant 0 : index
    %get3A_4 = vector.load %arg4[%get3A_2, %get3A_3] : memref<12800x128xf32, #tpu.memory_space<vmem>>, vector<12500x128xf32>
    %add3A = arith.addf %get3A_1, %get3A_4 : vector<12500x128xf32>
    %max3A = arith.constant 1.000000e+00 : f32
    %max3A_5 = vector.broadcast %max3A : f32 to vector<12500x128xf32>
    %max3A_6 = arith.maximumf %add3A, %max3A_5 : vector<12500x128xf32>
    %get3A_7 = arith.constant 0 : index
    %get3A_8 = arith.constant 0 : index
    %get3A_9 = vector.load %arg1[%get3A_7, %get3A_8] : memref<12800x128xf32, #tpu.memory_space<vmem>>, vector<12500x128xf32>
    %get3A_10 = arith.constant 0 : index
    %get3A_11 = arith.constant 0 : index
    %get3A_12 = vector.load %arg2[%get3A_10, %get3A_11] : memref<12800x128xf32, #tpu.memory_space<vmem>>, vector<12500x128xf32>
    %add3A_13 = arith.addf %get3A_9, %get3A_12 : vector<12500x128xf32>
    %div3A = arith.divf %add3A_13, %max3A_6 : vector<12500x128xf32>
    %get3A_14 = arith.constant 0 : index
    %get3A_15 = arith.constant 0 : index
    %get3A_16 = vector.load %arg6[%get3A_14, %get3A_15] : memref<128x128xf32, #tpu.memory_space<vmem>>, vector<128x128xf32>
    %dot_general3A = arith.constant dense<0.000000e+00> : vector<12500x128xf32>
    %dot_general3A_17 = tpu.matmul %div3A, %get3A_16, %dot_general3A {dimension_numbers = #tpu.dot_dimension_numbers<[1], [0], [0], [1], [0, 0, 1, 1], [], []>, transpose_lhs_hint = false} : vector<12500x128xf32>, vector<128x128xf32>, vector<12500x128xf32> -> vector<12500x128xf32>
    %get3A_18 = arith.constant 0 : index
    %get3A_19 = arith.constant 0 : index
    %get3A_20 = vector.load %arg5[%get3A_18, %get3A_19] : memref<12500x128xf32, #tpu.memory_space<vmem>>, vector<12500x128xf32>
    %get3A_21 = arith.constant 0 : index
    %get3A_22 = arith.constant 0 : index
    %get3A_23 = vector.load %arg7[%get3A_21, %get3A_22] : memref<128x128xf32, #tpu.memory_space<vmem>>, vector<128x128xf32>
    %dot_general3A_24 = arith.constant dense<0.000000e+00> : vector<12500x128xf32>
    %dot_general3A_25 = tpu.matmul %get3A_20, %get3A_23, %dot_general3A_24 {dimension_numbers = #tpu.dot_dimension_numbers<[1], [0], [0], [1], [0, 0, 1, 1], [], []>, transpose_lhs_hint = false} : vector<12500x128xf32>, vector<128x128xf32>, vector<12500x128xf32> -> vector<12500x128xf32>
    %add3A_26 = arith.addf %dot_general3A_17, %dot_general3A_25 : vector<12500x128xf32>
    %get3A_27 = arith.constant 0 : index
    %get3A_28 = arith.constant 0 : index
    %get3A_29 = vector.load %arg9[%get3A_27, %get3A_28] : memref<1x128xf32, #tpu.memory_space<vmem>>, vector<1x128xf32>
    %add3A_30 = vector.broadcast %get3A_29 : vector<1x128xf32> to vector<12500x128xf32>
    %add3A_31 = arith.addf %add3A_26, %add3A_30 : vector<12500x128xf32>
    %max3A_32 = arith.constant 0.000000e+00 : f32
    %max3A_33 = vector.broadcast %max3A_32 : f32 to vector<12500x128xf32>
    %max3A_34 = arith.maximumf %add3A_31, %max3A_33 : vector<12500x128xf32>
    %get3A_35 = arith.constant 0 : index
    %get3A_36 = arith.constant 0 : index
    %get3A_37 = vector.load %arg8[%get3A_35, %get3A_36] : memref<128x128xf32, #tpu.memory_space<vmem>>, vector<128x128xf32>
    %dot_general3A_38 = arith.constant dense<0.000000e+00> : vector<12500x128xf32>
    %dot_general3A_39 = tpu.matmul %max3A_34, %get3A_37, %dot_general3A_38 {dimension_numbers = #tpu.dot_dimension_numbers<[1], [0], [0], [1], [0, 0, 1, 1], [], []>, transpose_lhs_hint = false} : vector<12500x128xf32>, vector<128x128xf32>, vector<12500x128xf32> -> vector<12500x128xf32>
    %sub3A = arith.subf %max3A_34, %dot_general3A_39 : vector<12500x128xf32>
    %mul3A = arith.mulf %sub3A, %sub3A : vector<12500x128xf32>
    %get3A_40 = arith.constant 0 : index
    %get3A_41 = arith.constant 0 : index
    %get3A_42 = vector.load %arg8[%get3A_40, %get3A_41] : memref<128x128xf32, #tpu.memory_space<vmem>>, vector<128x128xf32>
    %dot_general3A_43 = arith.constant dense<0.000000e+00> : vector<12500x128xf32>
    %dot_general3A_44 = tpu.matmul %mul3A, %get3A_42, %dot_general3A_43 {dimension_numbers = #tpu.dot_dimension_numbers<[1], [0], [0], [1], [0, 0, 1, 1], [], []>, transpose_lhs_hint = false} : vector<12500x128xf32>, vector<128x128xf32>, vector<12500x128xf32> -> vector<12500x128xf32>
    %add3A_45 = arith.constant 9.99999974E-6 : f32
    %add3A_46 = vector.broadcast %add3A_45 : f32 to vector<12500x128xf32>
    %add3A_47 = arith.addf %dot_general3A_44, %add3A_46 : vector<12500x128xf32>
    %rsqrt3A = math.rsqrt %add3A_47 : vector<12500x128xf32>
    %mul3A_48 = arith.mulf %sub3A, %rsqrt3A : vector<12500x128xf32>
    %get3A_49 = arith.constant 0 : index
    %get3A_50 = arith.constant 0 : index
    %get3A_51 = vector.load %arg10[%get3A_49, %get3A_50] : memref<1x128xf32, #tpu.memory_space<vmem>>, vector<1x128xf32>
    %mul3A_52 = vector.broadcast %get3A_51 : vector<1x128xf32> to vector<12500x128xf32>
    %mul3A_53 = arith.mulf %mul3A_48, %mul3A_52 : vector<12500x128xf32>
    %get3A_54 = arith.constant 0 : index
    %get3A_55 = arith.constant 0 : index
    %get3A_56 = vector.load %arg11[%get3A_54, %get3A_55] : memref<1x128xf32, #tpu.memory_space<vmem>>, vector<1x128xf32>
    %add3A_57 = vector.broadcast %get3A_56 : vector<1x128xf32> to vector<12500x128xf32>
    %add3A_58 = arith.addf %mul3A_53, %add3A_57 : vector<12500x128xf32>
    %swap3A = arith.constant 0 : index
    %swap3A_59 = arith.constant 0 : index
    %swap3A_60 = vector.load %arg12[%swap3A, %swap3A_59] : memref<12500x128xf32, #tpu.memory_space<vmem>>, vector<12500x128xf32>
    tpu.vector_store %arg12[%swap3A, %swap3A_59], %add3A_58 {strides = array<i32>} : memref<12500x128xf32, #tpu.memory_space<vmem>>, vector<12500x128xf32>,
    return
  }
  func.func @transform_0(%arg0: i32) -> (i32, i32) {
    %c0_i32 = arith.constant 0 : i32
    %c0_i32_0 = arith.constant 0 : i32
    %c0_i32_1 = arith.constant 0 : i32
    return %c0_i32, %c0_i32_0 : i32, i32
  }
  func.func @transform_1(%arg0: i32) -> (i32, i32) {
    %c1_i32 = arith.constant 1 : i32
    %c0_i32 = arith.constant 0 : i32
    %c0_i32_0 = arith.constant 0 : i32
    return %c1_i32, %c0_i32 : i32, i32
  }
  func.func @transform_2(%arg0: i32) -> (i32, i32) {
    %c0_i32 = arith.constant 0 : i32
    %c0_i32_0 = arith.constant 0 : i32
    %c0_i32_1 = arith.constant 0 : i32
    return %c0_i32, %c0_i32_0 : i32, i32
  }
  func.func @transform_3(%arg0: i32) -> (i32, i32) {
    %c1_i32 = arith.constant 1 : i32
    %c0_i32 = arith.constant 0 : i32
    %c0_i32_0 = arith.constant 0 : i32
    return %c1_i32, %c0_i32 : i32, i32
  }
  func.func @transform_4(%arg0: i32) -> (i32, i32) {
    %c0_i32 = arith.constant 0 : i32
    %c0_i32_0 = arith.constant 0 : i32
    %c0_i32_1 = arith.constant 0 : i32
    return %c0_i32, %c0_i32_0 : i32, i32
  }
  func.func @transform_5(%arg0: i32) -> (i32, i32) {
    %c0_i32 = arith.constant 0 : i32
    %c0_i32_0 = arith.constant 0 : i32
    %c0_i32_1 = arith.constant 0 : i32
    return %c0_i32, %c0_i32_0 : i32, i32
  }
  func.func @transform_6(%arg0: i32) -> (i32, i32) {
    %c0_i32 = arith.constant 0 : i32
    %c0_i32_0 = arith.constant 0 : i32
    %c0_i32_1 = arith.constant 0 : i32
    return %c0_i32, %c0_i32_0 : i32, i32
  }
  func.func @transform_7(%arg0: i32) -> (i32, i32) {
    %c0_i32 = arith.constant 0 : i32
    %c0_i32_0 = arith.constant 0 : i32
    %c0_i32_1 = arith.constant 0 : i32
    return %c0_i32, %c0_i32_0 : i32, i32
  }
  func.func @transform_8(%arg0: i32) -> (i32, i32) {
    %c0_i32 = arith.constant 0 : i32
    %c0_i32_0 = arith.constant 0 : i32
    %c0_i32_1 = arith.constant 0 : i32
    return %c0_i32, %c0_i32_0 : i32, i32
  }
  func.func @transform_9(%arg0: i32) -> (i32, i32) {
    %c0_i32 = arith.constant 0 : i32
    %c0_i32_0 = arith.constant 0 : i32
    %c0_i32_1 = arith.constant 0 : i32
    return %c0_i32, %c0_i32_0 : i32, i32
  }
  func.func @transform_10(%arg0: i32) -> (i32, i32) {
    %c0_i32 = arith.constant 0 : i32
    %c0_i32_0 = arith.constant 0 : i32
    %c0_i32_1 = arith.constant 0 : i32
    return %c0_i32, %c0_i32_0 : i32, i32
  }
  func.func @transform_11(%arg0: i32) -> (i32, i32) {
    %c0_i32 = arith.constant 0 : i32
    %c0_i32_0 = arith.constant 0 : i32
    %c0_i32_1 = arith.constant 0 : i32
    return %c0_i32, %c0_i32_0 : i32, i32
  }
}

</mosaic_0001>

<sc_bundles>
// kernel: kernel.10.cloned.1.call-start
scs
__scs_entry_jumppad:
0x0: {  	(pc) =	sbr.rel $0x88, $3  }
0x1: {  	(tag) =	ssettag $0x0;
	lr =	simm.s32 $0x1  }
0x2: {  	[smem:$0x3F98] =	sst lr;
	_ =	strace $0xD0000000  }
0x3: {  	_ = 	snop  }
0x4: {  	_ = 	snop  }
0x5: {  	_ = 	snop  }
0x6: {  	_ = 	snop  }
0x7: {  	_ = 	snop  }
__scs_overlays_trampoline_lowered:
0x8: {  	[smem:$0x3FA7] =	sst s0  }
0x9: {  	[smem:$0x3FA8] =	sst s1  }
0xa: {  	[smem:$0x3FA9] =	sst s2  }
0xb: {  	[smem:$0x3FAA] =	sst s3  }
0xc: {  	[smem:$0x3FAB] =	sst s4  }
0xd: {  	[smem:$0x3FAC] =	sst s5  }
0xe: {  	[smem:$0x3FAD] =	sst s6  }
0xf: {  	[smem:$0x3FAE] =	sst s7  }
0x10: {  	[smem:$0x3FAF] =	sst s8  }
0x11: {  	[smem:$0x3FB0] =	sst s9;
	s0 =	simm.s32 @!p0 $0x0  }
0x12: {  	s1 =	sld [smem:$0x3F96];
	s0 =	simm.s32 @p0 $0x1  }
0x13: {  	[smem:$0x3FB1] =	sst s0;
	s0 =	simm.s32 @!p1 $0x0  }
0x14: {  	s2 =	sld [smem:$0x3F95];
	s0 =	simm.s32 @p1 $0x1  }
0x15: {  	[smem:$0x3FB2] =	sst s0;
	s0 =	simm.s32 @!p2 $0x0  }
0x16: {  	s3 =	sld [smem:$0x3FDB];
	s0 =	simm.s32 @p2 $0x1  }
0x17: {  	s4 =	simm.s32 $0x1BF5;
	[smem:$0x3FB4] =	sst s0  }
0x18: {  	s0 =	sld [smem:$0x3F97];
	_ =	swait.ge [sflag:s4], $0x0  }
0x19: {  	s7 =	sld [smem:$0x3F98]  }
0x1a: {  	s8 =	sadd.s32 $0xFFFFE003, lr  }
0x1b: {  	s9 =	sadd.s32 $0xFFFFFEF7, lr;
	s5 =	simm.s32 $0xFFFFFFFF;
	p2 =	slt.u32 s8, $0xFFFFF086  }
0x1c: {  	p1 =	slt.u32 s9, $0xF7A;
	s5 =	simm.s32 @!p2 $0x0  }
0x1d: {  	s5 =	simm.s32 @p1 $0x1;
	p0 =	seq.s32 s7, s2  }
0x1e: {  	s7 =	smul.u32 @!p0 $0xF7A, s2;
	p2 =	seq.s32 @!p0 s5, $0x0  }
0x1f: {  	s9 =	smul.u32 $0xF7A, s1;
	s8 =	simm.s32 @!p0 $0x1BF5;
	p2 =	por !p2, p0  }
0x20: {  	[sflag:s8] =	ssyncset.s32 @!p0 $0xFFFFF086;
	s6 =	sadd.s32 @!p0 s3, s7;
	s7 =	simm.s32 @!p0 $0x108  }
0x21: {  	s3 =	sadd.s32 s3, s9;
	s6 =	sadd.s32 @!p0 $0x88, s6;
	s7 =	simm.s32 @p2 $0x1082  }
0x22: {  	[simem:s7], [sflag:s8] =	dma.local @!p0 [hbm:s6], $0xF7A  }
0x23: {  	s9 =	sor.u32 $0xD0000000, s2;
	s6 =	simm.s32 $0x108;
	_ =	swait.ge @!p0 [sflag:s8], $0x0  }
0x24: {  	s3 =	sadd.s32 $0x88, s3;
	s6 =	simm.s32 @!p1 $0x1082;
	[sflag:s4] =	ssyncset.s32 $0xFFFFF086  }
0x25: {  	[simem:s6], [sflag:s4] =	dma.local [hbm:s3], $0xF7A  }
0x26: {  	[smem:$0x3F98] =	sst s1;
	(tag) =	ssettag s2;
	_ =	strace s9  }
0x27: {  	s1 =	sld [smem:$0x3FA8]  }
0x28: {  	s2 =	sld [smem:$0x3FA9]  }
0x29: {  	s4 =	sld [smem:$0x3FAB]  }
0x2a: {  	p0 =	seq.s32 s5, $0x0;
	s5 =	sld [smem:$0x3FAC]  }
0x2b: {  	s6 =	sld [smem:$0x3FAD]  }
0x2c: {  	s7 =	sld [smem:$0x3FAE]  }
0x2d: {  	s3 =	simm.s32 $0x108;
	s8 =	sld [smem:$0x3FAF]  }
0x2e: {  	s3 =	simm.s32 @!p0 $0x1082;
	s9 =	sld [smem:$0x3FB0]  }
0x2f: {  	lr =	sadd.s32 s0, s3;
	s0 =	sld [smem:$0x3FA7]  }
0x30: {  	s3 =	sld [smem:$0x3FAA]  }
0x31: {  	[smem:$0x3FB3] =	sst s10  }
0x32: {  	s10 =	sld [smem:$0x3FB1];
	_ =	sdelay $0x3  }
0x33: {  	p0 =	seq.s32 s10, $0x1;
	s10 =	sld [smem:$0x3FB3];
	_ =	sdelay $0x3  }
0x34: {  	[smem:$0x3FB3] =	sst s10  }
0x35: {  	s10 =	sld [smem:$0x3FB2];
	_ =	sdelay $0x3  }
0x36: {  	p1 =	seq.s32 s10, $0x1;
	s10 =	sld [smem:$0x3FB3];
	_ =	sdelay $0x3  }
0x37: {  	[smem:$0x3FB3] =	sst s10  }
0x38: {  	s10 =	sld [smem:$0x3FB4]  }
0x39: {  	_ = 	snop;
	(pc) =	sbr.ind lr, $3  }
0x3a: {  	_ = 	snop  }
0x3b: {  	_ = 	snop  }
0x3c: {  	p2 =	seq.s32 s10, $0x1;
	s10 =	sld [smem:$0x3FB3]  }
0x3d: {  	_ =	shalt  }
0x3e: {  	_ =	shalt  }
0x3f: {  	_ =	shalt  }
0x40: {  	_ =	shalt  }
0x41: {  	_ =	shalt  }
0x42: {  	_ =	shalt  }
0x43: {  	_ =	shalt  }
0x44: {  	_ =	shalt  }
0x45: {  	_ =	shalt  }
0x46: {  	_ =	shalt  }
0x47: {  	_ =	shalt  }
0x48: {  	_ =	shalt  }
0x49: {  	_ =	shalt  }
0x4a: {  	_ =	shalt  }
0x4b: {  	_ =	shalt  }
0x4c: {  	_ =	shalt  }
0x4d: {  	_ =	shalt  }
0x4e: {  	_ =	shalt  }
0x4f: {  	_ =	shalt  }
0x50: {  	_ =	shalt  }
0x51: {  	_ =	shalt  }
0x52: {  	_ =	shalt  }
0x53: {  	_ =	shalt  }
0x54: {  	_ =	shalt  }
0x55: {  	_ =	shalt  }
0x56: {  	_ =	shalt  }
0x57: {  	_ =	shalt  }
0x58: {  	_ =	shalt  }
0x59: {  	_ =	shalt  }
0x5a: {  	_ =	shalt  }
0x5b: {  	_ =	shalt  }
0x5c: {  	_ =	shalt  }
0x5d: {  	_ =	shalt  }
0x5e: {  	_ =	shalt  }
0x5f: {  	_ =	shalt  }
0x60: {  	_ =	shalt  }
0x61: {  	_ =	shalt  }
0x62: {  	_ =	shalt  }
0x63: {  	_ =	shalt  }
0x64: {  	_ =	shalt  }
0x65: {  	_ =	shalt  }
0x66: {  	_ =	shalt  }
0x67: {  	_ =	shalt  }
0x68: {  	_ =	shalt  }
0x69: {  	_ =	shalt  }
0x6a: {  	_ =	shalt  }
0x6b: {  	_ =	shalt  }
0x6c: {  	_ =	shalt  }
0x6d: {  	_ =	shalt  }
0x6e: {  	_ =	shalt  }
0x6f: {  	_ =	shalt  }
0x70: {  	_ =	shalt  }
0x71: {  	_ =	shalt  }
0x72: {  	_ =	shalt  }
0x73: {  	_ =	shalt  }
0x74: {  	_ =	shalt  }
0x75: {  	_ =	shalt  }
0x76: {  	_ =	shalt  }
0x77: {  	_ =	shalt  }
0x78: {  	_ =	shalt  }
0x79: {  	_ =	shalt  }
0x7a: {  	_ =	shalt  }
0x7b: {  	_ =	shalt  }
0x7c: {  	_ =	shalt  }
0x7d: {  	_ =	shalt  }
0x7e: {  	_ =	shalt  }
0x7f: {  	_ =	shalt  }
0x80: {  	_ =	shalt  }
0x81: {  	_ =	shalt  }
0x82: {  	_ =	shalt  }
0x83: {  	_ =	shalt  }
0x84: {  	_ =	shalt  }
0x85: {  	_ =	shalt  }
0x86: {  	_ =	shalt  }
0x87: {  	_ =	shalt  }
.Lfunc_end0:
.L_simem_size_0:
called_computation_lowered:
.L_overlay_start_0:
0x88: {  	s2 =	sld [smem:$0x3FD9]  }
0x89: {  	s3 =	sld [smem:$0x3FFE];
	_ =	sdelay $0x1  }
0x8a: {  	s1 =	srdreg.scid  }
0x8b: {  	s0 =	sand.u32 $0x1, s1  }
0x8c: {  	s16 =	sshll.u32 s0, $0xA;
	s2 =	sadd.s32 s3, s2  }
0x8d: {  	s2 =	sadd.s32 s2, s16  }
0x8e: {  	[smem:$0x3FBF] =	sst s2  }
0x8f: {  	_ = 	snop  }
0x90: {  	(tm) =	ssettm $0x1  }
0x91: {  	s17 =	sld [smem:$0x3FFB];
	_ =	sdelay $0x3  }
0x92: {  	_ =	strace s17  }
0x93: {  	s2 =	sld [smem:$0x3FFC];
	_ =	sdelay $0x3  }
0x94: {  	_ =	strace s2  }
0x95: {  	s2 =	sld [smem:$0x3FFD];
	_ =	sdelay $0x3  }
0x96: {  	_ =	strace s2  }
0x97: {  	_ =	strace $0x8FFFFFFF  }
0x98: {  	s18 =	sld [smem:$0x3FDB];
	_ =	sdelay $0x1  }
0x99: {  	s19 =	simm.s32 $_scs_section_size  }
0x9a: {  	s4 =	simm.s32 $_size__tile_overlayer_lowered;
	s5 =	simm.s32 $_tile_overlayer_lowered  }
0x9b: {  	s22 =	simm.s32 $0x1BFF;
	s21 =	sshll.u32 s5, $0x1;
	s2 =	sadd.s32 s19, s18  }
0x9c: {  	s6 =	simm.s32 $0x0;
	s20 =	sshll.u32 s4, $0x1;
	s4 =	sadd.s32 s21, s2  }
0x9d: {  	[timem:s6], [sflag:s22] =	dma.local [hbm:s4], s20  }
0x9e: {  	_ =	swait.ge [sflag:s22], s20  }
0x9f: {  	s3 =	ssub.s32 $0x0, s20;
	[sflag:s22] =	ssyncset.done $0x0  }
0xa0: {  	[sflag:s22] =	ssyncadd.s32 s3;
	_ =	sdelay $0x1  }
0xa1: {  	s23 =	simm.s32 $0x1B8B  }
0xa2: {  	_ =	swait.ge [sflag:s23], $0x1  }
0xa3: {  	[sflag:s23] =	ssyncset.done $0x0  }
0xa4: {  	s25 =	simm.s32 $0x1B8E;
	s24 =	sld [smem:$0x3FFE];
	[sflag:s23] =	ssyncadd.s32 $0xFFFFFFFF  }
0xa5: {  	s26 =	simm.s32 $execute0_lowered;
	[smem:$0x3FD2] =	sst s25  }
0xa6: {  	s4 =	sshll.u32 s26, $0x1;
	_ =	strace $0x80000046;
	[dreg:$0x1] =	wrdreg $0xFFFFFFFF  }
0xa7: {  	s28 =	simm.s32 $_size_execute0_lowered;
	s2 =	sadd.s32 s2, s4;
	[dreg:$0x0] =	wrdreg $0x0  }
0xa8: {  	s4 =	sshll.u32 s28, $0x1;
	[dreg:$0x2] =	wrdreg s2  }
0xa9: {  	[dreg:$0x3] =	wrdreg s4  }
0xaa: {  	[dreg:$0x4] =	wrdreg $0xC0  }
0xab: {  	_ =	task [dreg:s6], $0x5FFFF  }
0xac: {  	[dreg:$0x1] =	wrdreg $0xFFFFFFFF  }
0xad: {  	[dreg:$0x0] =	wrdreg $0x60  }
0xae: {  	[dreg:$0x2] =	wrdreg s24  }
0xaf: {  	[dreg:$0x3] =	wrdreg $0x11A00  }
0xb0: {  	[dreg:$0x4] =	wrdreg $0x9  }
0xb1: {  	_ =	task.clear_ibuf [dreg:s6], $0x5FFFF;
	_ =	strace $0x90000046  }
0xb2: {  	s29 =	simm.s32 $0x9;
	_ =	strace $0x80000048  }
0xb3: {  	_ =	swait.ge [sflag:s29], $0x1  }
0xb4: {  	[sflag:s29] =	ssyncadd.s32 $0xFFFFFFFF  }
0xb5: {  	_ =	strace $0x90000048  }
0xb6: {  	_ =	sfence  }
0xb7: {  	s30 =	sld [smem:$0x0];
	_ =	sdelay $0x2  }
0xb8: {  	s31 =	sshll.u32 s1, $0xD;
	s1 =	sshrl.u32 s1, $0x2  }
0xb9: {  	s3 =	sand.u32 $0x4000, s31;
	s1 =	sadd.s32 s1, s30  }
0xba: {  	s0 =	sor.u32 s3, s0;
	s1 =	sshll.u32 s1, $0x11  }
0xbb: {  	s0 =	sor.u32 s1, s0  }
0xbc: {  	s0 =	sadd.s32 $0x8F2B, s0  }
0xbd: {  	[sflag:s0] =	ssyncadd.remote.s32 $0x1  }
0xbe: {  	_ =	sfence.sel $0xFFFF  }
0xbf: {  	[dreg:$0x0] =	wrdreg $0xFFFFFFFF;
	(pc) =	sbr.abs _section_cstart, $3  }
0xc0: {  	[dreg:$0x1] =	wrdreg $0xFFFFFFFF  }
0xc1: {  	_ =	task.clear_ibuf [dreg:s6], $0x2FFFF;
	_ =	strace $0x9FFFFFFF  }
0xc2: {  	(tm) =	ssettm $0x7FFFFFFF  }
0xc3: {  	_ =	shalt  }
tec
execute0_lowered:
.L_overlay_start_1:
0x0: {  	(tag) =	ssettag $0x1  }
0x1: {  	s6 =	rddreg [dreg:$0x0]  }
0x2: {  	s2 =	rddreg [dreg:$0x1]  }
0x3: {  	s0 =	rddreg [dreg:$0x2]  }
0x4: {  	s3 =	simm.s32 $0x0;
	s4 =	srdreg.scid;
	s1 =	stileid.u32  }
0x5: {  	s16 =	simm.s32 $0x7D;
	s17 =	simm.s32 $0x80;
	s18 =	simm.s32 $0x100  }
0x6: {  	s19 =	simm.s32 $0x180;
	s20 =	simm.s32 $0x1;
	s7 =	smul.u32 $0x19000, s1  }
0x7: {  	s21 =	simm.s32 $0x2;
	s22 =	simm.s32 $0x0;
	s26 =	smul.u32 $0xC800, s1  }
0x8: {  	[smem:$0x7FF] =	sst s3;
	s8 =	sand.u32 $0x1, s4;
	s30 =	smul.u32 $0x1900, s1  }
0x9: {  	s11 =	sadd.s32 $0x4200, s6;
	s4 =	sadd.s32 $0x36200, s6;
	s9 =	smul.u32 $0x190000, s8  }
0xa: {  	s31 =	sshll.u32 s1, $0x6;
	_ =	strace $0x80000047;
	s14 =	smul.u32 $0xC8000, s8  }
0xb: {  	s5 =	sshll.u32 s8, $0x4;
	s13 =	ssub.s32 $0x2, s8;
	s28 =	smul.u32 $0x19000, s8  }
0xc: {  	s10 =	sor.u32 s1, s5;
	s5 =	sadd.s32 $0x36400, s6;
	s25 =	sshrl.u32 s13, $0x1  }
0xd: {  	s15 =	sadd.s32 s7, s2;
	s9 =	sadd.s32 s7, s9;
	s12 =	smul.u32 $0xC800, s10  }
0xe: {  	s10 =	smul.u32 $0x1900, s10;
	s15 =	sshrl.u32 s15, $0x3;
	s9 =	sshrl.u32 s9, $0x3  }
0xf: {  	s6 =	sadd.s32 s9, s6;
	s9 =	ssub.s32 s13, s25;
	s29 =	sshrl.u32 s12, $0x3  }
0x10: {  	s13 =	sadd.s32 s26, s14;
	s10 =	sadd.s32 s10, s11;
	s14 =	sor.u32 $0x1C03, s31  }
0x11: {  	s6 =	sadd.s32 $0x39600, s6;
	s7 =	smax.u32 s9, $0x1;
	s9 =	sadd.s32 s28, s11  }
0x12: {  	s8 =	sadd.s32 s11, s29;
	s13 =	sor.u32 $0x200, s13;
	s12 =	sadd.s32 s30, s9  }
0x13: {  	s13 =	sshrl.u32 s13, $0x3;
	s9 =	sadd.s32 $0x20, s10;
	s10 =	sadd.s32 $0x60, s12  }
0x14: {  	s11 =	sadd.s32 s13, s11;
	s12 =	simm.s32 $0x200;
	s13 =	simm.s32 $0x3  }
.LBB2_1:
0x15: {  	[tilespmem:s12], [sflag:$0x3] =	stream.linear.gather [hbm4b:s4+s3], $0xFA0, $0x38;
	[tilespmem:$0x1A1A0] =	vst v63  }
0x16: {  	_ =	swait.ge [sflag:s13], $0xFA0  }
0x17: {  	[sflag:s13] =	ssyncset.done $0x0  }
0x18: {  	[sflag:s13] =	ssyncadd.s32 $0xFFFFF060  }
0x19: {  	[spmem:s15], [sflag:s14] =	dma.local [hbm:s5], $0x3200  }
0x1a: {  	_ =	swait.ge [sflag:s13], $0x3200  }
0x1b: {  	[sflag:s13] =	ssyncset.done $0x0  }
0x1c: {  	[sflag:s13] =	ssyncadd.s32 $0xFFFFCE00  }
0x1d: {  	[bflag:$0x0] =	sbarrier.arrive $0xFFFF  }
0x1e: {  	[tilespmem:s3], [sflag:$0x3] =	stream.linear.gather [hbm4b:s8+s3], $0x100, $0x38;
	[tilespmem:$0x1A1A0] =	vst v63  }
0x1f: {  	_ =	swait.ge [sflag:s13], $0x100  }
0x20: {  	[sflag:s13] =	ssyncset.done $0x0  }
0x21: {  	[sflag:s13] =	ssyncadd.s32 $0xFFFFFF00  }
0x22: {  	[spmem:s2] =	stream.indirect.scatter.add.f32 [tilespmem:s12], [sflag:$0x1], $0x20, s3, s16, $0xb8;
	[tilespmem:$0x1A1A0] =	vst v63  }
0x23: {  	_ = 	snop  }
0x24: {  	[spmem:s2] =	stream.indirect.scatter.add.f32 [tilespmem:s12], [sflag:$0x1], $0x20, s17, s16, $0xb8;
	[tilespmem:$0x1A1A0] =	vst v63  }
0x25: {  	_ = 	snop  }
0x26: {  	[tilespmem:s18], [sflag:$0x3] =	stream.linear.gather [hbm4b:s9+s3], $0x100, $0x38;
	[tilespmem:$0x1A1A0] =	vst v63  }
0x27: {  	_ =	swait.ge [sflag:s13], $0x100  }
0x28: {  	[sflag:s13] =	ssyncset.done $0x0  }
0x29: {  	[sflag:s13] =	ssyncadd.s32 $0xFFFFFF00  }
0x2a: {  	[spmem:s2] =	stream.indirect.scatter.add.f32 [tilespmem:s12], [sflag:$0x2], $0x20, s18, s16, $0xb8;
	[tilespmem:$0x1A1A0] =	vst v63  }
0x2b: {  	_ = 	snop  }
0x2c: {  	[spmem:s2] =	stream.indirect.scatter.add.f32 [tilespmem:s12], [sflag:$0x2], $0x20, s19, s16, $0xb8;
	[tilespmem:$0x1A1A0] =	vst v63  }
0x2d: {  	_ =	swait.ge [sflag:s20], $0xFA0  }
0x2e: {  	[sflag:s20] =	ssyncset.done $0x0  }
0x2f: {  	[sflag:s20] =	ssyncadd.s32 $0xFFFFF060  }
0x30: {  	_ =	swait.ge [sflag:s20], $0xFA0  }
0x31: {  	[sflag:s20] =	ssyncset.done $0x0  }
0x32: {  	s23 =	sadd.s32 $0x0, s11;
	[sflag:s20] =	ssyncadd.s32 $0xFFFFF060  }
0x33: {  	[tilespmem:s3], [sflag:$0x3] =	stream.linear.gather [hbm4b:s23+s3], $0x100, $0x38;
	[tilespmem:$0x1A1A0] =	vst v63  }
0x34: {  	_ =	swait.ge [sflag:s13], $0x100  }
0x35: {  	[sflag:s13] =	ssyncset.done $0x0  }
0x36: {  	[sflag:s13] =	ssyncadd.s32 $0xFFFFFF00  }
0x37: {  	[spmem:s2] =	stream.indirect.scatter.add.f32 [tilespmem:s12], [sflag:$0x1], $0x20, s3, s16, $0xb8;
	[tilespmem:$0x1A1A0] =	vst v63  }
0x38: {  	_ = 	snop  }
0x39: {  	[spmem:s2] =	stream.indirect.scatter.add.f32 [tilespmem:s12], [sflag:$0x1], $0x20, s17, s16, $0xb8;
	[tilespmem:$0x1A1A0] =	vst v63  }
0x3a: {  	_ =	swait.ge [sflag:s21], $0xFA0  }
0x3b: {  	[sflag:s21] =	ssyncset.done $0x0  }
0x3c: {  	[sflag:s21] =	ssyncadd.s32 $0xFFFFF060  }
0x3d: {  	_ =	swait.ge [sflag:s21], $0xFA0  }
0x3e: {  	[sflag:s21] =	ssyncset.done $0x0  }
0x3f: {  	s31 =	sadd.s32 $0x0, s10;
	[sflag:s21] =	ssyncadd.s32 $0xFFFFF060  }
0x40: {  	[tilespmem:s18], [sflag:$0x3] =	stream.linear.gather [hbm4b:s31+s3], $0x100, $0x38;
	[tilespmem:$0x1A1A0] =	vst v63  }
0x41: {  	_ =	swait.ge [sflag:s13], $0x100  }
0x42: {  	[sflag:s13] =	ssyncset.done $0x0  }
0x43: {  	s23 =	simm.s32 $0x40;
	[sflag:s13] =	ssyncadd.s32 $0xFFFFFF00  }
0x44: {  	[spmem:s2] =	stream.indirect.scatter.add.f32 [tilespmem:s12], [sflag:$0x2], $0x20, s18, s16, $0xb8;
	[tilespmem:$0x1A1A0] =	vst v63  }
.LBB2_2:
0x45: {  	[spmem:s2] =	stream.indirect.scatter.add.f32 [tilespmem:s12], [sflag:$0x2], $0x20, s19, s16, $0xb8;
	[tilespmem:$0x1A1A0] =	vst v63  }
0x46: {  	s24 =	smov.u32 s23  }
0x47: {  	p0 =	sne.s32 s23, $0x1880;
	s23 =	sadd.s32 $0x40, s23;
	_ =	swait.ge [sflag:s20], $0xFA0  }
0x48: {  	[sflag:s20] =	ssyncset.done $0x0  }
0x49: {  	[sflag:s20] =	ssyncadd.s32 $0xFFFFF060  }
0x4a: {  	_ =	swait.ge [sflag:s20], $0xFA0  }
0x4b: {  	[sflag:s20] =	ssyncset.done $0x0  }
0x4c: {  	s25 =	sadd.s32 s24, s11;
	[sflag:s20] =	ssyncadd.s32 $0xFFFFF060  }
0x4d: {  	[tilespmem:s3], [sflag:$0x3] =	stream.linear.gather [hbm4b:s25+s3], $0x100, $0x38;
	[tilespmem:$0x1A1A0] =	vst v63  }
0x4e: {  	_ =	swait.ge [sflag:s13], $0x100  }
0x4f: {  	[sflag:s13] =	ssyncset.done $0x0  }
0x50: {  	[sflag:s13] =	ssyncadd.s32 $0xFFFFFF00  }
0x51: {  	[spmem:s2] =	stream.indirect.scatter.add.f32 [tilespmem:s12], [sflag:$0x1], $0x20, s3, s16, $0xb8;
	[tilespmem:$0x1A1A0] =	vst v63  }
0x52: {  	_ = 	snop  }
0x53: {  	[spmem:s2] =	stream.indirect.scatter.add.f32 [tilespmem:s12], [sflag:$0x1], $0x20, s17, s16, $0xb8;
	[tilespmem:$0x1A1A0] =	vst v63  }
0x54: {  	_ =	swait.ge [sflag:s21], $0xFA0  }
0x55: {  	[sflag:s21] =	ssyncset.done $0x0  }
0x56: {  	[sflag:s21] =	ssyncadd.s32 $0xFFFFF060  }
0x57: {  	_ =	swait.ge [sflag:s21], $0xFA0  }
0x58: {  	[sflag:s21] =	ssyncset.done $0x0  }
0x59: {  	s24 =	sadd.s32 s24, s10;
	[sflag:s21] =	ssyncadd.s32 $0xFFFFF060  }
0x5a: {  	[tilespmem:s18], [sflag:$0x3] =	stream.linear.gather [hbm4b:s24+s3], $0x100, $0x38;
	[tilespmem:$0x1A1A0] =	vst v63  }
.Ltmp0:
0x5b: {  	_ = 	snop;
	(pc) =	sbr.rel @p0 .LBB2_2-.Ltmp0, $4  }
0x5c: {  	_ =	swait.ge [sflag:s13], $0x100  }
0x5d: {  	[sflag:s13] =	ssyncset.done $0x0  }
0x5e: {  	[sflag:s13] =	ssyncadd.s32 $0xFFFFFF00  }
0x5f: {  	[spmem:s2] =	stream.indirect.scatter.add.f32 [tilespmem:s12], [sflag:$0x2], $0x20, s18, s16, $0xb8;
	[tilespmem:$0x1A1A0] =	vst v63  }
0x60: {  	[spmem:s2] =	stream.indirect.scatter.add.f32 [tilespmem:s12], [sflag:$0x2], $0x20, s19, s16, $0xb8;
	[tilespmem:$0x1A1A0] =	vst v63  }
0x61: {  	_ =	swait.ge [sflag:s20], $0xFA0  }
0x62: {  	[sflag:s20] =	ssyncset.done $0x0  }
0x63: {  	[sflag:s20] =	ssyncadd.s32 $0xFFFFF060  }
0x64: {  	_ =	swait.ge [sflag:s20], $0xFA0  }
0x65: {  	[sflag:s20] =	ssyncset.done $0x0  }
0x66: {  	[sflag:s20] =	ssyncadd.s32 $0xFFFFF060  }
0x67: {  	_ =	swait.ge [sflag:s21], $0xFA0  }
0x68: {  	[sflag:s21] =	ssyncset.done $0x0  }
0x69: {  	[sflag:s21] =	ssyncadd.s32 $0xFFFFF060  }
0x6a: {  	_ =	swait.ge [sflag:s21], $0xFA0  }
0x6b: {  	s22 =	sadd.s32 $0x1, s22;
	[sflag:s21] =	ssyncset.done $0x0  }
0x6c: {  	p0 =	sne.s32 s22, s7;
	[sflag:s21] =	ssyncadd.s32 $0xFFFFF060  }
.Ltmp1:
0x6d: {  	[bflag:$0x0] =	sbarrier.arrive $0xFFFF;
	(pc) =	sbr.rel @p0 .LBB2_1-.Ltmp1, $4  }
0x6e: {  	[hbm:s6], [sflag:s14] =	dma.local [spmem:s15], $0x3200  }
0x6f: {  	_ =	swait.ge [sflag:s13], $0x3200  }
0x70: {  	[sflag:s13] =	ssyncset.done $0x0  }
0x71: {  	[sflag:s13] =	ssyncadd.s32 $0xFFFFCE00  }
0x72: {  	_ =	sfence.sel $0x180000  }
0x73: {  	[bflag:$0x0] =	sbarrier.arrive $0xFFFF  }
0x74: {  	p0 =	sne.s32 s1, $0x0;
	_ =	strace $0x90000047  }
0x75: {  	s0 =	sadd.s32 @!p0 $0x100000, s0;
	[bflag:$0x2] =	sbarrier.arrive $0xFFFF  }
0x76: {  	[sflag:s0] =	ssyncadd.tile.s32 @!p0 $0x1;
	_ =	shalt  }
.Lfunc_end2:
_tile_overlayer_lowered:
.L_overlay_start_2:
0x77: {  	(tag) =	ssettag $0x2  }
0x78: {  	s0 =	rddreg [dreg:$0x0];
	s2 =	stileid.u32  }
0x79: {  	s1 =	rddreg [dreg:$0x1];
	p0 =	sne.s32 s2, $0x0  }
0x7a: {  	s3 =	rddreg [dreg:$0x2];
	[bflag:$0x3] =	sbarrier.arrive $0xFFFF;
	s2 =	simm.s32 @!p0 $0x1C03  }
0x7b: {  	[timem:s3], [sflag:s2] =	dma.local @!p0 [hbm:s0], s1  }
0x7c: {  	s0 =	simm.s32 @!p0 $0x3  }
0x7d: {  	_ =	swait.ge @!p0 [sflag:s0], s1  }
0x7e: {  	s1 =	ssub.s32 @!p0 $0x0, s1;
	[sflag:s0] =	ssyncset.done @!p0 $0x0  }
0x7f: {  	[sflag:s0] =	ssyncadd.s32 @!p0 s1  }
0x80: {  	[bflag:$0x3] =	sbarrier.arrive $0xFFFF  }
0x81: {  	_ =	shalt  }

// kernel: kernel.13.cloned.1.call-start
scs
__scs_entry_jumppad:
0x0: {  	(pc) =	sbr.rel $0x88, $3  }
0x1: {  	(tag) =	ssettag $0x0;
	lr =	simm.s32 $0x1  }
0x2: {  	[smem:$0x3F98] =	sst lr;
	_ =	strace $0xD0000000  }
0x3: {  	_ = 	snop  }
0x4: {  	_ = 	snop  }
0x5: {  	_ = 	snop  }
0x6: {  	_ = 	snop  }
0x7: {  	_ = 	snop  }
__scs_overlays_trampoline_lowered:
0x8: {  	[smem:$0x3FA7] =	sst s0  }
0x9: {  	[smem:$0x3FA8] =	sst s1  }
0xa: {  	[smem:$0x3FA9] =	sst s2  }
0xb: {  	[smem:$0x3FAA] =	sst s3  }
0xc: {  	[smem:$0x3FAB] =	sst s4  }
0xd: {  	[smem:$0x3FAC] =	sst s5  }
0xe: {  	[smem:$0x3FAD] =	sst s6  }
0xf: {  	[smem:$0x3FAE] =	sst s7  }
0x10: {  	[smem:$0x3FAF] =	sst s8  }
0x11: {  	[smem:$0x3FB0] =	sst s9;
	s0 =	simm.s32 @!p0 $0x0  }
0x12: {  	s1 =	sld [smem:$0x3F96];
	s0 =	simm.s32 @p0 $0x1  }
0x13: {  	[smem:$0x3FB1] =	sst s0;
	s0 =	simm.s32 @!p1 $0x0  }
0x14: {  	s2 =	sld [smem:$0x3F95];
	s0 =	simm.s32 @p1 $0x1  }
0x15: {  	[smem:$0x3FB2] =	sst s0;
	s0 =	simm.s32 @!p2 $0x0  }
0x16: {  	s3 =	sld [smem:$0x3FDB];
	s0 =	simm.s32 @p2 $0x1  }
0x17: {  	s4 =	simm.s32 $0x1BF5;
	[smem:$0x3FB4] =	sst s0  }
0x18: {  	s0 =	sld [smem:$0x3F97];
	_ =	swait.ge [sflag:s4], $0x0  }
0x19: {  	s7 =	sld [smem:$0x3F98]  }
0x1a: {  	s8 =	sadd.s32 $0xFFFFE003, lr  }
0x1b: {  	s9 =	sadd.s32 $0xFFFFFEF7, lr;
	s5 =	simm.s32 $0xFFFFFFFF;
	p2 =	slt.u32 s8, $0xFFFFF086  }
0x1c: {  	p1 =	slt.u32 s9, $0xF7A;
	s5 =	simm.s32 @!p2 $0x0  }
0x1d: {  	s5 =	simm.s32 @p1 $0x1;
	p0 =	seq.s32 s7, s2  }
0x1e: {  	s7 =	smul.u32 @!p0 $0xF7A, s2;
	p2 =	seq.s32 @!p0 s5, $0x0  }
0x1f: {  	s9 =	smul.u32 $0xF7A, s1;
	s8 =	simm.s32 @!p0 $0x1BF5;
	p2 =	por !p2, p0  }
0x20: {  	[sflag:s8] =	ssyncset.s32 @!p0 $0xFFFFF086;
	s6 =	sadd.s32 @!p0 s3, s7;
	s7 =	simm.s32 @!p0 $0x108  }
0x21: {  	s3 =	sadd.s32 s3, s9;
	s6 =	sadd.s32 @!p0 $0x88, s6;
	s7 =	simm.s32 @p2 $0x1082  }
0x22: {  	[simem:s7], [sflag:s8] =	dma.local @!p0 [hbm:s6], $0xF7A  }
0x23: {  	s9 =	sor.u32 $0xD0000000, s2;
	s6 =	simm.s32 $0x108;
	_ =	swait.ge @!p0 [sflag:s8], $0x0  }
0x24: {  	s3 =	sadd.s32 $0x88, s3;
	s6 =	simm.s32 @!p1 $0x1082;
	[sflag:s4] =	ssyncset.s32 $0xFFFFF086  }
0x25: {  	[simem:s6], [sflag:s4] =	dma.local [hbm:s3], $0xF7A  }
0x26: {  	[smem:$0x3F98] =	sst s1;
	(tag) =	ssettag s2;
	_ =	strace s9  }
0x27: {  	s1 =	sld [smem:$0x3FA8]  }
0x28: {  	s2 =	sld [smem:$0x3FA9]  }
0x29: {  	s4 =	sld [smem:$0x3FAB]  }
0x2a: {  	p0 =	seq.s32 s5, $0x0;
	s5 =	sld [smem:$0x3FAC]  }
0x2b: {  	s6 =	sld [smem:$0x3FAD]  }
0x2c: {  	s7 =	sld [smem:$0x3FAE]  }
0x2d: {  	s3 =	simm.s32 $0x108;
	s8 =	sld [smem:$0x3FAF]  }
0x2e: {  	s3 =	simm.s32 @!p0 $0x1082;
	s9 =	sld [smem:$0x3FB0]  }
0x2f: {  	lr =	sadd.s32 s0, s3;
	s0 =	sld [smem:$0x3FA7]  }
0x30: {  	s3 =	sld [smem:$0x3FAA]  }
0x31: {  	[smem:$0x3FB3] =	sst s10  }
0x32: {  	s10 =	sld [smem:$0x3FB1];
	_ =	sdelay $0x3  }
0x33: {  	p0 =	seq.s32 s10, $0x1;
	s10 =	sld [smem:$0x3FB3];
	_ =	sdelay $0x3  }
0x34: {  	[smem:$0x3FB3] =	sst s10  }
0x35: {  	s10 =	sld [smem:$0x3FB2];
	_ =	sdelay $0x3  }
0x36: {  	p1 =	seq.s32 s10, $0x1;
	s10 =	sld [smem:$0x3FB3];
	_ =	sdelay $0x3  }
0x37: {  	[smem:$0x3FB3] =	sst s10  }
0x38: {  	s10 =	sld [smem:$0x3FB4]  }
0x39: {  	_ = 	snop;
	(pc) =	sbr.ind lr, $3  }
0x3a: {  	_ = 	snop  }
0x3b: {  	_ = 	snop  }
0x3c: {  	p2 =	seq.s32 s10, $0x1;
	s10 =	sld [smem:$0x3FB3]  }
0x3d: {  	_ =	shalt  }
0x3e: {  	_ =	shalt  }
0x3f: {  	_ =	shalt  }
0x40: {  	_ =	shalt  }
0x41: {  	_ =	shalt  }
0x42: {  	_ =	shalt  }
0x43: {  	_ =	shalt  }
0x44: {  	_ =	shalt  }
0x45: {  	_ =	shalt  }
0x46: {  	_ =	shalt  }
0x47: {  	_ =	shalt  }
0x48: {  	_ =	shalt  }
0x49: {  	_ =	shalt  }
0x4a: {  	_ =	shalt  }
0x4b: {  	_ =	shalt  }
0x4c: {  	_ =	shalt  }
0x4d: {  	_ =	shalt  }
0x4e: {  	_ =	shalt  }
0x4f: {  	_ =	shalt  }
0x50: {  	_ =	shalt  }
0x51: {  	_ =	shalt  }
0x52: {  	_ =	shalt  }
0x53: {  	_ =	shalt  }
0x54: {  	_ =	shalt  }
0x55: {  	_ =	shalt  }
0x56: {  	_ =	shalt  }
0x57: {  	_ =	shalt  }
0x58: {  	_ =	shalt  }
0x59: {  	_ =	shalt  }
0x5a: {  	_ =	shalt  }
0x5b: {  	_ =	shalt  }
0x5c: {  	_ =	shalt  }
0x5d: {  	_ =	shalt  }
0x5e: {  	_ =	shalt  }
0x5f: {  	_ =	shalt  }
0x60: {  	_ =	shalt  }
0x61: {  	_ =	shalt  }
0x62: {  	_ =	shalt  }
0x63: {  	_ =	shalt  }
0x64: {  	_ =	shalt  }
0x65: {  	_ =	shalt  }
0x66: {  	_ =	shalt  }
0x67: {  	_ =	shalt  }
0x68: {  	_ =	shalt  }
0x69: {  	_ =	shalt  }
0x6a: {  	_ =	shalt  }
0x6b: {  	_ =	shalt  }
0x6c: {  	_ =	shalt  }
0x6d: {  	_ =	shalt  }
0x6e: {  	_ =	shalt  }
0x6f: {  	_ =	shalt  }
0x70: {  	_ =	shalt  }
0x71: {  	_ =	shalt  }
0x72: {  	_ =	shalt  }
0x73: {  	_ =	shalt  }
0x74: {  	_ =	shalt  }
0x75: {  	_ =	shalt  }
0x76: {  	_ =	shalt  }
0x77: {  	_ =	shalt  }
0x78: {  	_ =	shalt  }
0x79: {  	_ =	shalt  }
0x7a: {  	_ =	shalt  }
0x7b: {  	_ =	shalt  }
0x7c: {  	_ =	shalt  }
0x7d: {  	_ =	shalt  }
0x7e: {  	_ =	shalt  }
0x7f: {  	_ =	shalt  }
0x80: {  	_ =	shalt  }
0x81: {  	_ =	shalt  }
0x82: {  	_ =	shalt  }
0x83: {  	_ =	shalt  }
0x84: {  	_ =	shalt  }
0x85: {  	_ =	shalt  }
0x86: {  	_ =	shalt  }
0x87: {  	_ =	shalt  }
.Lfunc_end0:
.L_simem_size_0:
called_computation.1_lowered:
.L_overlay_start_0:
0x88: {  	s2 =	sld [smem:$0x3FD9]  }
0x89: {  	s3 =	sld [smem:$0x3FFE];
	_ =	sdelay $0x1  }
0x8a: {  	s1 =	srdreg.scid  }
0x8b: {  	s0 =	sand.u32 $0x1, s1  }
0x8c: {  	s17 =	sshll.u32 s0, $0xA;
	s2 =	sadd.s32 s3, s2  }
0x8d: {  	s2 =	sadd.s32 s2, s17  }
0x8e: {  	[smem:$0x3FBF] =	sst s2  }
0x8f: {  	_ = 	snop  }
0x90: {  	s18 =	sld [smem:$0x3FD0];
	(tm) =	ssettm $0x1  }
0x91: {  	s19 =	sld [smem:$0x3FFB];
	_ =	sdelay $0x3  }
0x92: {  	_ =	strace s19  }
0x93: {  	s2 =	sld [smem:$0x3FFC];
	_ =	sdelay $0x3  }
0x94: {  	_ =	strace s2  }
0x95: {  	s2 =	sld [smem:$0x3FFD];
	_ =	sdelay $0x3  }
0x96: {  	_ =	strace s2  }
0x97: {  	_ =	strace $0x8FFFFFFF  }
0x98: {  	s20 =	sld [smem:$0x3FDB];
	_ =	sdelay $0x1  }
0x99: {  	s4 =	simm.s32 $_scs_section_size  }
0x9a: {  	s5 =	simm.s32 $_size__tile_overlayer_lowered;
	s6 =	simm.s32 $_tile_overlayer_lowered  }
0x9b: {  	s7 =	simm.s32 $0x1BFF;
	s21 =	sshll.u32 s6, $0x1;
	s4 =	sadd.s32 s4, s20  }
0x9c: {  	s22 =	simm.s32 $0x0;
	s5 =	sshll.u32 s5, $0x1;
	s6 =	sadd.s32 s21, s4  }
0x9d: {  	[timem:s22], [sflag:s7] =	dma.local [hbm:s6], s5  }
0x9e: {  	_ =	swait.ge [sflag:s7], s5  }
0x9f: {  	s5 =	ssub.s32 $0x0, s5;
	[sflag:s7] =	ssyncset.done $0x0  }
0xa0: {  	[sflag:s7] =	ssyncadd.s32 s5;
	_ =	sdelay $0x1  }
0xa1: {  	s23 =	simm.s32 $0x1B8B  }
0xa2: {  	_ =	swait.ge [sflag:s23], $0x1  }
0xa3: {  	[sflag:s23] =	ssyncset.done $0x0  }
0xa4: {  	[sflag:s23] =	ssyncadd.s32 $0xFFFFFFFF  }
0xa5: {  	s5 =	sld [smem:$0x0]  }
0xa6: {  	s6 =	sand.u32 $0xFFFFFFFE, s1  }
0xa7: {  	p0 =	sne.s32 s1, s6  }
0xa8: {  	s6 =	sshll.u32 @p0 s6, $0xE  }
0xa9: {  	s6 =	sadd.s32 @p0 $0x11B8D, s6;
	s7 =	sshll.u32 @p0 s5, $0x11  }
0xaa: {  	s6 =	sor.u32 @p0 s7, s6  }
0xab: {  	[sflag:s6] =	ssyncadd.remote.s32 @p0 $0x1;
	_ =	sdelay $0x1  }
0xac: {  	s6 =	simm.s32 @p0 $0x1B8D  }
0xad: {  	_ =	swait.eq @p0 [sflag:s6], $0x1  }
0xae: {  	[sflag:s6] =	ssyncadd.s32 @p0 $0xFFFFFFFF  }
0xaf: {  	s7 =	sshll.u32 @!p0 s1, $0xE  }
0xb0: {  	s7 =	sor.u32 @!p0 $0x4000, s7;
	s6 =	simm.s32 @!p0 $0x1B8D  }
0xb1: {  	s5 =	sshll.u32 @!p0 s5, $0x11;
	s7 =	sadd.s32 @!p0 $0x11B8D, s7;
	_ =	swait.eq @!p0 [sflag:s6], $0x1  }
0xb2: {  	s5 =	sor.u32 @!p0 s5, s7;
	[sflag:s6] =	ssyncadd.s32 @!p0 $0xFFFFFFFF  }
0xb3: {  	s25 =	simm.s32 $0x1B8E;
	s24 =	sld [smem:$0x3FFE];
	[sflag:s5] =	ssyncadd.remote.s32 @!p0 $0x1  }
0xb4: {  	s26 =	simm.s32 $execute0_lowered;
	[smem:$0x3FD2] =	sst s25  }
0xb5: {  	s6 =	sshll.u32 s26, $0x1;
	_ =	strace $0x80000049;
	[dreg:$0x1] =	wrdreg $0xFFFFFFFF  }
0xb6: {  	s28 =	simm.s32 $_size_execute0_lowered;
	s4 =	sadd.s32 s4, s6;
	[dreg:$0x0] =	wrdreg $0x0  }
0xb7: {  	s6 =	sshll.u32 s28, $0x1;
	[dreg:$0x2] =	wrdreg s4  }
0xb8: {  	[dreg:$0x3] =	wrdreg s6  }
0xb9: {  	[dreg:$0x4] =	wrdreg $0xC0  }
0xba: {  	_ =	task [dreg:s22], $0x5FFFF  }
0xbb: {  	[dreg:$0x1] =	wrdreg $0xFFFFFFFF  }
0xbc: {  	[dreg:$0x0] =	wrdreg $0x60  }
0xbd: {  	[dreg:$0x2] =	wrdreg s18  }
0xbe: {  	[dreg:$0x3] =	wrdreg s24  }
0xbf: {  	[dreg:$0x4] =	wrdreg $0x42800  }
0xc0: {  	[dreg:$0x5] =	wrdreg $0xA  }
0xc1: {  	_ =	task.clear_ibuf [dreg:s22], $0x6FFFF;
	_ =	strace $0x90000049  }
0xc2: {  	s29 =	simm.s32 $0xA;
	_ =	strace $0x8000004B  }
0xc3: {  	_ =	swait.ge [sflag:s29], $0x1  }
0xc4: {  	[sflag:s29] =	ssyncadd.s32 $0xFFFFFFFF  }
0xc5: {  	_ =	strace $0x9000004B  }
0xc6: {  	_ =	sfence  }
0xc7: {  	s30 =	sld [smem:$0x0];
	_ =	sdelay $0x2  }
0xc8: {  	s31 =	sshll.u32 s1, $0xD;
	s1 =	sshrl.u32 s1, $0x2  }
0xc9: {  	s4 =	sand.u32 $0x4000, s31;
	s1 =	sadd.s32 s1, s30  }
0xca: {  	s0 =	sor.u32 s4, s0;
	s1 =	sshll.u32 s1, $0x11  }
0xcb: {  	s0 =	sor.u32 s1, s0  }
0xcc: {  	s0 =	sadd.s32 $0x8F2B, s0  }
0xcd: {  	[sflag:s0] =	ssyncadd.remote.s32 $0x1  }
0xce: {  	_ =	sfence.sel $0xFFFF  }
0xcf: {  	[dreg:$0x0] =	wrdreg $0xFFFFFFFF;
	(pc) =	sbr.abs _section_cstart, $3  }
0xd0: {  	[dreg:$0x1] =	wrdreg $0xFFFFFFFF  }
0xd1: {  	_ =	task.clear_ibuf [dreg:s22], $0x2FFFF;
	_ =	strace $0x9FFFFFFF  }
0xd2: {  	(tm) =	ssettm $0x7FFFFFFF  }
0xd3: {  	_ =	shalt  }
tec
execute0_lowered:
.L_overlay_start_1:
0x0: {  	(tag) =	ssettag $0x1  }
0x1: {  	s1 =	rddreg [dreg:$0x0]  }
0x2: {  	s0 =	rddreg [dreg:$0x1]  }
0x3: {  	s3 =	rddreg [dreg:$0x2]  }
0x4: {  	s2 =	srdreg.scid;
	s11 =	stileid.u32  }
0x5: {  	s4 =	simm.s32 $0x0;
	s17 =	simm.s32 $0x5;
	s18 =	simm.s32 $0x200  }
0x6: {  	s28 =	simm.s32 $0x13A0;
	s29 =	simm.s32 $0x2;
	s30 =	simm.s32 $0x380  }
0x7: {  	s31 =	simm.s32 $0x32E0;
	s2 =	sand.u32 $0x1, s2;
	s5 =	smul.u32 $0x19000, s11  }
0x8: {  	[smem:$0x7FF] =	sst s4;
	s7 =	sadd.s32 $0x9D600, s0;
	s14 =	smul.u32 $0xC800, s11  }
0x9: {  	s13 =	sadd.s32 $0x4200, s0;
	s8 =	sadd.s32 $0x36400, s0;
	s15 =	smul.u32 $0x1900, s11  }
0xa: {  	s21 =	sshll.u32 s11, $0x6;
	s6 =	smul.u32 $0x190000, s2;
	_ =	strace $0x8000004A  }
0xb: {  	[dreg:$0x4] =	wrdreg s8;
	s9 =	sshll.u32 s2, $0x4;
	s23 =	smul.u32 $0xC8000, s2  }
0xc: {  	s19 =	ssub.s32 $0x2, s2;
	s2 =	smul.u32 $0x19000, s2;
	s9 =	sor.u32 s11, s9  }
0xd: {  	s20 =	sshrl.u32 s19, $0x1;
	s6 =	sadd.s32 s5, s6;
	s12 =	smul.u32 $0x1900, s9  }
0xe: {  	s8 =	ssub.s32 s19, s20;
	s5 =	sadd.s32 s5, s3;
	s10 =	smul.u32 $0xC800, s9  }
0xf: {  	s26 =	sadd.s32 s2, s13;
	s2 =	sadd.s32 s2, s7;
	s19 =	simm.s32 $0xFA  }
0x10: {  	s20 =	simm.s32 $0x400;
	s6 =	sshrl.u32 s6, $0x3;
	s22 =	smax.u32 s8, $0x1  }
0x11: {  	s16 =	sshrl.u32 s5, $0x3;
	s5 =	simm.s32 $0x0;
	s0 =	sadd.s32 s6, s0  }
0x12: {  	s6 =	sor.u32 $0x1C05, s21;
	[dreg:$0x6] =	wrdreg s22;
	s9 =	sadd.s32 s7, s12  }
0x13: {  	s10 =	sshrl.u32 s10, $0x3;
	s12 =	sadd.s32 s12, s13;
	s0 =	sadd.s32 $0x192C00, s0  }
0x14: {  	s21 =	simm.s32 $0x100;
	s24 =	sadd.s32 s13, s10;
	[dreg:$0x5] =	wrdreg s0  }
0x15: {  	s22 =	simm.s32 $0x300;
	s25 =	sadd.s32 $0x20, s9;
	[dreg:$0x7] =	wrdreg s24  }
0x16: {  	s12 =	sadd.s32 $0x20, s12;
	[dreg:$0x8] =	wrdreg s25;
	s0 =	sadd.s32 s14, s23  }
0x17: {  	s14 =	sadd.s32 s15, s26;
	s15 =	sadd.s32 s15, s2;
	s23 =	simm.s32 $0x2340  }
0x18: {  	s24 =	simm.s32 $0x1;
	s25 =	simm.s32 $0x7D;
	s0 =	sor.u32 $0x200, s0  }
0x19: {  	s26 =	simm.s32 $0x280;
	s2 =	simm.s32 $0x4;
	s0 =	sshrl.u32 s0, $0x3  }
0x1a: {  	s14 =	sadd.s32 $0x60, s14;
	s13 =	sadd.s32 s0, s13;
	s0 =	simm.s32 $0x3  }
.LBB2_1:
0x1b: {  	s7 =	rddreg [dreg:$0x4]  }
0x1c: {  	[spmem:s16], [sflag:s6] =	dma.local [hbm:s7], $0x3200  }
0x1d: {  	_ =	swait.ge [sflag:s17], $0x3200  }
0x1e: {  	[sflag:s17] =	ssyncset.done $0x0  }
0x1f: {  	[sflag:s17] =	ssyncadd.s32 $0xFFFFCE00  }
0x20: {  	[bflag:$0x0] =	sbarrier.arrive $0xFFFF  }
0x21: {  	[tilespmem:s4], [sflag:$0x5] =	stream.linear.gather [hbm4b:s9+s4], $0x100, $0x38;
	[tilespmem:$0x1D280] =	vst v63  }
0x22: {  	_ =	swait.ge [sflag:s17], $0x100  }
0x23: {  	[sflag:s17] =	ssyncset.done $0x0  }
0x24: {  	s8 =	rddreg [dreg:$0x7];
	[sflag:s17] =	ssyncadd.s32 $0xFFFFFF00  }
0x25: {  	[tilespmem:s18], [sflag:$0x5] =	stream.linear.gather [hbm4b:s8+s4], $0x100, $0x38;
	[tilespmem:$0x1D280] =	vst v63  }
0x26: {  	_ =	swait.ge [sflag:s17], $0x100  }
0x27: {  	[sflag:s17] =	ssyncset.done $0x0  }
0x28: {  	[sflag:s17] =	ssyncadd.s32 $0xFFFFFF00  }
0x29: {  	[tilespmem:s20], [sflag:$0x1] =	stream.indirect.gather [hbm4b:s1+s19], $0x20, s4, s19, $0xb8;
	[tilespmem:$0x1D280] =	vst v63  }
0x2a: {  	s10 =	rddreg [dreg:$0x8]  }
0x2b: {  	[tilespmem:s21], [sflag:$0x5] =	stream.linear.gather [hbm4b:s10+s4], $0x100, $0x38;
	[tilespmem:$0x1D280] =	vst v63  }
0x2c: {  	_ =	swait.ge [sflag:s17], $0x100  }
0x2d: {  	[sflag:s17] =	ssyncset.done $0x0  }
0x2e: {  	[sflag:s17] =	ssyncadd.s32 $0xFFFFFF00  }
0x2f: {  	[tilespmem:s22], [sflag:$0x5] =	stream.linear.gather [hbm4b:s12+s4], $0x100, $0x38;
	[tilespmem:$0x1D280] =	vst v63  }
0x30: {  	_ =	swait.ge [sflag:s17], $0x100  }
0x31: {  	[sflag:s17] =	ssyncset.done $0x0  }
0x32: {  	[sflag:s17] =	ssyncadd.s32 $0xFFFFFF00  }
0x33: {  	[tilespmem:s23], [sflag:$0x2] =	stream.indirect.gather [hbm4b:s1+s19], $0x20, s21, s19, $0xb8;
	[tilespmem:$0x1D280] =	vst v63  }
0x34: {  	_ =	swait.ge [sflag:s24], $0x1F40  }
0x35: {  	[sflag:s24] =	ssyncset.done $0x0  }
0x36: {  	[sflag:s24] =	ssyncadd.s32 $0xFFFFE0C0  }
0x37: {  	[spmem:s3] =	stream.indirect.scatter.add.f32 [tilespmem:s20], [sflag:$0x3], $0x20, s18, s25, $0xb8;
	[tilespmem:$0x1D280] =	vst v63  }
0x38: {  	_ = 	snop  }
0x39: {  	[spmem:s3] =	stream.indirect.scatter.add.f32 [tilespmem:s28], [sflag:$0x3], $0x20, s26, s25, $0xb8;
	[tilespmem:$0x1D280] =	vst v63  }
0x3a: {  	_ =	swait.ge [sflag:s29], $0x1F40  }
0x3b: {  	[sflag:s29] =	ssyncset.done $0x0  }
0x3c: {  	[sflag:s29] =	ssyncadd.s32 $0xFFFFE0C0  }
0x3d: {  	[spmem:s3] =	stream.indirect.scatter.add.f32 [tilespmem:s23], [sflag:$0x4], $0x20, s22, s25, $0xb8;
	[tilespmem:$0x1D280] =	vst v63  }
0x3e: {  	_ = 	snop  }
0x3f: {  	[spmem:s3] =	stream.indirect.scatter.add.f32 [tilespmem:s31], [sflag:$0x4], $0x20, s30, s25, $0xb8;
	[tilespmem:$0x1D280] =	vst v63  }
0x40: {  	_ =	swait.ge [sflag:s0], $0xFA0  }
0x41: {  	[sflag:s0] =	ssyncset.done $0x0  }
0x42: {  	[sflag:s0] =	ssyncadd.s32 $0xFFFFF060  }
0x43: {  	_ =	swait.ge [sflag:s0], $0xFA0  }
0x44: {  	s11 =	sadd.s32 $0x0, s15;
	[sflag:s0] =	ssyncset.done $0x0  }
0x45: {  	s8 =	sadd.s32 $0x40, s11;
	[sflag:s0] =	ssyncadd.s32 $0xFFFFF060  }
0x46: {  	[tilespmem:s4], [sflag:$0x5] =	stream.linear.gather [hbm4b:s8+s4], $0x100, $0x38;
	[tilespmem:$0x1D280] =	vst v63  }
0x47: {  	_ =	swait.ge [sflag:s17], $0x100  }
0x48: {  	[sflag:s17] =	ssyncset.done $0x0  }
0x49: {  	s10 =	sadd.s32 $0x0, s13;
	[sflag:s17] =	ssyncadd.s32 $0xFFFFFF00  }
0x4a: {  	[tilespmem:s18], [sflag:$0x5] =	stream.linear.gather [hbm4b:s10+s4], $0x100, $0x38;
	[tilespmem:$0x1D280] =	vst v63  }
0x4b: {  	_ =	swait.ge [sflag:s17], $0x100  }
0x4c: {  	[sflag:s17] =	ssyncset.done $0x0  }
0x4d: {  	[sflag:s17] =	ssyncadd.s32 $0xFFFFFF00  }
0x4e: {  	[tilespmem:s20], [sflag:$0x1] =	stream.indirect.gather [hbm4b:s1+s19], $0x20, s4, s19, $0xb8;
	[tilespmem:$0x1D280] =	vst v63  }
0x4f: {  	_ =	swait.ge [sflag:s2], $0xFA0  }
0x50: {  	[sflag:s2] =	ssyncset.done $0x0  }
0x51: {  	[sflag:s2] =	ssyncadd.s32 $0xFFFFF060  }
0x52: {  	_ =	swait.ge [sflag:s2], $0xFA0  }
0x53: {  	[sflag:s2] =	ssyncset.done $0x0  }
0x54: {  	s7 =	sadd.s32 $0x60, s11;
	[sflag:s2] =	ssyncadd.s32 $0xFFFFF060  }
0x55: {  	[tilespmem:s21], [sflag:$0x5] =	stream.linear.gather [hbm4b:s7+s4], $0x100, $0x38;
	[tilespmem:$0x1D280] =	vst v63  }
0x56: {  	_ =	swait.ge [sflag:s17], $0x100  }
0x57: {  	[sflag:s17] =	ssyncset.done $0x0  }
0x58: {  	s11 =	sadd.s32 $0x0, s14;
	[sflag:s17] =	ssyncadd.s32 $0xFFFFFF00  }
0x59: {  	[tilespmem:s22], [sflag:$0x5] =	stream.linear.gather [hbm4b:s11+s4], $0x100, $0x38;
	[tilespmem:$0x1D280] =	vst v63  }
0x5a: {  	_ =	swait.ge [sflag:s17], $0x100  }
0x5b: {  	[sflag:s17] =	ssyncset.done $0x0  }
0x5c: {  	[sflag:s17] =	ssyncadd.s32 $0xFFFFFF00  }
0x5d: {  	[tilespmem:s23], [sflag:$0x2] =	stream.indirect.gather [hbm4b:s1+s19], $0x20, s21, s19, $0xb8;
	[tilespmem:$0x1D280] =	vst v63  }
0x5e: {  	_ =	swait.ge [sflag:s24], $0x1F40  }
0x5f: {  	[sflag:s24] =	ssyncset.done $0x0  }
0x60: {  	[sflag:s24] =	ssyncadd.s32 $0xFFFFE0C0  }
0x61: {  	[spmem:s3] =	stream.indirect.scatter.add.f32 [tilespmem:s20], [sflag:$0x3], $0x20, s18, s25, $0xb8;
	[tilespmem:$0x1D280] =	vst v63  }
0x62: {  	_ = 	snop  }
0x63: {  	[spmem:s3] =	stream.indirect.scatter.add.f32 [tilespmem:s28], [sflag:$0x3], $0x20, s26, s25, $0xb8;
	[tilespmem:$0x1D280] =	vst v63  }
0x64: {  	_ =	swait.ge [sflag:s29], $0x1F40  }
0x65: {  	[sflag:s29] =	ssyncset.done $0x0  }
0x66: {  	s7 =	simm.s32 $0x40;
	[sflag:s29] =	ssyncadd.s32 $0xFFFFE0C0  }
0x67: {  	[spmem:s3] =	stream.indirect.scatter.add.f32 [tilespmem:s23], [sflag:$0x4], $0x20, s22, s25, $0xb8;
	[tilespmem:$0x1D280] =	vst v63  }
.LBB2_2:
0x68: {  	[spmem:s3] =	stream.indirect.scatter.add.f32 [tilespmem:s31], [sflag:$0x4], $0x20, s30, s25, $0xb8;
	[tilespmem:$0x1D280] =	vst v63  }
0x69: {  	s8 =	smov.u32 s7  }
0x6a: {  	p0 =	sne.s32 s7, $0x1880;
	s7 =	sadd.s32 $0x40, s7;
	_ =	swait.ge [sflag:s0], $0xFA0  }
0x6b: {  	[sflag:s0] =	ssyncset.done $0x0  }
0x6c: {  	[sflag:s0] =	ssyncadd.s32 $0xFFFFF060  }
0x6d: {  	_ =	swait.ge [sflag:s0], $0xFA0  }
0x6e: {  	s10 =	sadd.s32 s8, s15;
	[sflag:s0] =	ssyncset.done $0x0  }
0x6f: {  	s11 =	sadd.s32 $0x40, s10;
	[sflag:s0] =	ssyncadd.s32 $0xFFFFF060  }
0x70: {  	[tilespmem:s4], [sflag:$0x5] =	stream.linear.gather [hbm4b:s11+s4], $0x100, $0x38;
	[tilespmem:$0x1D280] =	vst v63  }
0x71: {  	_ =	swait.ge [sflag:s17], $0x100  }
0x72: {  	[sflag:s17] =	ssyncset.done $0x0  }
0x73: {  	s11 =	sadd.s32 s8, s13;
	[sflag:s17] =	ssyncadd.s32 $0xFFFFFF00  }
0x74: {  	[tilespmem:s18], [sflag:$0x5] =	stream.linear.gather [hbm4b:s11+s4], $0x100, $0x38;
	[tilespmem:$0x1D280] =	vst v63  }
0x75: {  	_ =	swait.ge [sflag:s17], $0x100  }
0x76: {  	[sflag:s17] =	ssyncset.done $0x0  }
0x77: {  	[sflag:s17] =	ssyncadd.s32 $0xFFFFFF00  }
0x78: {  	[tilespmem:s20], [sflag:$0x1] =	stream.indirect.gather [hbm4b:s1+s19], $0x20, s4, s19, $0xb8;
	[tilespmem:$0x1D280] =	vst v63  }
0x79: {  	_ =	swait.ge [sflag:s2], $0xFA0  }
0x7a: {  	[sflag:s2] =	ssyncset.done $0x0  }
0x7b: {  	[sflag:s2] =	ssyncadd.s32 $0xFFFFF060  }
0x7c: {  	_ =	swait.ge [sflag:s2], $0xFA0  }
0x7d: {  	[sflag:s2] =	ssyncset.done $0x0  }
0x7e: {  	s10 =	sadd.s32 $0x60, s10;
	[sflag:s2] =	ssyncadd.s32 $0xFFFFF060  }
0x7f: {  	[tilespmem:s21], [sflag:$0x5] =	stream.linear.gather [hbm4b:s10+s4], $0x100, $0x38;
	[tilespmem:$0x1D280] =	vst v63  }
0x80: {  	_ =	swait.ge [sflag:s17], $0x100  }
0x81: {  	[sflag:s17] =	ssyncset.done $0x0  }
0x82: {  	s8 =	sadd.s32 s8, s14;
	[sflag:s17] =	ssyncadd.s32 $0xFFFFFF00  }
0x83: {  	[tilespmem:s22], [sflag:$0x5] =	stream.linear.gather [hbm4b:s8+s4], $0x100, $0x38;
	[tilespmem:$0x1D280] =	vst v63  }
0x84: {  	_ =	swait.ge [sflag:s17], $0x100  }
0x85: {  	[sflag:s17] =	ssyncset.done $0x0  }
0x86: {  	[sflag:s17] =	ssyncadd.s32 $0xFFFFFF00  }
0x87: {  	[tilespmem:s23], [sflag:$0x2] =	stream.indirect.gather [hbm4b:s1+s19], $0x20, s21, s19, $0xb8;
	[tilespmem:$0x1D280] =	vst v63  }
0x88: {  	_ =	swait.ge [sflag:s24], $0x1F40  }
0x89: {  	[sflag:s24] =	ssyncset.done $0x0  }
0x8a: {  	[sflag:s24] =	ssyncadd.s32 $0xFFFFE0C0  }
0x8b: {  	[spmem:s3] =	stream.indirect.scatter.add.f32 [tilespmem:s20], [sflag:$0x3], $0x20, s18, s25, $0xb8;
	[tilespmem:$0x1D280] =	vst v63  }
0x8c: {  	_ = 	snop  }
0x8d: {  	[spmem:s3] =	stream.indirect.scatter.add.f32 [tilespmem:s28], [sflag:$0x3], $0x20, s26, s25, $0xb8;
	[tilespmem:$0x1D280] =	vst v63  }
.Ltmp0:
0x8e: {  	_ = 	snop;
	(pc) =	sbr.rel @p0 .LBB2_2-.Ltmp0, $4  }
0x8f: {  	_ =	swait.ge [sflag:s29], $0x1F40  }
0x90: {  	[sflag:s29] =	ssyncset.done $0x0  }
0x91: {  	[sflag:s29] =	ssyncadd.s32 $0xFFFFE0C0  }
0x92: {  	[spmem:s3] =	stream.indirect.scatter.add.f32 [tilespmem:s23], [sflag:$0x4], $0x20, s22, s25, $0xb8;
	[tilespmem:$0x1D280] =	vst v63  }
0x93: {  	[spmem:s3] =	stream.indirect.scatter.add.f32 [tilespmem:s31], [sflag:$0x4], $0x20, s30, s25, $0xb8;
	[tilespmem:$0x1D280] =	vst v63  }
0x94: {  	_ =	swait.ge [sflag:s0], $0xFA0  }
0x95: {  	[sflag:s0] =	ssyncset.done $0x0  }
0x96: {  	[sflag:s0] =	ssyncadd.s32 $0xFFFFF060  }
0x97: {  	_ =	swait.ge [sflag:s0], $0xFA0  }
0x98: {  	[sflag:s0] =	ssyncset.done $0x0  }
0x99: {  	[sflag:s0] =	ssyncadd.s32 $0xFFFFF060  }
0x9a: {  	_ =	swait.ge [sflag:s2], $0xFA0  }
0x9b: {  	[sflag:s2] =	ssyncset.done $0x0  }
0x9c: {  	[sflag:s2] =	ssyncadd.s32 $0xFFFFF060  }
0x9d: {  	_ =	swait.ge [sflag:s2], $0xFA0  }
0x9e: {  	[sflag:s2] =	ssyncset.done $0x0  }
0x9f: {  	[sflag:s2] =	ssyncadd.s32 $0xFFFFF060  }
0xa0: {  	[bflag:$0x0] =	sbarrier.arrive $0xFFFF  }
0xa1: {  	s7 =	rddreg [dreg:$0x5]  }
0xa2: {  	[hbm:s7], [sflag:s6] =	dma.local [spmem:s16], $0x3200  }
0xa3: {  	_ =	swait.ge [sflag:s17], $0x3200  }
0xa4: {  	s5 =	sadd.s32 $0x1, s5;
	s11 =	rddreg [dreg:$0x6]  }
0xa5: {  	p0 =	sne.s32 s5, s11  }
.Ltmp1:
0xa6: {  	_ = 	snop;
	(pc) =	sbr.rel @p0 .LBB2_1-.Ltmp1, $3  }
0xa7: {  	_ =	sdelay $0x1  }
0xa8: {  	[sflag:s17] =	ssyncset.done $0x0  }
0xa9: {  	[sflag:s17] =	ssyncadd.s32 $0xFFFFCE00  }
0xaa: {  	_ =	sfence.sel $0x180000  }
0xab: {  	[bflag:$0x0] =	sbarrier.arrive $0xFFFF  }
0xac: {  	_ =	strace $0x9000004A  }
0xad: {  	s0 =	stileid.u32;
	[bflag:$0x2] =	sbarrier.arrive $0xFFFF  }
0xae: {  	p0 =	sne.s32 s0, $0x0;
	s0 =	rddreg [dreg:$0x3]  }
0xaf: {  	s0 =	sadd.s32 @!p0 $0x100000, s0  }
0xb0: {  	[sflag:s0] =	ssyncadd.tile.s32 @!p0 $0x1;
	_ =	shalt  }
.Lfunc_end2:
_tile_overlayer_lowered:
.L_overlay_start_2:
0xb1: {  	(tag) =	ssettag $0x2  }
0xb2: {  	s0 =	rddreg [dreg:$0x0];
	s2 =	stileid.u32  }
0xb3: {  	s1 =	rddreg [dreg:$0x1];
	p0 =	sne.s32 s2, $0x0  }
0xb4: {  	s3 =	rddreg [dreg:$0x2];
	[bflag:$0x3] =	sbarrier.arrive $0xFFFF;
	s2 =	simm.s32 @!p0 $0x1C05  }
0xb5: {  	[timem:s3], [sflag:s2] =	dma.local @!p0 [hbm:s0], s1  }
0xb6: {  	s0 =	simm.s32 @!p0 $0x5  }
0xb7: {  	_ =	swait.ge @!p0 [sflag:s0], s1  }
0xb8: {  	s1 =	ssub.s32 @!p0 $0x0, s1;
	[sflag:s0] =	ssyncset.done @!p0 $0x0  }
0xb9: {  	[sflag:s0] =	ssyncadd.s32 @!p0 s1  }
0xba: {  	[bflag:$0x3] =	sbarrier.arrive $0xFFFF  }
0xbb: {  	_ =	shalt  }

// kernel: kernel.16.cloned.1.call-start
scs
__scs_entry_jumppad:
0x0: {  	(pc) =	sbr.rel $0x88, $3  }
0x1: {  	(tag) =	ssettag $0x0;
	lr =	simm.s32 $0x1  }
0x2: {  	[smem:$0x3F98] =	sst lr;
	_ =	strace $0xD0000000  }
0x3: {  	_ = 	snop  }
0x4: {  	_ = 	snop  }
0x5: {  	_ = 	snop  }
0x6: {  	_ = 	snop  }
0x7: {  	_ = 	snop  }
__scs_overlays_trampoline_lowered:
0x8: {  	[smem:$0x3FA7] =	sst s0  }
0x9: {  	[smem:$0x3FA8] =	sst s1  }
0xa: {  	[smem:$0x3FA9] =	sst s2  }
0xb: {  	[smem:$0x3FAA] =	sst s3  }
0xc: {  	[smem:$0x3FAB] =	sst s4  }
0xd: {  	[smem:$0x3FAC] =	sst s5  }
0xe: {  	[smem:$0x3FAD] =	sst s6  }
0xf: {  	[smem:$0x3FAE] =	sst s7  }
0x10: {  	[smem:$0x3FAF] =	sst s8  }
0x11: {  	[smem:$0x3FB0] =	sst s9;
	s0 =	simm.s32 @!p0 $0x0  }
0x12: {  	s1 =	sld [smem:$0x3F96];
	s0 =	simm.s32 @p0 $0x1  }
0x13: {  	[smem:$0x3FB1] =	sst s0;
	s0 =	simm.s32 @!p1 $0x0  }
0x14: {  	s2 =	sld [smem:$0x3F95];
	s0 =	simm.s32 @p1 $0x1  }
0x15: {  	[smem:$0x3FB2] =	sst s0;
	s0 =	simm.s32 @!p2 $0x0  }
0x16: {  	s3 =	sld [smem:$0x3FDB];
	s0 =	simm.s32 @p2 $0x1  }
0x17: {  	s4 =	simm.s32 $0x1BF5;
	[smem:$0x3FB4] =	sst s0  }
0x18: {  	s0 =	sld [smem:$0x3F97];
	_ =	swait.ge [sflag:s4], $0x0  }
0x19: {  	s7 =	sld [smem:$0x3F98]  }
0x1a: {  	s8 =	sadd.s32 $0xFFFFE003, lr  }
0x1b: {  	s9 =	sadd.s32 $0xFFFFFEF7, lr;
	s5 =	simm.s32 $0xFFFFFFFF;
	p2 =	slt.u32 s8, $0xFFFFF086  }
0x1c: {  	p1 =	slt.u32 s9, $0xF7A;
	s5 =	simm.s32 @!p2 $0x0  }
0x1d: {  	s5 =	simm.s32 @p1 $0x1;
	p0 =	seq.s32 s7, s2  }
0x1e: {  	s7 =	smul.u32 @!p0 $0xF7A, s2;
	p2 =	seq.s32 @!p0 s5, $0x0  }
0x1f: {  	s9 =	smul.u32 $0xF7A, s1;
	s8 =	simm.s32 @!p0 $0x1BF5;
	p2 =	por !p2, p0  }
0x20: {  	[sflag:s8] =	ssyncset.s32 @!p0 $0xFFFFF086;
	s6 =	sadd.s32 @!p0 s3, s7;
	s7 =	simm.s32 @!p0 $0x108  }
0x21: {  	s3 =	sadd.s32 s3, s9;
	s6 =	sadd.s32 @!p0 $0x88, s6;
	s7 =	simm.s32 @p2 $0x1082  }
0x22: {  	[simem:s7], [sflag:s8] =	dma.local @!p0 [hbm:s6], $0xF7A  }
0x23: {  	s9 =	sor.u32 $0xD0000000, s2;
	s6 =	simm.s32 $0x108;
	_ =	swait.ge @!p0 [sflag:s8], $0x0  }
0x24: {  	s3 =	sadd.s32 $0x88, s3;
	s6 =	simm.s32 @!p1 $0x1082;
	[sflag:s4] =	ssyncset.s32 $0xFFFFF086  }
0x25: {  	[simem:s6], [sflag:s4] =	dma.local [hbm:s3], $0xF7A  }
0x26: {  	[smem:$0x3F98] =	sst s1;
	(tag) =	ssettag s2;
	_ =	strace s9  }
0x27: {  	s1 =	sld [smem:$0x3FA8]  }
0x28: {  	s2 =	sld [smem:$0x3FA9]  }
0x29: {  	s4 =	sld [smem:$0x3FAB]  }
0x2a: {  	p0 =	seq.s32 s5, $0x0;
	s5 =	sld [smem:$0x3FAC]  }
0x2b: {  	s6 =	sld [smem:$0x3FAD]  }
0x2c: {  	s7 =	sld [smem:$0x3FAE]  }
0x2d: {  	s3 =	simm.s32 $0x108;
	s8 =	sld [smem:$0x3FAF]  }
0x2e: {  	s3 =	simm.s32 @!p0 $0x1082;
	s9 =	sld [smem:$0x3FB0]  }
0x2f: {  	lr =	sadd.s32 s0, s3;
	s0 =	sld [smem:$0x3FA7]  }
0x30: {  	s3 =	sld [smem:$0x3FAA]  }
0x31: {  	[smem:$0x3FB3] =	sst s10  }
0x32: {  	s10 =	sld [smem:$0x3FB1];
	_ =	sdelay $0x3  }
0x33: {  	p0 =	seq.s32 s10, $0x1;
	s10 =	sld [smem:$0x3FB3];
	_ =	sdelay $0x3  }
0x34: {  	[smem:$0x3FB3] =	sst s10  }
0x35: {  	s10 =	sld [smem:$0x3FB2];
	_ =	sdelay $0x3  }
0x36: {  	p1 =	seq.s32 s10, $0x1;
	s10 =	sld [smem:$0x3FB3];
	_ =	sdelay $0x3  }
0x37: {  	[smem:$0x3FB3] =	sst s10  }
0x38: {  	s10 =	sld [smem:$0x3FB4]  }
0x39: {  	_ = 	snop;
	(pc) =	sbr.ind lr, $3  }
0x3a: {  	_ = 	snop  }
0x3b: {  	_ = 	snop  }
0x3c: {  	p2 =	seq.s32 s10, $0x1;
	s10 =	sld [smem:$0x3FB3]  }
0x3d: {  	_ =	shalt  }
0x3e: {  	_ =	shalt  }
0x3f: {  	_ =	shalt  }
0x40: {  	_ =	shalt  }
0x41: {  	_ =	shalt  }
0x42: {  	_ =	shalt  }
0x43: {  	_ =	shalt  }
0x44: {  	_ =	shalt  }
0x45: {  	_ =	shalt  }
0x46: {  	_ =	shalt  }
0x47: {  	_ =	shalt  }
0x48: {  	_ =	shalt  }
0x49: {  	_ =	shalt  }
0x4a: {  	_ =	shalt  }
0x4b: {  	_ =	shalt  }
0x4c: {  	_ =	shalt  }
0x4d: {  	_ =	shalt  }
0x4e: {  	_ =	shalt  }
0x4f: {  	_ =	shalt  }
0x50: {  	_ =	shalt  }
0x51: {  	_ =	shalt  }
0x52: {  	_ =	shalt  }
0x53: {  	_ =	shalt  }
0x54: {  	_ =	shalt  }
0x55: {  	_ =	shalt  }
0x56: {  	_ =	shalt  }
0x57: {  	_ =	shalt  }
0x58: {  	_ =	shalt  }
0x59: {  	_ =	shalt  }
0x5a: {  	_ =	shalt  }
0x5b: {  	_ =	shalt  }
0x5c: {  	_ =	shalt  }
0x5d: {  	_ =	shalt  }
0x5e: {  	_ =	shalt  }
0x5f: {  	_ =	shalt  }
0x60: {  	_ =	shalt  }
0x61: {  	_ =	shalt  }
0x62: {  	_ =	shalt  }
0x63: {  	_ =	shalt  }
0x64: {  	_ =	shalt  }
0x65: {  	_ =	shalt  }
0x66: {  	_ =	shalt  }
0x67: {  	_ =	shalt  }
0x68: {  	_ =	shalt  }
0x69: {  	_ =	shalt  }
0x6a: {  	_ =	shalt  }
0x6b: {  	_ =	shalt  }
0x6c: {  	_ =	shalt  }
0x6d: {  	_ =	shalt  }
0x6e: {  	_ =	shalt  }
0x6f: {  	_ =	shalt  }
0x70: {  	_ =	shalt  }
0x71: {  	_ =	shalt  }
0x72: {  	_ =	shalt  }
0x73: {  	_ =	shalt  }
0x74: {  	_ =	shalt  }
0x75: {  	_ =	shalt  }
0x76: {  	_ =	shalt  }
0x77: {  	_ =	shalt  }
0x78: {  	_ =	shalt  }
0x79: {  	_ =	shalt  }
0x7a: {  	_ =	shalt  }
0x7b: {  	_ =	shalt  }
0x7c: {  	_ =	shalt  }
0x7d: {  	_ =	shalt  }
0x7e: {  	_ =	shalt  }
0x7f: {  	_ =	shalt  }
0x80: {  	_ =	shalt  }
0x81: {  	_ =	shalt  }
0x82: {  	_ =	shalt  }
0x83: {  	_ =	shalt  }
0x84: {  	_ =	shalt  }
0x85: {  	_ =	shalt  }
0x86: {  	_ =	shalt  }
0x87: {  	_ =	shalt  }
.Lfunc_end0:
.L_simem_size_0:
called_computation.2_lowered:
.L_overlay_start_0:
0x88: {  	s2 =	sld [smem:$0x3FD9]  }
0x89: {  	s3 =	sld [smem:$0x3FFE];
	_ =	sdelay $0x1  }
0x8a: {  	s1 =	srdreg.scid  }
0x8b: {  	s0 =	sand.u32 $0x1, s1  }
0x8c: {  	s17 =	sshll.u32 s0, $0xA;
	s2 =	sadd.s32 s3, s2  }
0x8d: {  	s2 =	sadd.s32 s2, s17  }
0x8e: {  	[smem:$0x3FBF] =	sst s2  }
0x8f: {  	_ = 	snop  }
0x90: {  	s2 =	sld [smem:$0x3FD0];
	(tm) =	ssettm $0x1  }
0x91: {  	s18 =	sld [smem:$0x3FFB];
	_ =	sdelay $0x3  }
0x92: {  	_ =	strace s18  }
0x93: {  	s3 =	sld [smem:$0x3FFC];
	_ =	sdelay $0x3  }
0x94: {  	_ =	strace s3  }
0x95: {  	s3 =	sld [smem:$0x3FFD];
	_ =	sdelay $0x3  }
0x96: {  	_ =	strace s3  }
0x97: {  	_ =	strace $0x8FFFFFFF  }
0x98: {  	s19 =	sld [smem:$0x3FDB];
	_ =	sdelay $0x1  }
0x99: {  	s4 =	simm.s32 $_scs_section_size  }
0x9a: {  	s5 =	simm.s32 $_size__tile_overlayer_lowered;
	s6 =	simm.s32 $_tile_overlayer_lowered  }
0x9b: {  	s22 =	simm.s32 $0x1BFF;
	s21 =	sshll.u32 s6, $0x1;
	s3 =	sadd.s32 s4, s19  }
0x9c: {  	s7 =	simm.s32 $0x0;
	s20 =	sshll.u32 s5, $0x1;
	s5 =	sadd.s32 s21, s3  }
0x9d: {  	[timem:s7], [sflag:s22] =	dma.local [hbm:s5], s20  }
0x9e: {  	_ =	swait.ge [sflag:s22], s20  }
0x9f: {  	s4 =	ssub.s32 $0x0, s20;
	[sflag:s22] =	ssyncset.done $0x0  }
0xa0: {  	[sflag:s22] =	ssyncadd.s32 s4;
	_ =	sdelay $0x1  }
0xa1: {  	s23 =	simm.s32 $0x1B8B  }
0xa2: {  	_ =	swait.ge [sflag:s23], $0x1  }
0xa3: {  	[sflag:s23] =	ssyncset.done $0x0  }
0xa4: {  	s25 =	simm.s32 $0x1B8E;
	s24 =	sld [smem:$0x3FFE];
	[sflag:s23] =	ssyncadd.s32 $0xFFFFFFFF  }
0xa5: {  	s26 =	simm.s32 $execute0_lowered;
	[smem:$0x3FD2] =	sst s25  }
0xa6: {  	s5 =	sshll.u32 s26, $0x1;
	_ =	strace $0x8000004C;
	[dreg:$0x1] =	wrdreg $0xFFFFFFFF  }
0xa7: {  	s28 =	simm.s32 $_size_execute0_lowered;
	s3 =	sadd.s32 s3, s5;
	[dreg:$0x0] =	wrdreg $0x0  }
0xa8: {  	s5 =	sshll.u32 s28, $0x1;
	[dreg:$0x2] =	wrdreg s3  }
0xa9: {  	[dreg:$0x3] =	wrdreg s5  }
0xaa: {  	[dreg:$0x4] =	wrdreg $0xC0  }
0xab: {  	_ =	task [dreg:s7], $0x5FFFF  }
0xac: {  	[dreg:$0x1] =	wrdreg $0xFFFFFFFF  }
0xad: {  	[dreg:$0x0] =	wrdreg $0x60  }
0xae: {  	[dreg:$0x2] =	wrdreg s2  }
0xaf: {  	[dreg:$0x3] =	wrdreg s24  }
0xb0: {  	[dreg:$0x4] =	wrdreg $0x42800  }
0xb1: {  	[dreg:$0x5] =	wrdreg $0x9  }
0xb2: {  	_ =	task.clear_ibuf [dreg:s7], $0x6FFFF;
	_ =	strace $0x9000004C  }
0xb3: {  	s29 =	simm.s32 $0x9;
	_ =	strace $0x8000004E  }
0xb4: {  	_ =	swait.ge [sflag:s29], $0x1  }
0xb5: {  	[sflag:s29] =	ssyncadd.s32 $0xFFFFFFFF  }
0xb6: {  	_ =	strace $0x9000004E  }
0xb7: {  	_ =	sfence  }
0xb8: {  	s30 =	sld [smem:$0x0];
	_ =	sdelay $0x2  }
0xb9: {  	s31 =	sshll.u32 s1, $0xD;
	s1 =	sshrl.u32 s1, $0x2  }
0xba: {  	s3 =	sand.u32 $0x4000, s31;
	s1 =	sadd.s32 s1, s30  }
0xbb: {  	s0 =	sor.u32 s3, s0;
	s1 =	sshll.u32 s1, $0x11  }
0xbc: {  	s0 =	sor.u32 s1, s0  }
0xbd: {  	s0 =	sadd.s32 $0x8F2B, s0  }
0xbe: {  	[sflag:s0] =	ssyncadd.remote.s32 $0x1  }
0xbf: {  	_ =	sfence.sel $0xFFFF  }
0xc0: {  	[dreg:$0x0] =	wrdreg $0xFFFFFFFF;
	(pc) =	sbr.abs _section_cstart, $3  }
0xc1: {  	[dreg:$0x1] =	wrdreg $0xFFFFFFFF  }
0xc2: {  	_ =	task.clear_ibuf [dreg:s7], $0x2FFFF;
	_ =	strace $0x9FFFFFFF  }
0xc3: {  	(tm) =	ssettm $0x7FFFFFFF  }
tec
execute0_lowered:
.L_overlay_start_1:
0x0: {  	(tag) =	ssettag $0x1  }
0x1: {  	s1 =	rddreg [dreg:$0x0]  }
0x2: {  	s0 =	rddreg [dreg:$0x1]  }
0x3: {  	s3 =	rddreg [dreg:$0x2]  }
0x4: {  	s2 =	srdreg.scid;
	s11 =	stileid.u32  }
0x5: {  	s4 =	simm.s32 $0x0;
	s17 =	simm.s32 $0x5;
	s18 =	simm.s32 $0x200  }
0x6: {  	s28 =	simm.s32 $0x13A0;
	s29 =	simm.s32 $0x2;
	s30 =	simm.s32 $0x380  }
0x7: {  	s31 =	simm.s32 $0x32E0;
	s2 =	sand.u32 $0x1, s2;
	s5 =	smul.u32 $0x19000, s11  }
0x8: {  	[smem:$0x7FF] =	sst s4;
	s7 =	sadd.s32 $0x9D600, s0;
	s14 =	smul.u32 $0xC800, s11  }
0x9: {  	s13 =	sadd.s32 $0x4200, s0;
	s8 =	sadd.s32 $0x36400, s0;
	s15 =	smul.u32 $0x1900, s11  }
0xa: {  	s21 =	sshll.u32 s11, $0x6;
	s6 =	smul.u32 $0x190000, s2;
	_ =	strace $0x8000004D  }
0xb: {  	[dreg:$0x4] =	wrdreg s8;
	s9 =	sshll.u32 s2, $0x4;
	s23 =	smul.u32 $0xC8000, s2  }
0xc: {  	s19 =	ssub.s32 $0x2, s2;
	s2 =	smul.u32 $0x19000, s2;
	s9 =	sor.u32 s11, s9  }
0xd: {  	s20 =	sshrl.u32 s19, $0x1;
	s6 =	sadd.s32 s5, s6;
	s12 =	smul.u32 $0x1900, s9  }
0xe: {  	s8 =	ssub.s32 s19, s20;
	s5 =	sadd.s32 s5, s3;
	s10 =	smul.u32 $0xC800, s9  }
0xf: {  	s26 =	sadd.s32 s2, s13;
	s2 =	sadd.s32 s2, s7;
	s19 =	simm.s32 $0xFA  }
0x10: {  	s20 =	simm.s32 $0x400;
	s6 =	sshrl.u32 s6, $0x3;
	s22 =	smax.u32 s8, $0x1  }
0x11: {  	s16 =	sshrl.u32 s5, $0x3;
	s5 =	simm.s32 $0x0;
	s0 =	sadd.s32 s6, s0  }
0x12: {  	s6 =	sor.u32 $0x1C05, s21;
	[dreg:$0x6] =	wrdreg s22;
	s9 =	sadd.s32 s7, s12  }
0x13: {  	s10 =	sshrl.u32 s10, $0x3;
	s12 =	sadd.s32 s12, s13;
	s0 =	sadd.s32 $0xCF600, s0  }
0x14: {  	s21 =	simm.s32 $0x100;
	s24 =	sadd.s32 s13, s10;
	[dreg:$0x5] =	wrdreg s0  }
0x15: {  	s22 =	simm.s32 $0x300;
	s25 =	sadd.s32 $0x20, s9;
	[dreg:$0x7] =	wrdreg s24  }
0x16: {  	s12 =	sadd.s32 $0x20, s12;
	[dreg:$0x8] =	wrdreg s25;
	s0 =	sadd.s32 s14, s23  }
0x17: {  	s14 =	sadd.s32 s15, s26;
	s15 =	sadd.s32 s15, s2;
	s23 =	simm.s32 $0x2340  }
0x18: {  	s24 =	simm.s32 $0x1;
	s25 =	simm.s32 $0x7D;
	s0 =	sor.u32 $0x200, s0  }
0x19: {  	s26 =	simm.s32 $0x280;
	s2 =	simm.s32 $0x4;
	s0 =	sshrl.u32 s0, $0x3  }
0x1a: {  	s14 =	sadd.s32 $0x60, s14;
	s13 =	sadd.s32 s0, s13;
	s0 =	simm.s32 $0x3  }
.LBB2_1:
0x1b: {  	s7 =	rddreg [dreg:$0x4]  }
0x1c: {  	[spmem:s16], [sflag:s6] =	dma.local [hbm:s7], $0x3200  }
0x1d: {  	_ =	swait.ge [sflag:s17], $0x3200  }
0x1e: {  	[sflag:s17] =	ssyncset.done $0x0  }
0x1f: {  	[sflag:s17] =	ssyncadd.s32 $0xFFFFCE00  }
0x20: {  	[bflag:$0x0] =	sbarrier.arrive $0xFFFF  }
0x21: {  	[tilespmem:s4], [sflag:$0x5] =	stream.linear.gather [hbm4b:s9+s4], $0x100, $0x38;
	[tilespmem:$0x1D280] =	vst v63  }
0x22: {  	_ =	swait.ge [sflag:s17], $0x100  }
0x23: {  	[sflag:s17] =	ssyncset.done $0x0  }
0x24: {  	s8 =	rddreg [dreg:$0x7];
	[sflag:s17] =	ssyncadd.s32 $0xFFFFFF00  }
0x25: {  	[tilespmem:s18], [sflag:$0x5] =	stream.linear.gather [hbm4b:s8+s4], $0x100, $0x38;
	[tilespmem:$0x1D280] =	vst v63  }
0x26: {  	_ =	swait.ge [sflag:s17], $0x100  }
0x27: {  	[sflag:s17] =	ssyncset.done $0x0  }
0x28: {  	[sflag:s17] =	ssyncadd.s32 $0xFFFFFF00  }
0x29: {  	[tilespmem:s20], [sflag:$0x1] =	stream.indirect.gather [hbm4b:s1+s19], $0x20, s4, s19, $0xb8;
	[tilespmem:$0x1D280] =	vst v63  }
0x2a: {  	s10 =	rddreg [dreg:$0x8]  }
0x2b: {  	[tilespmem:s21], [sflag:$0x5] =	stream.linear.gather [hbm4b:s10+s4], $0x100, $0x38;
	[tilespmem:$0x1D280] =	vst v63  }
0x2c: {  	_ =	swait.ge [sflag:s17], $0x100  }
0x2d: {  	[sflag:s17] =	ssyncset.done $0x0  }
0x2e: {  	[sflag:s17] =	ssyncadd.s32 $0xFFFFFF00  }
0x2f: {  	[tilespmem:s22], [sflag:$0x5] =	stream.linear.gather [hbm4b:s12+s4], $0x100, $0x38;
	[tilespmem:$0x1D280] =	vst v63  }
0x30: {  	_ =	swait.ge [sflag:s17], $0x100  }
0x31: {  	[sflag:s17] =	ssyncset.done $0x0  }
0x32: {  	[sflag:s17] =	ssyncadd.s32 $0xFFFFFF00  }
0x33: {  	[tilespmem:s23], [sflag:$0x2] =	stream.indirect.gather [hbm4b:s1+s19], $0x20, s21, s19, $0xb8;
	[tilespmem:$0x1D280] =	vst v63  }
0x34: {  	_ =	swait.ge [sflag:s24], $0x1F40  }
0x35: {  	[sflag:s24] =	ssyncset.done $0x0  }
0x36: {  	[sflag:s24] =	ssyncadd.s32 $0xFFFFE0C0  }
0x37: {  	[spmem:s3] =	stream.indirect.scatter.add.f32 [tilespmem:s20], [sflag:$0x3], $0x20, s18, s25, $0xb8;
	[tilespmem:$0x1D280] =	vst v63  }
0x38: {  	_ = 	snop  }
0x39: {  	[spmem:s3] =	stream.indirect.scatter.add.f32 [tilespmem:s28], [sflag:$0x3], $0x20, s26, s25, $0xb8;
	[tilespmem:$0x1D280] =	vst v63  }
0x3a: {  	_ =	swait.ge [sflag:s29], $0x1F40  }
0x3b: {  	[sflag:s29] =	ssyncset.done $0x0  }
0x3c: {  	[sflag:s29] =	ssyncadd.s32 $0xFFFFE0C0  }
0x3d: {  	[spmem:s3] =	stream.indirect.scatter.add.f32 [tilespmem:s23], [sflag:$0x4], $0x20, s22, s25, $0xb8;
	[tilespmem:$0x1D280] =	vst v63  }
0x3e: {  	_ = 	snop  }
0x3f: {  	[spmem:s3] =	stream.indirect.scatter.add.f32 [tilespmem:s31], [sflag:$0x4], $0x20, s30, s25, $0xb8;
	[tilespmem:$0x1D280] =	vst v63  }
0x40: {  	_ =	swait.ge [sflag:s0], $0xFA0  }
0x41: {  	[sflag:s0] =	ssyncset.done $0x0  }
0x42: {  	[sflag:s0] =	ssyncadd.s32 $0xFFFFF060  }
0x43: {  	_ =	swait.ge [sflag:s0], $0xFA0  }
0x44: {  	s11 =	sadd.s32 $0x0, s15;
	[sflag:s0] =	ssyncset.done $0x0  }
0x45: {  	s8 =	sadd.s32 $0x40, s11;
	[sflag:s0] =	ssyncadd.s32 $0xFFFFF060  }
0x46: {  	[tilespmem:s4], [sflag:$0x5] =	stream.linear.gather [hbm4b:s8+s4], $0x100, $0x38;
	[tilespmem:$0x1D280] =	vst v63  }
0x47: {  	_ =	swait.ge [sflag:s17], $0x100  }
0x48: {  	[sflag:s17] =	ssyncset.done $0x0  }
0x49: {  	s10 =	sadd.s32 $0x0, s13;
	[sflag:s17] =	ssyncadd.s32 $0xFFFFFF00  }
0x4a: {  	[tilespmem:s18], [sflag:$0x5] =	stream.linear.gather [hbm4b:s10+s4], $0x100, $0x38;
	[tilespmem:$0x1D280] =	vst v63  }
0x4b: {  	_ =	swait.ge [sflag:s17], $0x100  }
0x4c: {  	[sflag:s17] =	ssyncset.done $0x0  }
0x4d: {  	[sflag:s17] =	ssyncadd.s32 $0xFFFFFF00  }
0x4e: {  	[tilespmem:s20], [sflag:$0x1] =	stream.indirect.gather [hbm4b:s1+s19], $0x20, s4, s19, $0xb8;
	[tilespmem:$0x1D280] =	vst v63  }
0x4f: {  	_ =	swait.ge [sflag:s2], $0xFA0  }
0x50: {  	[sflag:s2] =	ssyncset.done $0x0  }
0x51: {  	[sflag:s2] =	ssyncadd.s32 $0xFFFFF060  }
0x52: {  	_ =	swait.ge [sflag:s2], $0xFA0  }
0x53: {  	[sflag:s2] =	ssyncset.done $0x0  }
0x54: {  	s7 =	sadd.s32 $0x60, s11;
	[sflag:s2] =	ssyncadd.s32 $0xFFFFF060  }
0x55: {  	[tilespmem:s21], [sflag:$0x5] =	stream.linear.gather [hbm4b:s7+s4], $0x100, $0x38;
	[tilespmem:$0x1D280] =	vst v63  }
0x56: {  	_ =	swait.ge [sflag:s17], $0x100  }
0x57: {  	[sflag:s17] =	ssyncset.done $0x0  }
0x58: {  	s11 =	sadd.s32 $0x0, s14;
	[sflag:s17] =	ssyncadd.s32 $0xFFFFFF00  }
0x59: {  	[tilespmem:s22], [sflag:$0x5] =	stream.linear.gather [hbm4b:s11+s4], $0x100, $0x38;
	[tilespmem:$0x1D280] =	vst v63  }
0x5a: {  	_ =	swait.ge [sflag:s17], $0x100  }
0x5b: {  	[sflag:s17] =	ssyncset.done $0x0  }
0x5c: {  	[sflag:s17] =	ssyncadd.s32 $0xFFFFFF00  }
0x5d: {  	[tilespmem:s23], [sflag:$0x2] =	stream.indirect.gather [hbm4b:s1+s19], $0x20, s21, s19, $0xb8;
	[tilespmem:$0x1D280] =	vst v63  }
0x5e: {  	_ =	swait.ge [sflag:s24], $0x1F40  }
0x5f: {  	[sflag:s24] =	ssyncset.done $0x0  }
0x60: {  	[sflag:s24] =	ssyncadd.s32 $0xFFFFE0C0  }
0x61: {  	[spmem:s3] =	stream.indirect.scatter.add.f32 [tilespmem:s20], [sflag:$0x3], $0x20, s18, s25, $0xb8;
	[tilespmem:$0x1D280] =	vst v63  }
0x62: {  	_ = 	snop  }
0x63: {  	[spmem:s3] =	stream.indirect.scatter.add.f32 [tilespmem:s28], [sflag:$0x3], $0x20, s26, s25, $0xb8;
	[tilespmem:$0x1D280] =	vst v63  }
0x64: {  	_ =	swait.ge [sflag:s29], $0x1F40  }
0x65: {  	[sflag:s29] =	ssyncset.done $0x0  }
0x66: {  	s7 =	simm.s32 $0x40;
	[sflag:s29] =	ssyncadd.s32 $0xFFFFE0C0  }
0x67: {  	[spmem:s3] =	stream.indirect.scatter.add.f32 [tilespmem:s23], [sflag:$0x4], $0x20, s22, s25, $0xb8;
	[tilespmem:$0x1D280] =	vst v63  }
.LBB2_2:
0x68: {  	[spmem:s3] =	stream.indirect.scatter.add.f32 [tilespmem:s31], [sflag:$0x4], $0x20, s30, s25, $0xb8;
	[tilespmem:$0x1D280] =	vst v63  }
0x69: {  	s8 =	smov.u32 s7  }
0x6a: {  	p0 =	sne.s32 s7, $0x1880;
	s7 =	sadd.s32 $0x40, s7;
	_ =	swait.ge [sflag:s0], $0xFA0  }
0x6b: {  	[sflag:s0] =	ssyncset.done $0x0  }
0x6c: {  	[sflag:s0] =	ssyncadd.s32 $0xFFFFF060  }
0x6d: {  	_ =	swait.ge [sflag:s0], $0xFA0  }
0x6e: {  	s10 =	sadd.s32 s8, s15;
	[sflag:s0] =	ssyncset.done $0x0  }
0x6f: {  	s11 =	sadd.s32 $0x40, s10;
	[sflag:s0] =	ssyncadd.s32 $0xFFFFF060  }
0x70: {  	[tilespmem:s4], [sflag:$0x5] =	stream.linear.gather [hbm4b:s11+s4], $0x100, $0x38;
	[tilespmem:$0x1D280] =	vst v63  }
0x71: {  	_ =	swait.ge [sflag:s17], $0x100  }
0x72: {  	[sflag:s17] =	ssyncset.done $0x0  }
0x73: {  	s11 =	sadd.s32 s8, s13;
	[sflag:s17] =	ssyncadd.s32 $0xFFFFFF00  }
0x74: {  	[tilespmem:s18], [sflag:$0x5] =	stream.linear.gather [hbm4b:s11+s4], $0x100, $0x38;
	[tilespmem:$0x1D280] =	vst v63  }
0x75: {  	_ =	swait.ge [sflag:s17], $0x100  }
0x76: {  	[sflag:s17] =	ssyncset.done $0x0  }
0x77: {  	[sflag:s17] =	ssyncadd.s32 $0xFFFFFF00  }
0x78: {  	[tilespmem:s20], [sflag:$0x1] =	stream.indirect.gather [hbm4b:s1+s19], $0x20, s4, s19, $0xb8;
	[tilespmem:$0x1D280] =	vst v63  }
0x79: {  	_ =	swait.ge [sflag:s2], $0xFA0  }
0x7a: {  	[sflag:s2] =	ssyncset.done $0x0  }
0x7b: {  	[sflag:s2] =	ssyncadd.s32 $0xFFFFF060  }
0x7c: {  	_ =	swait.ge [sflag:s2], $0xFA0  }
0x7d: {  	[sflag:s2] =	ssyncset.done $0x0  }
0x7e: {  	s10 =	sadd.s32 $0x60, s10;
	[sflag:s2] =	ssyncadd.s32 $0xFFFFF060  }
0x7f: {  	[tilespmem:s21], [sflag:$0x5] =	stream.linear.gather [hbm4b:s10+s4], $0x100, $0x38;
	[tilespmem:$0x1D280] =	vst v63  }
0x80: {  	_ =	swait.ge [sflag:s17], $0x100  }
0x81: {  	[sflag:s17] =	ssyncset.done $0x0  }
0x82: {  	s8 =	sadd.s32 s8, s14;
	[sflag:s17] =	ssyncadd.s32 $0xFFFFFF00  }
0x83: {  	[tilespmem:s22], [sflag:$0x5] =	stream.linear.gather [hbm4b:s8+s4], $0x100, $0x38;
	[tilespmem:$0x1D280] =	vst v63  }
0x84: {  	_ =	swait.ge [sflag:s17], $0x100  }
0x85: {  	[sflag:s17] =	ssyncset.done $0x0  }
0x86: {  	[sflag:s17] =	ssyncadd.s32 $0xFFFFFF00  }
0x87: {  	[tilespmem:s23], [sflag:$0x2] =	stream.indirect.gather [hbm4b:s1+s19], $0x20, s21, s19, $0xb8;
	[tilespmem:$0x1D280] =	vst v63  }
0x88: {  	_ =	swait.ge [sflag:s24], $0x1F40  }
0x89: {  	[sflag:s24] =	ssyncset.done $0x0  }
0x8a: {  	[sflag:s24] =	ssyncadd.s32 $0xFFFFE0C0  }
0x8b: {  	[spmem:s3] =	stream.indirect.scatter.add.f32 [tilespmem:s20], [sflag:$0x3], $0x20, s18, s25, $0xb8;
	[tilespmem:$0x1D280] =	vst v63  }
0x8c: {  	_ = 	snop  }
0x8d: {  	[spmem:s3] =	stream.indirect.scatter.add.f32 [tilespmem:s28], [sflag:$0x3], $0x20, s26, s25, $0xb8;
	[tilespmem:$0x1D280] =	vst v63  }
.Ltmp0:
0x8e: {  	_ = 	snop;
	(pc) =	sbr.rel @p0 .LBB2_2-.Ltmp0, $4  }
0x8f: {  	_ =	swait.ge [sflag:s29], $0x1F40  }
0x90: {  	[sflag:s29] =	ssyncset.done $0x0  }
0x91: {  	[sflag:s29] =	ssyncadd.s32 $0xFFFFE0C0  }
0x92: {  	[spmem:s3] =	stream.indirect.scatter.add.f32 [tilespmem:s23], [sflag:$0x4], $0x20, s22, s25, $0xb8;
	[tilespmem:$0x1D280] =	vst v63  }
0x93: {  	[spmem:s3] =	stream.indirect.scatter.add.f32 [tilespmem:s31], [sflag:$0x4], $0x20, s30, s25, $0xb8;
	[tilespmem:$0x1D280] =	vst v63  }
0x94: {  	_ =	swait.ge [sflag:s0], $0xFA0  }
0x95: {  	[sflag:s0] =	ssyncset.done $0x0  }
0x96: {  	[sflag:s0] =	ssyncadd.s32 $0xFFFFF060  }
0x97: {  	_ =	swait.ge [sflag:s0], $0xFA0  }
0x98: {  	[sflag:s0] =	ssyncset.done $0x0  }
0x99: {  	[sflag:s0] =	ssyncadd.s32 $0xFFFFF060  }
0x9a: {  	_ =	swait.ge [sflag:s2], $0xFA0  }
0x9b: {  	[sflag:s2] =	ssyncset.done $0x0  }
0x9c: {  	[sflag:s2] =	ssyncadd.s32 $0xFFFFF060  }
0x9d: {  	_ =	swait.ge [sflag:s2], $0xFA0  }
0x9e: {  	[sflag:s2] =	ssyncset.done $0x0  }
0x9f: {  	[sflag:s2] =	ssyncadd.s32 $0xFFFFF060  }
0xa0: {  	[bflag:$0x0] =	sbarrier.arrive $0xFFFF  }
0xa1: {  	s7 =	rddreg [dreg:$0x5]  }
0xa2: {  	[hbm:s7], [sflag:s6] =	dma.local [spmem:s16], $0x3200  }
0xa3: {  	_ =	swait.ge [sflag:s17], $0x3200  }
0xa4: {  	s5 =	sadd.s32 $0x1, s5;
	s11 =	rddreg [dreg:$0x6]  }
0xa5: {  	p0 =	sne.s32 s5, s11  }
.Ltmp1:
0xa6: {  	_ = 	snop;
	(pc) =	sbr.rel @p0 .LBB2_1-.Ltmp1, $3  }
0xa7: {  	_ =	sdelay $0x1  }
0xa8: {  	[sflag:s17] =	ssyncset.done $0x0  }
0xa9: {  	[sflag:s17] =	ssyncadd.s32 $0xFFFFCE00  }
0xaa: {  	_ =	sfence.sel $0x180000  }
0xab: {  	[bflag:$0x0] =	sbarrier.arrive $0xFFFF  }
0xac: {  	_ =	strace $0x9000004D  }
0xad: {  	s0 =	stileid.u32;
	[bflag:$0x2] =	sbarrier.arrive $0xFFFF  }
0xae: {  	p0 =	sne.s32 s0, $0x0;
	s0 =	rddreg [dreg:$0x3]  }
0xaf: {  	s0 =	sadd.s32 @!p0 $0x100000, s0  }
0xb0: {  	[sflag:s0] =	ssyncadd.tile.s32 @!p0 $0x1;
	_ =	shalt  }
.Lfunc_end2:
_tile_overlayer_lowered:
.L_overlay_start_2:
0xb1: {  	(tag) =	ssettag $0x2  }
0xb2: {  	s0 =	rddreg [dreg:$0x0];
	s2 =	stileid.u32  }
0xb3: {  	s1 =	rddreg [dreg:$0x1];
	p0 =	sne.s32 s2, $0x0  }
0xb4: {  	s3 =	rddreg [dreg:$0x2];
	[bflag:$0x3] =	sbarrier.arrive $0xFFFF;
	s2 =	simm.s32 @!p0 $0x1C05  }
0xb5: {  	[timem:s3], [sflag:s2] =	dma.local @!p0 [hbm:s0], s1  }
0xb6: {  	s0 =	simm.s32 @!p0 $0x5  }
0xb7: {  	_ =	swait.ge @!p0 [sflag:s0], s1  }
0xb8: {  	s1 =	ssub.s32 @!p0 $0x0, s1;
	[sflag:s0] =	ssyncset.done @!p0 $0x0  }
0xb9: {  	[sflag:s0] =	ssyncadd.s32 @!p0 s1  }
0xba: {  	[bflag:$0x3] =	sbarrier.arrive $0xFFFF  }
0xbb: {  	_ =	shalt  }

// kernel: kernel.19.cloned.1.call-start
scs
__scs_entry_jumppad:
0x0: {  	(pc) =	sbr.rel $0x88, $3  }
0x1: {  	(tag) =	ssettag $0x0;
	lr =	simm.s32 $0x1  }
0x2: {  	[smem:$0x3F98] =	sst lr;
	_ =	strace $0xD0000000  }
0x3: {  	_ = 	snop  }
0x4: {  	_ = 	snop  }
0x5: {  	_ = 	snop  }
0x6: {  	_ = 	snop  }
0x7: {  	_ = 	snop  }
__scs_overlays_trampoline_lowered:
0x8: {  	[smem:$0x3FA7] =	sst s0  }
0x9: {  	[smem:$0x3FA8] =	sst s1  }
0xa: {  	[smem:$0x3FA9] =	sst s2  }
0xb: {  	[smem:$0x3FAA] =	sst s3  }
0xc: {  	[smem:$0x3FAB] =	sst s4  }
0xd: {  	[smem:$0x3FAC] =	sst s5  }
0xe: {  	[smem:$0x3FAD] =	sst s6  }
0xf: {  	[smem:$0x3FAE] =	sst s7  }
0x10: {  	[smem:$0x3FAF] =	sst s8  }
0x11: {  	[smem:$0x3FB0] =	sst s9;
	s0 =	simm.s32 @!p0 $0x0  }
0x12: {  	s1 =	sld [smem:$0x3F96];
	s0 =	simm.s32 @p0 $0x1  }
0x13: {  	[smem:$0x3FB1] =	sst s0;
	s0 =	simm.s32 @!p1 $0x0  }
0x14: {  	s2 =	sld [smem:$0x3F95];
	s0 =	simm.s32 @p1 $0x1  }
0x15: {  	[smem:$0x3FB2] =	sst s0;
	s0 =	simm.s32 @!p2 $0x0  }
0x16: {  	s3 =	sld [smem:$0x3FDB];
	s0 =	simm.s32 @p2 $0x1  }
0x17: {  	s4 =	simm.s32 $0x1BF5;
	[smem:$0x3FB4] =	sst s0  }
0x18: {  	s0 =	sld [smem:$0x3F97];
	_ =	swait.ge [sflag:s4], $0x0  }
0x19: {  	s7 =	sld [smem:$0x3F98]  }
0x1a: {  	s8 =	sadd.s32 $0xFFFFE003, lr  }
0x1b: {  	s9 =	sadd.s32 $0xFFFFFEF7, lr;
	s5 =	simm.s32 $0xFFFFFFFF;
	p2 =	slt.u32 s8, $0xFFFFF086  }
0x1c: {  	p1 =	slt.u32 s9, $0xF7A;
	s5 =	simm.s32 @!p2 $0x0  }
0x1d: {  	s5 =	simm.s32 @p1 $0x1;
	p0 =	seq.s32 s7, s2  }
0x1e: {  	s7 =	smul.u32 @!p0 $0xF7A, s2;
	p2 =	seq.s32 @!p0 s5, $0x0  }
0x1f: {  	s9 =	smul.u32 $0xF7A, s1;
	s8 =	simm.s32 @!p0 $0x1BF5;
	p2 =	por !p2, p0  }
0x20: {  	[sflag:s8] =	ssyncset.s32 @!p0 $0xFFFFF086;
	s6 =	sadd.s32 @!p0 s3, s7;
	s7 =	simm.s32 @!p0 $0x108  }
0x21: {  	s3 =	sadd.s32 s3, s9;
	s6 =	sadd.s32 @!p0 $0x88, s6;
	s7 =	simm.s32 @p2 $0x1082  }
0x22: {  	[simem:s7], [sflag:s8] =	dma.local @!p0 [hbm:s6], $0xF7A  }
0x23: {  	s9 =	sor.u32 $0xD0000000, s2;
	s6 =	simm.s32 $0x108;
	_ =	swait.ge @!p0 [sflag:s8], $0x0  }
0x24: {  	s3 =	sadd.s32 $0x88, s3;
	s6 =	simm.s32 @!p1 $0x1082;
	[sflag:s4] =	ssyncset.s32 $0xFFFFF086  }
0x25: {  	[simem:s6], [sflag:s4] =	dma.local [hbm:s3], $0xF7A  }
0x26: {  	[smem:$0x3F98] =	sst s1;
	(tag) =	ssettag s2;
	_ =	strace s9  }
0x27: {  	s1 =	sld [smem:$0x3FA8]  }
0x28: {  	s2 =	sld [smem:$0x3FA9]  }
0x29: {  	s4 =	sld [smem:$0x3FAB]  }
0x2a: {  	p0 =	seq.s32 s5, $0x0;
	s5 =	sld [smem:$0x3FAC]  }
0x2b: {  	s6 =	sld [smem:$0x3FAD]  }
0x2c: {  	s7 =	sld [smem:$0x3FAE]  }
0x2d: {  	s3 =	simm.s32 $0x108;
	s8 =	sld [smem:$0x3FAF]  }
0x2e: {  	s3 =	simm.s32 @!p0 $0x1082;
	s9 =	sld [smem:$0x3FB0]  }
0x2f: {  	lr =	sadd.s32 s0, s3;
	s0 =	sld [smem:$0x3FA7]  }
0x30: {  	s3 =	sld [smem:$0x3FAA]  }
0x31: {  	[smem:$0x3FB3] =	sst s10  }
0x32: {  	s10 =	sld [smem:$0x3FB1];
	_ =	sdelay $0x3  }
0x33: {  	p0 =	seq.s32 s10, $0x1;
	s10 =	sld [smem:$0x3FB3];
	_ =	sdelay $0x3  }
0x34: {  	[smem:$0x3FB3] =	sst s10  }
0x35: {  	s10 =	sld [smem:$0x3FB2];
	_ =	sdelay $0x3  }
0x36: {  	p1 =	seq.s32 s10, $0x1;
	s10 =	sld [smem:$0x3FB3];
	_ =	sdelay $0x3  }
0x37: {  	[smem:$0x3FB3] =	sst s10  }
0x38: {  	s10 =	sld [smem:$0x3FB4]  }
0x39: {  	_ = 	snop;
	(pc) =	sbr.ind lr, $3  }
0x3a: {  	_ = 	snop  }
0x3b: {  	_ = 	snop  }
0x3c: {  	p2 =	seq.s32 s10, $0x1;
	s10 =	sld [smem:$0x3FB3]  }
0x3d: {  	_ =	shalt  }
0x3e: {  	_ =	shalt  }
0x3f: {  	_ =	shalt  }
0x40: {  	_ =	shalt  }
0x41: {  	_ =	shalt  }
0x42: {  	_ =	shalt  }
0x43: {  	_ =	shalt  }
0x44: {  	_ =	shalt  }
0x45: {  	_ =	shalt  }
0x46: {  	_ =	shalt  }
0x47: {  	_ =	shalt  }
0x48: {  	_ =	shalt  }
0x49: {  	_ =	shalt  }
0x4a: {  	_ =	shalt  }
0x4b: {  	_ =	shalt  }
0x4c: {  	_ =	shalt  }
0x4d: {  	_ =	shalt  }
0x4e: {  	_ =	shalt  }
0x4f: {  	_ =	shalt  }
0x50: {  	_ =	shalt  }
0x51: {  	_ =	shalt  }
0x52: {  	_ =	shalt  }
0x53: {  	_ =	shalt  }
0x54: {  	_ =	shalt  }
0x55: {  	_ =	shalt  }
0x56: {  	_ =	shalt  }
0x57: {  	_ =	shalt  }
0x58: {  	_ =	shalt  }
0x59: {  	_ =	shalt  }
0x5a: {  	_ =	shalt  }
0x5b: {  	_ =	shalt  }
0x5c: {  	_ =	shalt  }
0x5d: {  	_ =	shalt  }
0x5e: {  	_ =	shalt  }
0x5f: {  	_ =	shalt  }
0x60: {  	_ =	shalt  }
0x61: {  	_ =	shalt  }
0x62: {  	_ =	shalt  }
0x63: {  	_ =	shalt  }
0x64: {  	_ =	shalt  }
0x65: {  	_ =	shalt  }
0x66: {  	_ =	shalt  }
0x67: {  	_ =	shalt  }
0x68: {  	_ =	shalt  }
0x69: {  	_ =	shalt  }
0x6a: {  	_ =	shalt  }
0x6b: {  	_ =	shalt  }
0x6c: {  	_ =	shalt  }
0x6d: {  	_ =	shalt  }
0x6e: {  	_ =	shalt  }
0x6f: {  	_ =	shalt  }
0x70: {  	_ =	shalt  }
0x71: {  	_ =	shalt  }
0x72: {  	_ =	shalt  }
0x73: {  	_ =	shalt  }
0x74: {  	_ =	shalt  }
0x75: {  	_ =	shalt  }
0x76: {  	_ =	shalt  }
0x77: {  	_ =	shalt  }
0x78: {  	_ =	shalt  }
0x79: {  	_ =	shalt  }
0x7a: {  	_ =	shalt  }
0x7b: {  	_ =	shalt  }
0x7c: {  	_ =	shalt  }
0x7d: {  	_ =	shalt  }
0x7e: {  	_ =	shalt  }
0x7f: {  	_ =	shalt  }
0x80: {  	_ =	shalt  }
0x81: {  	_ =	shalt  }
0x82: {  	_ =	shalt  }
0x83: {  	_ =	shalt  }
0x84: {  	_ =	shalt  }
0x85: {  	_ =	shalt  }
0x86: {  	_ =	shalt  }
0x87: {  	_ =	shalt  }
.Lfunc_end0:
.L_simem_size_0:
called_computation.3_lowered:
.L_overlay_start_0:
0x88: {  	s2 =	sld [smem:$0x3FD9]  }
0x89: {  	s3 =	sld [smem:$0x3FFE];
	_ =	sdelay $0x1  }
0x8a: {  	s1 =	srdreg.scid  }
0x8b: {  	s0 =	sand.u32 $0x1, s1  }
0x8c: {  	s17 =	sshll.u32 s0, $0xA;
	s2 =	sadd.s32 s3, s2  }
0x8d: {  	s2 =	sadd.s32 s2, s17  }
0x8e: {  	[smem:$0x3FBF] =	sst s2  }
0x8f: {  	_ = 	snop  }
0x90: {  	s2 =	sld [smem:$0x3FD0];
	(tm) =	ssettm $0x1  }
0x91: {  	s18 =	sld [smem:$0x3FFB];
	_ =	sdelay $0x3  }
0x92: {  	_ =	strace s18  }
0x93: {  	s3 =	sld [smem:$0x3FFC];
	_ =	sdelay $0x3  }
0x94: {  	_ =	strace s3  }
0x95: {  	s3 =	sld [smem:$0x3FFD];
	_ =	sdelay $0x3  }
0x96: {  	_ =	strace s3  }
0x97: {  	_ =	strace $0x8FFFFFFF  }
0x98: {  	s19 =	sld [smem:$0x3FDB];
	_ =	sdelay $0x1  }
0x99: {  	s4 =	simm.s32 $_scs_section_size  }
0x9a: {  	s5 =	simm.s32 $_size__tile_overlayer_lowered;
	s6 =	simm.s32 $_tile_overlayer_lowered  }
0x9b: {  	s22 =	simm.s32 $0x1BFF;
	s21 =	sshll.u32 s6, $0x1;
	s3 =	sadd.s32 s4, s19  }
0x9c: {  	s7 =	simm.s32 $0x0;
	s20 =	sshll.u32 s5, $0x1;
	s5 =	sadd.s32 s21, s3  }
0x9d: {  	[timem:s7], [sflag:s22] =	dma.local [hbm:s5], s20  }
0x9e: {  	_ =	swait.ge [sflag:s22], s20  }
0x9f: {  	s4 =	ssub.s32 $0x0, s20;
	[sflag:s22] =	ssyncset.done $0x0  }
0xa0: {  	[sflag:s22] =	ssyncadd.s32 s4;
	_ =	sdelay $0x1  }
0xa1: {  	s23 =	simm.s32 $0x1B8B  }
0xa2: {  	_ =	swait.ge [sflag:s23], $0x1  }
0xa3: {  	[sflag:s23] =	ssyncset.done $0x0  }
0xa4: {  	s25 =	simm.s32 $0x1B8E;
	s24 =	sld [smem:$0x3FFE];
	[sflag:s23] =	ssyncadd.s32 $0xFFFFFFFF  }
0xa5: {  	s26 =	simm.s32 $execute0_lowered;
	[smem:$0x3FD2] =	sst s25  }
0xa6: {  	s5 =	sshll.u32 s26, $0x1;
	_ =	strace $0x8000004F;
	[dreg:$0x1] =	wrdreg $0xFFFFFFFF  }
0xa7: {  	s28 =	simm.s32 $_size_execute0_lowered;
	s3 =	sadd.s32 s3, s5;
	[dreg:$0x0] =	wrdreg $0x0  }
0xa8: {  	s5 =	sshll.u32 s28, $0x1;
	[dreg:$0x2] =	wrdreg s3  }
0xa9: {  	[dreg:$0x3] =	wrdreg s5  }
0xaa: {  	[dreg:$0x4] =	wrdreg $0xC0  }
0xab: {  	_ =	task [dreg:s7], $0x5FFFF  }
0xac: {  	[dreg:$0x1] =	wrdreg $0xFFFFFFFF  }
0xad: {  	[dreg:$0x0] =	wrdreg $0x60  }
0xae: {  	[dreg:$0x2] =	wrdreg s2  }
0xaf: {  	[dreg:$0x3] =	wrdreg s24  }
0xb0: {  	[dreg:$0x4] =	wrdreg $0x42800  }
0xb1: {  	[dreg:$0x5] =	wrdreg $0x9  }
0xb2: {  	_ =	task.clear_ibuf [dreg:s7], $0x6FFFF;
	_ =	strace $0x9000004F  }
0xb3: {  	s29 =	simm.s32 $0x9;
	_ =	strace $0x80000051  }
0xb4: {  	_ =	swait.ge [sflag:s29], $0x1  }
0xb5: {  	[sflag:s29] =	ssyncadd.s32 $0xFFFFFFFF  }
0xb6: {  	_ =	strace $0x90000051  }
0xb7: {  	_ =	sfence  }
0xb8: {  	s30 =	sld [smem:$0x0];
	_ =	sdelay $0x2  }
0xb9: {  	s31 =	sshll.u32 s1, $0xD;
	s1 =	sshrl.u32 s1, $0x2  }
0xba: {  	s3 =	sand.u32 $0x4000, s31;
	s1 =	sadd.s32 s1, s30  }
0xbb: {  	s0 =	sor.u32 s3, s0;
	s1 =	sshll.u32 s1, $0x11  }
0xbc: {  	s0 =	sor.u32 s1, s0  }
0xbd: {  	s0 =	sadd.s32 $0x8F2B, s0  }
0xbe: {  	[sflag:s0] =	ssyncadd.remote.s32 $0x1  }
0xbf: {  	_ =	sfence.sel $0xFFFF  }
0xc0: {  	[dreg:$0x0] =	wrdreg $0xFFFFFFFF;
	(pc) =	sbr.abs _section_cstart, $3  }
0xc1: {  	[dreg:$0x1] =	wrdreg $0xFFFFFFFF  }
0xc2: {  	_ =	task.clear_ibuf [dreg:s7], $0x2FFFF;
	_ =	strace $0x9FFFFFFF  }
0xc3: {  	(tm) =	ssettm $0x7FFFFFFF  }
tec
execute0_lowered:
.L_overlay_start_1:
0x0: {  	(tag) =	ssettag $0x1  }
0x1: {  	s1 =	rddreg [dreg:$0x0]  }
0x2: {  	s0 =	rddreg [dreg:$0x1]  }
0x3: {  	s3 =	rddreg [dreg:$0x2]  }
0x4: {  	s2 =	srdreg.scid;
	s11 =	stileid.u32  }
0x5: {  	s4 =	simm.s32 $0x0;
	s17 =	simm.s32 $0x5;
	s18 =	simm.s32 $0x200  }
0x6: {  	s28 =	simm.s32 $0x13A0;
	s29 =	simm.s32 $0x2;
	s30 =	simm.s32 $0x380  }
0x7: {  	s31 =	simm.s32 $0x32E0;
	s2 =	sand.u32 $0x1, s2;
	s5 =	smul.u32 $0x19000, s11  }
0x8: {  	[smem:$0x7FF] =	sst s4;
	s7 =	sadd.s32 $0x9D600, s0;
	s14 =	smul.u32 $0xC800, s11  }
0x9: {  	s13 =	sadd.s32 $0x4200, s0;
	s8 =	sadd.s32 $0x36400, s0;
	s15 =	smul.u32 $0x1900, s11  }
0xa: {  	s21 =	sshll.u32 s11, $0x6;
	s6 =	smul.u32 $0x190000, s2;
	_ =	strace $0x80000050  }
0xb: {  	[dreg:$0x4] =	wrdreg s8;
	s9 =	sshll.u32 s2, $0x4;
	s23 =	smul.u32 $0xC8000, s2  }
0xc: {  	s19 =	ssub.s32 $0x2, s2;
	s2 =	smul.u32 $0x19000, s2;
	s9 =	sor.u32 s11, s9  }
0xd: {  	s20 =	sshrl.u32 s19, $0x1;
	s6 =	sadd.s32 s5, s6;
	s12 =	smul.u32 $0x1900, s9  }
0xe: {  	s8 =	ssub.s32 s19, s20;
	s5 =	sadd.s32 s5, s3;
	s10 =	smul.u32 $0xC800, s9  }
0xf: {  	s26 =	sadd.s32 s2, s13;
	s2 =	sadd.s32 s2, s7;
	s19 =	simm.s32 $0xFA  }
0x10: {  	s20 =	simm.s32 $0x400;
	s6 =	sshrl.u32 s6, $0x3;
	s22 =	smax.u32 s8, $0x1  }
0x11: {  	s16 =	sshrl.u32 s5, $0x3;
	s5 =	simm.s32 $0x0;
	s0 =	sadd.s32 s6, s0  }
0x12: {  	s6 =	sor.u32 $0x1C05, s21;
	[dreg:$0x6] =	wrdreg s22;
	s9 =	sadd.s32 s7, s12  }
0x13: {  	s10 =	sshrl.u32 s10, $0x3;
	s12 =	sadd.s32 s12, s13;
	s0 =	sadd.s32 $0xCF600, s0  }
0x14: {  	s21 =	simm.s32 $0x100;
	s24 =	sadd.s32 s13, s10;
	[dreg:$0x5] =	wrdreg s0  }
0x15: {  	s22 =	simm.s32 $0x300;
	s25 =	sadd.s32 $0x20, s9;
	[dreg:$0x7] =	wrdreg s24  }
0x16: {  	s12 =	sadd.s32 $0x20, s12;
	[dreg:$0x8] =	wrdreg s25;
	s0 =	sadd.s32 s14, s23  }
0x17: {  	s14 =	sadd.s32 s15, s26;
	s15 =	sadd.s32 s15, s2;
	s23 =	simm.s32 $0x2340  }
0x18: {  	s24 =	simm.s32 $0x1;
	s25 =	simm.s32 $0x7D;
	s0 =	sor.u32 $0x200, s0  }
0x19: {  	s26 =	simm.s32 $0x280;
	s2 =	simm.s32 $0x4;
	s0 =	sshrl.u32 s0, $0x3  }
0x1a: {  	s14 =	sadd.s32 $0x60, s14;
	s13 =	sadd.s32 s0, s13;
	s0 =	simm.s32 $0x3  }
.LBB2_1:
0x1b: {  	s7 =	rddreg [dreg:$0x4]  }
0x1c: {  	[spmem:s16], [sflag:s6] =	dma.local [hbm:s7], $0x3200  }
0x1d: {  	_ =	swait.ge [sflag:s17], $0x3200  }
0x1e: {  	[sflag:s17] =	ssyncset.done $0x0  }
0x1f: {  	[sflag:s17] =	ssyncadd.s32 $0xFFFFCE00  }
0x20: {  	[bflag:$0x0] =	sbarrier.arrive $0xFFFF  }
0x21: {  	[tilespmem:s4], [sflag:$0x5] =	stream.linear.gather [hbm4b:s9+s4], $0x100, $0x38;
	[tilespmem:$0x1D280] =	vst v63  }
0x22: {  	_ =	swait.ge [sflag:s17], $0x100  }
0x23: {  	[sflag:s17] =	ssyncset.done $0x0  }
0x24: {  	s8 =	rddreg [dreg:$0x7];
	[sflag:s17] =	ssyncadd.s32 $0xFFFFFF00  }
0x25: {  	[tilespmem:s18], [sflag:$0x5] =	stream.linear.gather [hbm4b:s8+s4], $0x100, $0x38;
	[tilespmem:$0x1D280] =	vst v63  }
0x26: {  	_ =	swait.ge [sflag:s17], $0x100  }
0x27: {  	[sflag:s17] =	ssyncset.done $0x0  }
0x28: {  	[sflag:s17] =	ssyncadd.s32 $0xFFFFFF00  }
0x29: {  	[tilespmem:s20], [sflag:$0x1] =	stream.indirect.gather [hbm4b:s1+s19], $0x20, s4, s19, $0xb8;
	[tilespmem:$0x1D280] =	vst v63  }
0x2a: {  	s10 =	rddreg [dreg:$0x8]  }
0x2b: {  	[tilespmem:s21], [sflag:$0x5] =	stream.linear.gather [hbm4b:s10+s4], $0x100, $0x38;
	[tilespmem:$0x1D280] =	vst v63  }
0x2c: {  	_ =	swait.ge [sflag:s17], $0x100  }
0x2d: {  	[sflag:s17] =	ssyncset.done $0x0  }
0x2e: {  	[sflag:s17] =	ssyncadd.s32 $0xFFFFFF00  }
0x2f: {  	[tilespmem:s22], [sflag:$0x5] =	stream.linear.gather [hbm4b:s12+s4], $0x100, $0x38;
	[tilespmem:$0x1D280] =	vst v63  }
0x30: {  	_ =	swait.ge [sflag:s17], $0x100  }
0x31: {  	[sflag:s17] =	ssyncset.done $0x0  }
0x32: {  	[sflag:s17] =	ssyncadd.s32 $0xFFFFFF00  }
0x33: {  	[tilespmem:s23], [sflag:$0x2] =	stream.indirect.gather [hbm4b:s1+s19], $0x20, s21, s19, $0xb8;
	[tilespmem:$0x1D280] =	vst v63  }
0x34: {  	_ =	swait.ge [sflag:s24], $0x1F40  }
0x35: {  	[sflag:s24] =	ssyncset.done $0x0  }
0x36: {  	[sflag:s24] =	ssyncadd.s32 $0xFFFFE0C0  }
0x37: {  	[spmem:s3] =	stream.indirect.scatter.add.f32 [tilespmem:s20], [sflag:$0x3], $0x20, s18, s25, $0xb8;
	[tilespmem:$0x1D280] =	vst v63  }
0x38: {  	_ = 	snop  }
0x39: {  	[spmem:s3] =	stream.indirect.scatter.add.f32 [tilespmem:s28], [sflag:$0x3], $0x20, s26, s25, $0xb8;
	[tilespmem:$0x1D280] =	vst v63  }
0x3a: {  	_ =	swait.ge [sflag:s29], $0x1F40  }
0x3b: {  	[sflag:s29] =	ssyncset.done $0x0  }
0x3c: {  	[sflag:s29] =	ssyncadd.s32 $0xFFFFE0C0  }
0x3d: {  	[spmem:s3] =	stream.indirect.scatter.add.f32 [tilespmem:s23], [sflag:$0x4], $0x20, s22, s25, $0xb8;
	[tilespmem:$0x1D280] =	vst v63  }
0x3e: {  	_ = 	snop  }
0x3f: {  	[spmem:s3] =	stream.indirect.scatter.add.f32 [tilespmem:s31], [sflag:$0x4], $0x20, s30, s25, $0xb8;
	[tilespmem:$0x1D280] =	vst v63  }
0x40: {  	_ =	swait.ge [sflag:s0], $0xFA0  }
0x41: {  	[sflag:s0] =	ssyncset.done $0x0  }
0x42: {  	[sflag:s0] =	ssyncadd.s32 $0xFFFFF060  }
0x43: {  	_ =	swait.ge [sflag:s0], $0xFA0  }
0x44: {  	s11 =	sadd.s32 $0x0, s15;
	[sflag:s0] =	ssyncset.done $0x0  }
0x45: {  	s8 =	sadd.s32 $0x40, s11;
	[sflag:s0] =	ssyncadd.s32 $0xFFFFF060  }
0x46: {  	[tilespmem:s4], [sflag:$0x5] =	stream.linear.gather [hbm4b:s8+s4], $0x100, $0x38;
	[tilespmem:$0x1D280] =	vst v63  }
0x47: {  	_ =	swait.ge [sflag:s17], $0x100  }
0x48: {  	[sflag:s17] =	ssyncset.done $0x0  }
0x49: {  	s10 =	sadd.s32 $0x0, s13;
	[sflag:s17] =	ssyncadd.s32 $0xFFFFFF00  }
0x4a: {  	[tilespmem:s18], [sflag:$0x5] =	stream.linear.gather [hbm4b:s10+s4], $0x100, $0x38;
	[tilespmem:$0x1D280] =	vst v63  }
0x4b: {  	_ =	swait.ge [sflag:s17], $0x100  }
0x4c: {  	[sflag:s17] =	ssyncset.done $0x0  }
0x4d: {  	[sflag:s17] =	ssyncadd.s32 $0xFFFFFF00  }
0x4e: {  	[tilespmem:s20], [sflag:$0x1] =	stream.indirect.gather [hbm4b:s1+s19], $0x20, s4, s19, $0xb8;
	[tilespmem:$0x1D280] =	vst v63  }
0x4f: {  	_ =	swait.ge [sflag:s2], $0xFA0  }
0x50: {  	[sflag:s2] =	ssyncset.done $0x0  }
0x51: {  	[sflag:s2] =	ssyncadd.s32 $0xFFFFF060  }
0x52: {  	_ =	swait.ge [sflag:s2], $0xFA0  }
0x53: {  	[sflag:s2] =	ssyncset.done $0x0  }
0x54: {  	s7 =	sadd.s32 $0x60, s11;
	[sflag:s2] =	ssyncadd.s32 $0xFFFFF060  }
0x55: {  	[tilespmem:s21], [sflag:$0x5] =	stream.linear.gather [hbm4b:s7+s4], $0x100, $0x38;
	[tilespmem:$0x1D280] =	vst v63  }
0x56: {  	_ =	swait.ge [sflag:s17], $0x100  }
0x57: {  	[sflag:s17] =	ssyncset.done $0x0  }
0x58: {  	s11 =	sadd.s32 $0x0, s14;
	[sflag:s17] =	ssyncadd.s32 $0xFFFFFF00  }
0x59: {  	[tilespmem:s22], [sflag:$0x5] =	stream.linear.gather [hbm4b:s11+s4], $0x100, $0x38;
	[tilespmem:$0x1D280] =	vst v63  }
0x5a: {  	_ =	swait.ge [sflag:s17], $0x100  }
0x5b: {  	[sflag:s17] =	ssyncset.done $0x0  }
0x5c: {  	[sflag:s17] =	ssyncadd.s32 $0xFFFFFF00  }
0x5d: {  	[tilespmem:s23], [sflag:$0x2] =	stream.indirect.gather [hbm4b:s1+s19], $0x20, s21, s19, $0xb8;
	[tilespmem:$0x1D280] =	vst v63  }
0x5e: {  	_ =	swait.ge [sflag:s24], $0x1F40  }
0x5f: {  	[sflag:s24] =	ssyncset.done $0x0  }
0x60: {  	[sflag:s24] =	ssyncadd.s32 $0xFFFFE0C0  }
0x61: {  	[spmem:s3] =	stream.indirect.scatter.add.f32 [tilespmem:s20], [sflag:$0x3], $0x20, s18, s25, $0xb8;
	[tilespmem:$0x1D280] =	vst v63  }
0x62: {  	_ = 	snop  }
0x63: {  	[spmem:s3] =	stream.indirect.scatter.add.f32 [tilespmem:s28], [sflag:$0x3], $0x20, s26, s25, $0xb8;
	[tilespmem:$0x1D280] =	vst v63  }
0x64: {  	_ =	swait.ge [sflag:s29], $0x1F40  }
0x65: {  	[sflag:s29] =	ssyncset.done $0x0  }
0x66: {  	s7 =	simm.s32 $0x40;
	[sflag:s29] =	ssyncadd.s32 $0xFFFFE0C0  }
0x67: {  	[spmem:s3] =	stream.indirect.scatter.add.f32 [tilespmem:s23], [sflag:$0x4], $0x20, s22, s25, $0xb8;
	[tilespmem:$0x1D280] =	vst v63  }
.LBB2_2:
0x68: {  	[spmem:s3] =	stream.indirect.scatter.add.f32 [tilespmem:s31], [sflag:$0x4], $0x20, s30, s25, $0xb8;
	[tilespmem:$0x1D280] =	vst v63  }
0x69: {  	s8 =	smov.u32 s7  }
0x6a: {  	p0 =	sne.s32 s7, $0x1880;
	s7 =	sadd.s32 $0x40, s7;
	_ =	swait.ge [sflag:s0], $0xFA0  }
0x6b: {  	[sflag:s0] =	ssyncset.done $0x0  }
0x6c: {  	[sflag:s0] =	ssyncadd.s32 $0xFFFFF060  }
0x6d: {  	_ =	swait.ge [sflag:s0], $0xFA0  }
0x6e: {  	s10 =	sadd.s32 s8, s15;
	[sflag:s0] =	ssyncset.done $0x0  }
0x6f: {  	s11 =	sadd.s32 $0x40, s10;
	[sflag:s0] =	ssyncadd.s32 $0xFFFFF060  }
0x70: {  	[tilespmem:s4], [sflag:$0x5] =	stream.linear.gather [hbm4b:s11+s4], $0x100, $0x38;
	[tilespmem:$0x1D280] =	vst v63  }
0x71: {  	_ =	swait.ge [sflag:s17], $0x100  }
0x72: {  	[sflag:s17] =	ssyncset.done $0x0  }
0x73: {  	s11 =	sadd.s32 s8, s13;
	[sflag:s17] =	ssyncadd.s32 $0xFFFFFF00  }
0x74: {  	[tilespmem:s18], [sflag:$0x5] =	stream.linear.gather [hbm4b:s11+s4], $0x100, $0x38;
	[tilespmem:$0x1D280] =	vst v63  }
0x75: {  	_ =	swait.ge [sflag:s17], $0x100  }
0x76: {  	[sflag:s17] =	ssyncset.done $0x0  }
0x77: {  	[sflag:s17] =	ssyncadd.s32 $0xFFFFFF00  }
0x78: {  	[tilespmem:s20], [sflag:$0x1] =	stream.indirect.gather [hbm4b:s1+s19], $0x20, s4, s19, $0xb8;
	[tilespmem:$0x1D280] =	vst v63  }
0x79: {  	_ =	swait.ge [sflag:s2], $0xFA0  }
0x7a: {  	[sflag:s2] =	ssyncset.done $0x0  }
0x7b: {  	[sflag:s2] =	ssyncadd.s32 $0xFFFFF060  }
0x7c: {  	_ =	swait.ge [sflag:s2], $0xFA0  }
0x7d: {  	[sflag:s2] =	ssyncset.done $0x0  }
0x7e: {  	s10 =	sadd.s32 $0x60, s10;
	[sflag:s2] =	ssyncadd.s32 $0xFFFFF060  }
0x7f: {  	[tilespmem:s21], [sflag:$0x5] =	stream.linear.gather [hbm4b:s10+s4], $0x100, $0x38;
	[tilespmem:$0x1D280] =	vst v63  }
0x80: {  	_ =	swait.ge [sflag:s17], $0x100  }
0x81: {  	[sflag:s17] =	ssyncset.done $0x0  }
0x82: {  	s8 =	sadd.s32 s8, s14;
	[sflag:s17] =	ssyncadd.s32 $0xFFFFFF00  }
0x83: {  	[tilespmem:s22], [sflag:$0x5] =	stream.linear.gather [hbm4b:s8+s4], $0x100, $0x38;
	[tilespmem:$0x1D280] =	vst v63  }
0x84: {  	_ =	swait.ge [sflag:s17], $0x100  }
0x85: {  	[sflag:s17] =	ssyncset.done $0x0  }
0x86: {  	[sflag:s17] =	ssyncadd.s32 $0xFFFFFF00  }
0x87: {  	[tilespmem:s23], [sflag:$0x2] =	stream.indirect.gather [hbm4b:s1+s19], $0x20, s21, s19, $0xb8;
	[tilespmem:$0x1D280] =	vst v63  }
0x88: {  	_ =	swait.ge [sflag:s24], $0x1F40  }
0x89: {  	[sflag:s24] =	ssyncset.done $0x0  }
0x8a: {  	[sflag:s24] =	ssyncadd.s32 $0xFFFFE0C0  }
0x8b: {  	[spmem:s3] =	stream.indirect.scatter.add.f32 [tilespmem:s20], [sflag:$0x3], $0x20, s18, s25, $0xb8;
	[tilespmem:$0x1D280] =	vst v63  }
0x8c: {  	_ = 	snop  }
0x8d: {  	[spmem:s3] =	stream.indirect.scatter.add.f32 [tilespmem:s28], [sflag:$0x3], $0x20, s26, s25, $0xb8;
	[tilespmem:$0x1D280] =	vst v63  }
.Ltmp0:
0x8e: {  	_ = 	snop;
	(pc) =	sbr.rel @p0 .LBB2_2-.Ltmp0, $4  }
0x8f: {  	_ =	swait.ge [sflag:s29], $0x1F40  }
0x90: {  	[sflag:s29] =	ssyncset.done $0x0  }
0x91: {  	[sflag:s29] =	ssyncadd.s32 $0xFFFFE0C0  }
0x92: {  	[spmem:s3] =	stream.indirect.scatter.add.f32 [tilespmem:s23], [sflag:$0x4], $0x20, s22, s25, $0xb8;
	[tilespmem:$0x1D280] =	vst v63  }
0x93: {  	[spmem:s3] =	stream.indirect.scatter.add.f32 [tilespmem:s31], [sflag:$0x4], $0x20, s30, s25, $0xb8;
	[tilespmem:$0x1D280] =	vst v63  }
0x94: {  	_ =	swait.ge [sflag:s0], $0xFA0  }
0x95: {  	[sflag:s0] =	ssyncset.done $0x0  }
0x96: {  	[sflag:s0] =	ssyncadd.s32 $0xFFFFF060  }
0x97: {  	_ =	swait.ge [sflag:s0], $0xFA0  }
0x98: {  	[sflag:s0] =	ssyncset.done $0x0  }
0x99: {  	[sflag:s0] =	ssyncadd.s32 $0xFFFFF060  }
0x9a: {  	_ =	swait.ge [sflag:s2], $0xFA0  }
0x9b: {  	[sflag:s2] =	ssyncset.done $0x0  }
0x9c: {  	[sflag:s2] =	ssyncadd.s32 $0xFFFFF060  }
0x9d: {  	_ =	swait.ge [sflag:s2], $0xFA0  }
0x9e: {  	[sflag:s2] =	ssyncset.done $0x0  }
0x9f: {  	[sflag:s2] =	ssyncadd.s32 $0xFFFFF060  }
0xa0: {  	[bflag:$0x0] =	sbarrier.arrive $0xFFFF  }
0xa1: {  	s7 =	rddreg [dreg:$0x5]  }
0xa2: {  	[hbm:s7], [sflag:s6] =	dma.local [spmem:s16], $0x3200  }
0xa3: {  	_ =	swait.ge [sflag:s17], $0x3200  }
0xa4: {  	s5 =	sadd.s32 $0x1, s5;
	s11 =	rddreg [dreg:$0x6]  }
0xa5: {  	p0 =	sne.s32 s5, s11  }
.Ltmp1:
0xa6: {  	_ = 	snop;
	(pc) =	sbr.rel @p0 .LBB2_1-.Ltmp1, $3  }
0xa7: {  	_ =	sdelay $0x1  }
0xa8: {  	[sflag:s17] =	ssyncset.done $0x0  }
0xa9: {  	[sflag:s17] =	ssyncadd.s32 $0xFFFFCE00  }
0xaa: {  	_ =	sfence.sel $0x180000  }
0xab: {  	[bflag:$0x0] =	sbarrier.arrive $0xFFFF  }
0xac: {  	_ =	strace $0x90000050  }
0xad: {  	s0 =	stileid.u32;
	[bflag:$0x2] =	sbarrier.arrive $0xFFFF  }
0xae: {  	p0 =	sne.s32 s0, $0x0;
	s0 =	rddreg [dreg:$0x3]  }
0xaf: {  	s0 =	sadd.s32 @!p0 $0x100000, s0  }
0xb0: {  	[sflag:s0] =	ssyncadd.tile.s32 @!p0 $0x1;
	_ =	shalt  }
.Lfunc_end2:
_tile_overlayer_lowered:
.L_overlay_start_2:
0xb1: {  	(tag) =	ssettag $0x2  }
0xb2: {  	s0 =	rddreg [dreg:$0x0];
	s2 =	stileid.u32  }
0xb3: {  	s1 =	rddreg [dreg:$0x1];
	p0 =	sne.s32 s2, $0x0  }
0xb4: {  	s3 =	rddreg [dreg:$0x2];
	[bflag:$0x3] =	sbarrier.arrive $0xFFFF;
	s2 =	simm.s32 @!p0 $0x1C05  }
0xb5: {  	[timem:s3], [sflag:s2] =	dma.local @!p0 [hbm:s0], s1  }
0xb6: {  	s0 =	simm.s32 @!p0 $0x5  }
0xb7: {  	_ =	swait.ge @!p0 [sflag:s0], s1  }
0xb8: {  	s1 =	ssub.s32 @!p0 $0x0, s1;
	[sflag:s0] =	ssyncset.done @!p0 $0x0  }
0xb9: {  	[sflag:s0] =	ssyncadd.s32 @!p0 s1  }
0xba: {  	[bflag:$0x3] =	sbarrier.arrive $0xFFFF  }
0xbb: {  	_ =	shalt  }

</sc_bundles>
